<compile_context>
chip_gen: v7x
topology: tpu7x:2x2x1
jax: 0.10.2.dev20260603
libtpu: 0.0.44.dev20260713+nightly
codegen_flags: <defaults>
</compile_context>

<pallas_src>
import jax
import jax.numpy as jnp
from jax import lax
from jax.experimental import pallas as pl
from jax.experimental.pallas import tpu as pltpu
from jax.experimental.pallas import tpu_sc as plsc

_B = 16384
_F = 64
_L = 16
_NC = 2
_NS = 16
_NW = _NC * _NS
_PER_W = _B // _NW
_PH = 128
_NPH = _PER_W // _PH

_mesh = plsc.VectorSubcoreMesh(core_axis_name="c", subcore_axis_name="s")


def _scalar(vec, j):
    return lax.squeeze(lax.slice_in_dim(vec, j, j + 1), (0,))


def _sc_body(x_hbm, lab_hbm, cen_hbm, out_hbm,
             idx_v, x0_v, x1_v, rows0_v, rows1_v, acc_v,
             sem0, sem1, xsem0, xsem1):
    wid = lax.axis_index("s") * _NC + lax.axis_index("c")
    base = wid * _PER_W
    rbufs = (rows0_v, rows1_v)
    xbufs = (x0_v, x1_v)
    sems = (sem0, sem1)
    xsems = (xsem0, xsem1)

    pltpu.sync_copy(lab_hbm.at[pl.ds(base, _PER_W)], idx_v)

    def fire(p):
        buf, sem = rbufs[p % 2], sems[p % 2]

        @pl.loop(0, _PH // _L)
        def _(ch):
            lv = idx_v[pl.ds(p * _PH + ch * _L, _L)]
            for j in range(_L):
                l = _scalar(lv, j)
                t = lax.shift_right_logical(l, 3)
                q = jnp.bitwise_and(l, 7)
                pltpu.async_copy(cen_hbm.at[t, q], buf.at[ch * _L + j], sem)

    def fire_x(p):
        return pltpu.make_async_copy(
            x_hbm.at[pl.ds(base + p * _PH, _PH)], xbufs[p % 2], xsems[p % 2]
        )

    fire(0)
    fire_x(0).start()

    acc = jnp.zeros((_L,), jnp.float32)
    for p in range(_NPH):
        if p + 1 < _NPH:
            fire(p + 1)
            fire_x(p + 1).start()
        rbuf, sem, xbuf = rbufs[p % 2], sems[p % 2], xbufs[p % 2]

        @pl.loop(0, _PH)
        def _(r):
            pltpu.make_async_copy(cen_hbm.at[0, 0], rbuf.at[0], sem).wait()

        fire_x(p).wait()

        def pair_body(i, acc):
            for k in range(2):
                r = i * 2 + k
                for cc in range(_F // _L):
                    xv = xbuf[r, pl.ds(cc * _L, _L)]
                    cv = rbuf[r, pl.ds(cc * _L, _L)]
                    d = xv - cv
                    acc = acc + d * d
            return acc

        acc = lax.fori_loop(0, _PH // 2, pair_body, acc)

    acc_v[...] = acc * (0.5 / _B)
    pltpu.sync_copy(acc_v, out_hbm.at[wid])


@jax.jit
def kernel(x, labels, centers):
    labels = labels.astype(jnp.int32)
    centers = centers.reshape(-1, 8, _F)
    run = pl.kernel(
        _sc_body,
        out_type=jax.ShapeDtypeStruct((_NW, _L), jnp.float32),
        mesh=_mesh,
        compiler_params=pltpu.CompilerParams(needs_layout_passes=False),
        scratch_types=[
            pltpu.VMEM((_PER_W,), jnp.int32),
            pltpu.VMEM((_PH, _F), jnp.float32),
            pltpu.VMEM((_PH, _F), jnp.float32),
            pltpu.VMEM((_PH, _F), jnp.float32),
            pltpu.VMEM((_PH, _F), jnp.float32),
            pltpu.VMEM((_L,), jnp.float32),
            pltpu.SemaphoreType.DMA,
            pltpu.SemaphoreType.DMA,
            pltpu.SemaphoreType.DMA,
            pltpu.SemaphoreType.DMA,
        ],
    )
    partials = run(x, labels, centers)
    return jnp.sum(partials)

# --- scband reference (transcript-rebuilt; emitter-appended) ---
"""Pipeline reference for scband-center-loss-56023553409312 (READ-ONLY COPY).

The authoritative reference and input builder live on the scoring server;
editing this copy changes nothing except your own understanding.
"""

import jax, jax.numpy as jnp
import numpy as np

NUM_CLASSES = 100000
FEAT = 64
BATCH = 16384


def setup_inputs(seed: int = 0) -> dict:
    key = jax.random.key(seed)
    k_x, k_lab, k_c = jax.random.split(key, 3)
    x = jax.random.normal(k_x, (BATCH, FEAT), dtype=jnp.float32)
    labels = jax.random.randint(k_lab, (BATCH,), 0, NUM_CLASSES, dtype=jnp.int64)
    centers = jax.random.normal(k_c, (NUM_CLASSES, FEAT), dtype=jnp.float32)
    return {"x": x, "labels": labels, "centers": centers}


def reference(x, labels, centers):
    # torch.gather(centers, dim=0, index=labels.unsqueeze(-1).expand(B, feat))
    # is equivalent to a row-gather: centers[labels]
    batch_size = x.shape[0]
    coords = jnp.take(centers, labels, axis=0)
    loss = jnp.sum(jnp.square(x - coords)) / batch_size / 2.0
    return loss

if __name__ == "__main__":
    import jax
    _d = setup_inputs()
    print(jax.jit(kernel)(*tuple(_d.values())))

</pallas_src>

<mosaic_0001>
#map = affine_map<(d0, d1) -> (0, 0)>
#map1 = affine_map<(d0, d1) -> (0)>
#map2 = affine_map<(d0, d1) -> (0, 0, 0)>
module attributes {stable_mosaic.version = 14 : i64} {
  func.func @_sc_body(%arg0: i32, %arg1: i32, %arg2: memref<16384x64xf32, #tpu.memory_space<hbm>>, %arg3: memref<16384xi32, #tpu.memory_space<hbm>>, %arg4: memref<12500x8x64xf32, #tpu.memory_space<hbm>>, %arg5: memref<32x16xf32, #tpu.memory_space<hbm>>, %arg6: memref<512xi32, #tpu.memory_space<vmem>>, %arg7: memref<128x64xf32, #tpu.memory_space<vmem>>, %arg8: memref<128x64xf32, #tpu.memory_space<vmem>>, %arg9: memref<128x64xf32, #tpu.memory_space<vmem>>, %arg10: memref<128x64xf32, #tpu.memory_space<vmem>>, %arg11: memref<16xf32, #tpu.memory_space<vmem>>, %arg12: memref<!tpu.dma_semaphore, #tpu.memory_space<semaphore_mem>>, %arg13: memref<!tpu.dma_semaphore, #tpu.memory_space<semaphore_mem>>, %arg14: memref<!tpu.dma_semaphore, #tpu.memory_space<semaphore_mem>>, %arg15: memref<!tpu.dma_semaphore, #tpu.memory_space<semaphore_mem>>) attributes {dimension_semantics = [#tpu.dimension_semantics<core_parallel>, #tpu.dimension_semantics<subcore_parallel>], iteration_bounds = array<i64: 2, 16>, scalar_prefetch = 0 : i64, scratch_operands = 10 : i64, tpu.core_type = #tpu.core_type<sc_vector_subcore>, window_params = [{transform_indices = #map}, {transform_indices = #map1}, {transform_indices = #map2}, {transform_indices = #map}]} {
    %mul3A = arith.constant 2 : i32
    %mul3A_0 = arith.muli %arg1, %mul3A : i32
    %add3A = arith.addi %mul3A_0, %arg0 : i32
    %mul3A_1 = arith.constant 512 : i32
    %mul3A_2 = arith.muli %add3A, %mul3A_1 : i32
    "tpu.region"() ({
      %run_scoped3A = tpu.sem_alloc : memref<!tpu.dma_semaphore, #tpu.memory_space<semaphore_mem>>
      %dma_start3A_117 = tpu.memref_slice %arg3[%mul3A_2] : memref<16384xi32, #tpu.memory_space<hbm>> -> memref<512xi32, #tpu.memory_space<hbm>>
      %dma_start3A_118 = tpu.memref_slice %arg3[%mul3A_2] : memref<16384xi32, #tpu.memory_space<hbm>> -> memref<512xi32, #tpu.memory_space<hbm>>
      tpu.enqueue_dma source(%dma_start3A_118 : memref<512xi32, #tpu.memory_space<hbm>>) target(%arg6 : memref<512xi32, #tpu.memory_space<vmem>>) target_semaphore(%run_scoped3A : memref<!tpu.dma_semaphore, #tpu.memory_space<semaphore_mem>>)
      %dma_wait3A_119 = tpu.memref_slice %arg3[%mul3A_2] : memref<16384xi32, #tpu.memory_space<hbm>> -> memref<512xi32, #tpu.memory_space<hbm>>
      %dma_wait3A_120 = tpu.memref_slice %arg3[%mul3A_2] : memref<16384xi32, #tpu.memory_space<hbm>> -> memref<512xi32, #tpu.memory_space<hbm>>
      tpu.wait_dma2 semaphore(%run_scoped3A : memref<!tpu.dma_semaphore, #tpu.memory_space<semaphore_mem>>) src(%dma_wait3A_120 : memref<512xi32, #tpu.memory_space<hbm>>) dst(%arg6 : memref<512xi32, #tpu.memory_space<vmem>>)
      tpu.yield
    }) : () -> ()
    %scan3A = arith.constant 0 : i32
    %scan3A_3 = arith.constant 8 : i32
    %scan3A_4 = arith.addi %scan3A, %scan3A_3 : i32
    %scan3A_5 = arith.constant 1 : i32
    scf.for %scan3A_117 = %scan3A to %scan3A_4 step %scan3A_5  : i32 {
      %mul3A_118 = arith.constant 1 : i32
      %mul3A_119 = arith.muli %scan3A_117, %mul3A_118 : i32
      %add3A_120 = arith.constant 0 : i32
      %add3A_121 = arith.addi %add3A_120, %mul3A_119 : i32
      %mul3A_122 = arith.constant 16 : i32
      %mul3A_123 = arith.muli %add3A_121, %mul3A_122 : i32
      %add3A_124 = arith.constant 0 : i32
      %add3A_125 = arith.addi %add3A_124, %mul3A_123 : i32
      %get3A = arith.index_cast %add3A_125 : i32 to index
      %get3A_126 = tpu.vector_load %arg6[%get3A] {strides = array<i32>} : memref<512xi32, #tpu.memory_space<vmem>>, vector<16xi32>,
      %slice3A = vector.extract_strided_slice %get3A_126 {offsets = [0], sizes = [1], strides = [1]} : vector<16xi32> to vector<1xi32>
      %squeeze3A = vector.extract %slice3A[0] : i32 from vector<1xi32>
      %shift_right_logical3A = arith.constant 3 : i32
      %shift_right_logical3A_127 = arith.shrui %squeeze3A, %shift_right_logical3A : i32
      %and3A = arith.constant 7 : i32
      %and3A_128 = arith.andi %squeeze3A, %and3A : i32
      %mul3A_129 = arith.constant 16 : i32
      %mul3A_130 = arith.muli %add3A_121, %mul3A_129 : i32
      %add3A_131 = arith.constant 0 : i32
      %add3A_132 = arith.addi %mul3A_130, %add3A_131 : i32
      %dma_start3A_133 = arith.constant 0 : i32
      %dma_start3A_134 = tpu.memref_slice %arg9[%add3A_132, %dma_start3A_133] : memref<128x64xf32, #tpu.memory_space<vmem>> -> memref<1x64xf32, #tpu.memory_space<vmem>>
      %dma_start3A_135 = tpu.memref_squeeze %dma_start3A_134 : memref<1x64xf32, #tpu.memory_space<vmem>> -> memref<64xf32, #tpu.memory_space<vmem>>
      %dma_start3A_136 = arith.constant 0 : i32
      %dma_start3A_137 = tpu.memref_slice %arg4[%shift_right_logical3A_127, %and3A_128, %dma_start3A_136] : memref<12500x8x64xf32, #tpu.memory_space<hbm>> -> memref<1x1x64xf32, #tpu.memory_space<hbm>>
      %dma_start3A_138 = tpu.memref_squeeze %dma_start3A_137 : memref<1x1x64xf32, #tpu.memory_space<hbm>> -> memref<64xf32, #tpu.memory_space<hbm>>
      %dma_start3A_139 = arith.constant 0 : i32
      %dma_start3A_140 = tpu.memref_slice %arg9[%add3A_132, %dma_start3A_139] : memref<128x64xf32, #tpu.memory_space<vmem>> -> memref<1x64xf32, #tpu.memory_space<vmem>>
      %dma_start3A_141 = tpu.memref_squeeze %dma_start3A_140 : memref<1x64xf32, #tpu.memory_space<vmem>> -> memref<64xf32, #tpu.memory_space<vmem>>
      %dma_start3A_142 = arith.constant 0 : i32
      %dma_start3A_143 = tpu.memref_slice %arg4[%shift_right_logical3A_127, %and3A_128, %dma_start3A_142] : memref<12500x8x64xf32, #tpu.memory_space<hbm>> -> memref<1x1x64xf32, #tpu.memory_space<hbm>>
      %dma_start3A_144 = tpu.memref_squeeze %dma_start3A_143 : memref<1x1x64xf32, #tpu.memory_space<hbm>> -> memref<64xf32, #tpu.memory_space<hbm>>
      tpu.enqueue_dma source(%dma_start3A_144 : memref<64xf32, #tpu.memory_space<hbm>>) target(%dma_start3A_141 : memref<64xf32, #tpu.memory_space<vmem>>) target_semaphore(%arg12 : memref<!tpu.dma_semaphore, #tpu.memory_space<semaphore_mem>>)
      %slice3A_145 = vector.extract_strided_slice %get3A_126 {offsets = [1], sizes = [1], strides = [1]} : vector<16xi32> to vector<1xi32>
      %squeeze3A_146 = vector.extract %slice3A_145[0] : i32 from vector<1xi32>
      %shift_right_logical3A_147 = arith.constant 3 : i32
      %shift_right_logical3A_148 = arith.shrui %squeeze3A_146, %shift_right_logical3A_147 : i32
      %and3A_149 = arith.constant 7 : i32
      %and3A_150 = arith.andi %squeeze3A_146, %and3A_149 : i32
      %mul3A_151 = arith.constant 16 : i32
      %mul3A_152 = arith.muli %add3A_121, %mul3A_151 : i32
      %add3A_153 = arith.constant 1 : i32
      %add3A_154 = arith.addi %mul3A_152, %add3A_153 : i32
      %dma_start3A_155 = arith.constant 0 : i32
      %dma_start3A_156 = tpu.memref_slice %arg9[%add3A_154, %dma_start3A_155] : memref<128x64xf32, #tpu.memory_space<vmem>> -> memref<1x64xf32, #tpu.memory_space<vmem>>
      %dma_start3A_157 = tpu.memref_squeeze %dma_start3A_156 : memref<1x64xf32, #tpu.memory_space<vmem>> -> memref<64xf32, #tpu.memory_space<vmem>>
      %dma_start3A_158 = arith.constant 0 : i32
      %dma_start3A_159 = tpu.memref_slice %arg4[%shift_right_logical3A_148, %and3A_150, %dma_start3A_158] : memref<12500x8x64xf32, #tpu.memory_space<hbm>> -> memref<1x1x64xf32, #tpu.memory_space<hbm>>
      %dma_start3A_160 = tpu.memref_squeeze %dma_start3A_159 : memref<1x1x64xf32, #tpu.memory_space<hbm>> -> memref<64xf32, #tpu.memory_space<hbm>>
      %dma_start3A_161 = arith.constant 0 : i32
      %dma_start3A_162 = tpu.memref_slice %arg9[%add3A_154, %dma_start3A_161] : memref<128x64xf32, #tpu.memory_space<vmem>> -> memref<1x64xf32, #tpu.memory_space<vmem>>
      %dma_start3A_163 = tpu.memref_squeeze %dma_start3A_162 : memref<1x64xf32, #tpu.memory_space<vmem>> -> memref<64xf32, #tpu.memory_space<vmem>>
      %dma_start3A_164 = arith.constant 0 : i32
      %dma_start3A_165 = tpu.memref_slice %arg4[%shift_right_logical3A_148, %and3A_150, %dma_start3A_164] : memref<12500x8x64xf32, #tpu.memory_space<hbm>> -> memref<1x1x64xf32, #tpu.memory_space<hbm>>
      %dma_start3A_166 = tpu.memref_squeeze %dma_start3A_165 : memref<1x1x64xf32, #tpu.memory_space<hbm>> -> memref<64xf32, #tpu.memory_space<hbm>>
      tpu.enqueue_dma source(%dma_start3A_166 : memref<64xf32, #tpu.memory_space<hbm>>) target(%dma_start3A_163 : memref<64xf32, #tpu.memory_space<vmem>>) target_semaphore(%arg12 : memref<!tpu.dma_semaphore, #tpu.memory_space<semaphore_mem>>)
      %slice3A_167 = vector.extract_strided_slice %get3A_126 {offsets = [2], sizes = [1], strides = [1]} : vector<16xi32> to vector<1xi32>
      %squeeze3A_168 = vector.extract %slice3A_167[0] : i32 from vector<1xi32>
      %shift_right_logical3A_169 = arith.constant 3 : i32
      %shift_right_logical3A_170 = arith.shrui %squeeze3A_168, %shift_right_logical3A_169 : i32
      %and3A_171 = arith.constant 7 : i32
      %and3A_172 = arith.andi %squeeze3A_168, %and3A_171 : i32
      %mul3A_173 = arith.constant 16 : i32
      %mul3A_174 = arith.muli %add3A_121, %mul3A_173 : i32
      %add3A_175 = arith.constant 2 : i32
      %add3A_176 = arith.addi %mul3A_174, %add3A_175 : i32
      %dma_start3A_177 = arith.constant 0 : i32
      %dma_start3A_178 = tpu.memref_slice %arg9[%add3A_176, %dma_start3A_177] : memref<128x64xf32, #tpu.memory_space<vmem>> -> memref<1x64xf32, #tpu.memory_space<vmem>>
      %dma_start3A_179 = tpu.memref_squeeze %dma_start3A_178 : memref<1x64xf32, #tpu.memory_space<vmem>> -> memref<64xf32, #tpu.memory_space<vmem>>
      %dma_start3A_180 = arith.constant 0 : i32
      %dma_start3A_181 = tpu.memref_slice %arg4[%shift_right_logical3A_170, %and3A_172, %dma_start3A_180] : memref<12500x8x64xf32, #tpu.memory_space<hbm>> -> memref<1x1x64xf32, #tpu.memory_space<hbm>>
      %dma_start3A_182 = tpu.memref_squeeze %dma_start3A_181 : memref<1x1x64xf32, #tpu.memory_space<hbm>> -> memref<64xf32, #tpu.memory_space<hbm>>
      %dma_start3A_183 = arith.constant 0 : i32
      %dma_start3A_184 = tpu.memref_slice %arg9[%add3A_176, %dma_start3A_183] : memref<128x64xf32, #tpu.memory_space<vmem>> -> memref<1x64xf32, #tpu.memory_space<vmem>>
      %dma_start3A_185 = tpu.memref_squeeze %dma_start3A_184 : memref<1x64xf32, #tpu.memory_space<vmem>> -> memref<64xf32, #tpu.memory_space<vmem>>
      %dma_start3A_186 = arith.constant 0 : i32
      %dma_start3A_187 = tpu.memref_slice %arg4[%shift_right_logical3A_170, %and3A_172, %dma_start3A_186] : memref<12500x8x64xf32, #tpu.memory_space<hbm>> -> memref<1x1x64xf32, #tpu.memory_space<hbm>>
      %dma_start3A_188 = tpu.memref_squeeze %dma_start3A_187 : memref<1x1x64xf32, #tpu.memory_space<hbm>> -> memref<64xf32, #tpu.memory_space<hbm>>
      tpu.enqueue_dma source(%dma_start3A_188 : memref<64xf32, #tpu.memory_space<hbm>>) target(%dma_start3A_185 : memref<64xf32, #tpu.memory_space<vmem>>) target_semaphore(%arg12 : memref<!tpu.dma_semaphore, #tpu.memory_space<semaphore_mem>>)
      %slice3A_189 = vector.extract_strided_slice %get3A_126 {offsets = [3], sizes = [1], strides = [1]} : vector<16xi32> to vector<1xi32>
      %squeeze3A_190 = vector.extract %slice3A_189[0] : i32 from vector<1xi32>
      %shift_right_logical3A_191 = arith.constant 3 : i32
      %shift_right_logical3A_192 = arith.shrui %squeeze3A_190, %shift_right_logical3A_191 : i32
      %and3A_193 = arith.constant 7 : i32
      %and3A_194 = arith.andi %squeeze3A_190, %and3A_193 : i32
      %mul3A_195 = arith.constant 16 : i32
      %mul3A_196 = arith.muli %add3A_121, %mul3A_195 : i32
      %add3A_197 = arith.constant 3 : i32
      %add3A_198 = arith.addi %mul3A_196, %add3A_197 : i32
      %dma_start3A_199 = arith.constant 0 : i32
      %dma_start3A_200 = tpu.memref_slice %arg9[%add3A_198, %dma_start3A_199] : memref<128x64xf32, #tpu.memory_space<vmem>> -> memref<1x64xf32, #tpu.memory_space<vmem>>
      %dma_start3A_201 = tpu.memref_squeeze %dma_start3A_200 : memref<1x64xf32, #tpu.memory_space<vmem>> -> memref<64xf32, #tpu.memory_space<vmem>>
      %dma_start3A_202 = arith.constant 0 : i32
      %dma_start3A_203 = tpu.memref_slice %arg4[%shift_right_logical3A_192, %and3A_194, %dma_start3A_202] : memref<12500x8x64xf32, #tpu.memory_space<hbm>> -> memref<1x1x64xf32, #tpu.memory_space<hbm>>
      %dma_start3A_204 = tpu.memref_squeeze %dma_start3A_203 : memref<1x1x64xf32, #tpu.memory_space<hbm>> -> memref<64xf32, #tpu.memory_space<hbm>>
      %dma_start3A_205 = arith.constant 0 : i32
      %dma_start3A_206 = tpu.memref_slice %arg9[%add3A_198, %dma_start3A_205] : memref<128x64xf32, #tpu.memory_space<vmem>> -> memref<1x64xf32, #tpu.memory_space<vmem>>
      %dma_start3A_207 = tpu.memref_squeeze %dma_start3A_206 : memref<1x64xf32, #tpu.memory_space<vmem>> -> memref<64xf32, #tpu.memory_space<vmem>>
      %dma_start3A_208 = arith.constant 0 : i32
      %dma_start3A_209 = tpu.memref_slice %arg4[%shift_right_logical3A_192, %and3A_194, %dma_start3A_208] : memref<12500x8x64xf32, #tpu.memory_space<hbm>> -> memref<1x1x64xf32, #tpu.memory_space<hbm>>
      %dma_start3A_210 = tpu.memref_squeeze %dma_start3A_209 : memref<1x1x64xf32, #tpu.memory_space<hbm>> -> memref<64xf32, #tpu.memory_space<hbm>>
      tpu.enqueue_dma source(%dma_start3A_210 : memref<64xf32, #tpu.memory_space<hbm>>) target(%dma_start3A_207 : memref<64xf32, #tpu.memory_space<vmem>>) target_semaphore(%arg12 : memref<!tpu.dma_semaphore, #tpu.memory_space<semaphore_mem>>)
      %slice3A_211 = vector.extract_strided_slice %get3A_126 {offsets = [4], sizes = [1], strides = [1]} : vector<16xi32> to vector<1xi32>
      %squeeze3A_212 = vector.extract %slice3A_211[0] : i32 from vector<1xi32>
      %shift_right_logical3A_213 = arith.constant 3 : i32
      %shift_right_logical3A_214 = arith.shrui %squeeze3A_212, %shift_right_logical3A_213 : i32
      %and3A_215 = arith.constant 7 : i32
      %and3A_216 = arith.andi %squeeze3A_212, %and3A_215 : i32
      %mul3A_217 = arith.constant 16 : i32
      %mul3A_218 = arith.muli %add3A_121, %mul3A_217 : i32
      %add3A_219 = arith.constant 4 : i32
      %add3A_220 = arith.addi %mul3A_218, %add3A_219 : i32
      %dma_start3A_221 = arith.constant 0 : i32
      %dma_start3A_222 = tpu.memref_slice %arg9[%add3A_220, %dma_start3A_221] : memref<128x64xf32, #tpu.memory_space<vmem>> -> memref<1x64xf32, #tpu.memory_space<vmem>>
      %dma_start3A_223 = tpu.memref_squeeze %dma_start3A_222 : memref<1x64xf32, #tpu.memory_space<vmem>> -> memref<64xf32, #tpu.memory_space<vmem>>
      %dma_start3A_224 = arith.constant 0 : i32
      %dma_start3A_225 = tpu.memref_slice %arg4[%shift_right_logical3A_214, %and3A_216, %dma_start3A_224] : memref<12500x8x64xf32, #tpu.memory_space<hbm>> -> memref<1x1x64xf32, #tpu.memory_space<hbm>>
      %dma_start3A_226 = tpu.memref_squeeze %dma_start3A_225 : memref<1x1x64xf32, #tpu.memory_space<hbm>> -> memref<64xf32, #tpu.memory_space<hbm>>
      %dma_start3A_227 = arith.constant 0 : i32
      %dma_start3A_228 = tpu.memref_slice %arg9[%add3A_220, %dma_start3A_227] : memref<128x64xf32, #tpu.memory_space<vmem>> -> memref<1x64xf32, #tpu.memory_space<vmem>>
      %dma_start3A_229 = tpu.memref_squeeze %dma_start3A_228 : memref<1x64xf32, #tpu.memory_space<vmem>> -> memref<64xf32, #tpu.memory_space<vmem>>
      %dma_start3A_230 = arith.constant 0 : i32
      %dma_start3A_231 = tpu.memref_slice %arg4[%shift_right_logical3A_214, %and3A_216, %dma_start3A_230] : memref<12500x8x64xf32, #tpu.memory_space<hbm>> -> memref<1x1x64xf32, #tpu.memory_space<hbm>>
      %dma_start3A_232 = tpu.memref_squeeze %dma_start3A_231 : memref<1x1x64xf32, #tpu.memory_space<hbm>> -> memref<64xf32, #tpu.memory_space<hbm>>
      tpu.enqueue_dma source(%dma_start3A_232 : memref<64xf32, #tpu.memory_space<hbm>>) target(%dma_start3A_229 : memref<64xf32, #tpu.memory_space<vmem>>) target_semaphore(%arg12 : memref<!tpu.dma_semaphore, #tpu.memory_space<semaphore_mem>>)
      %slice3A_233 = vector.extract_strided_slice %get3A_126 {offsets = [5], sizes = [1], strides = [1]} : vector<16xi32> to vector<1xi32>
      %squeeze3A_234 = vector.extract %slice3A_233[0] : i32 from vector<1xi32>
      %shift_right_logical3A_235 = arith.constant 3 : i32
      %shift_right_logical3A_236 = arith.shrui %squeeze3A_234, %shift_right_logical3A_235 : i32
      %and3A_237 = arith.constant 7 : i32
      %and3A_238 = arith.andi %squeeze3A_234, %and3A_237 : i32
      %mul3A_239 = arith.constant 16 : i32
      %mul3A_240 = arith.muli %add3A_121, %mul3A_239 : i32
      %add3A_241 = arith.constant 5 : i32
      %add3A_242 = arith.addi %mul3A_240, %add3A_241 : i32
      %dma_start3A_243 = arith.constant 0 : i32
      %dma_start3A_244 = tpu.memref_slice %arg9[%add3A_242, %dma_start3A_243] : memref<128x64xf32, #tpu.memory_space<vmem>> -> memref<1x64xf32, #tpu.memory_space<vmem>>
      %dma_start3A_245 = tpu.memref_squeeze %dma_start3A_244 : memref<1x64xf32, #tpu.memory_space<vmem>> -> memref<64xf32, #tpu.memory_space<vmem>>
      %dma_start3A_246 = arith.constant 0 : i32
      %dma_start3A_247 = tpu.memref_slice %arg4[%shift_right_logical3A_236, %and3A_238, %dma_start3A_246] : memref<12500x8x64xf32, #tpu.memory_space<hbm>> -> memref<1x1x64xf32, #tpu.memory_space<hbm>>
      %dma_start3A_248 = tpu.memref_squeeze %dma_start3A_247 : memref<1x1x64xf32, #tpu.memory_space<hbm>> -> memref<64xf32, #tpu.memory_space<hbm>>
      %dma_start3A_249 = arith.constant 0 : i32
      %dma_start3A_250 = tpu.memref_slice %arg9[%add3A_242, %dma_start3A_249] : memref<128x64xf32, #tpu.memory_space<vmem>> -> memref<1x64xf32, #tpu.memory_space<vmem>>
      %dma_start3A_251 = tpu.memref_squeeze %dma_start3A_250 : memref<1x64xf32, #tpu.memory_space<vmem>> -> memref<64xf32, #tpu.memory_space<vmem>>
      %dma_start3A_252 = arith.constant 0 : i32
      %dma_start3A_253 = tpu.memref_slice %arg4[%shift_right_logical3A_236, %and3A_238, %dma_start3A_252] : memref<12500x8x64xf32, #tpu.memory_space<hbm>> -> memref<1x1x64xf32, #tpu.memory_space<hbm>>
      %dma_start3A_254 = tpu.memref_squeeze %dma_start3A_253 : memref<1x1x64xf32, #tpu.memory_space<hbm>> -> memref<64xf32, #tpu.memory_space<hbm>>
      tpu.enqueue_dma source(%dma_start3A_254 : memref<64xf32, #tpu.memory_space<hbm>>) target(%dma_start3A_251 : memref<64xf32, #tpu.memory_space<vmem>>) target_semaphore(%arg12 : memref<!tpu.dma_semaphore, #tpu.memory_space<semaphore_mem>>)
      %slice3A_255 = vector.extract_strided_slice %get3A_126 {offsets = [6], sizes = [1], strides = [1]} : vector<16xi32> to vector<1xi32>
      %squeeze3A_256 = vector.extract %slice3A_255[0] : i32 from vector<1xi32>
      %shift_right_logical3A_257 = arith.constant 3 : i32
      %shift_right_logical3A_258 = arith.shrui %squeeze3A_256, %shift_right_logical3A_257 : i32
      %and3A_259 = arith.constant 7 : i32
      %and3A_260 = arith.andi %squeeze3A_256, %and3A_259 : i32
      %mul3A_261 = arith.constant 16 : i32
      %mul3A_262 = arith.muli %add3A_121, %mul3A_261 : i32
      %add3A_263 = arith.constant 6 : i32
      %add3A_264 = arith.addi %mul3A_262, %add3A_263 : i32
      %dma_start3A_265 = arith.constant 0 : i32
      %dma_start3A_266 = tpu.memref_slice %arg9[%add3A_264, %dma_start3A_265] : memref<128x64xf32, #tpu.memory_space<vmem>> -> memref<1x64xf32, #tpu.memory_space<vmem>>
      %dma_start3A_267 = tpu.memref_squeeze %dma_start3A_266 : memref<1x64xf32, #tpu.memory_space<vmem>> -> memref<64xf32, #tpu.memory_space<vmem>>
      %dma_start3A_268 = arith.constant 0 : i32
      %dma_start3A_269 = tpu.memref_slice %arg4[%shift_right_logical3A_258, %and3A_260, %dma_start3A_268] : memref<12500x8x64xf32, #tpu.memory_space<hbm>> -> memref<1x1x64xf32, #tpu.memory_space<hbm>>
      %dma_start3A_270 = tpu.memref_squeeze %dma_start3A_269 : memref<1x1x64xf32, #tpu.memory_space<hbm>> -> memref<64xf32, #tpu.memory_space<hbm>>
      %dma_start3A_271 = arith.constant 0 : i32
      %dma_start3A_272 = tpu.memref_slice %arg9[%add3A_264, %dma_start3A_271] : memref<128x64xf32, #tpu.memory_space<vmem>> -> memref<1x64xf32, #tpu.memory_space<vmem>>
      %dma_start3A_273 = tpu.memref_squeeze %dma_start3A_272 : memref<1x64xf32, #tpu.memory_space<vmem>> -> memref<64xf32, #tpu.memory_space<vmem>>
      %dma_start3A_274 = arith.constant 0 : i32
      %dma_start3A_275 = tpu.memref_slice %arg4[%shift_right_logical3A_258, %and3A_260, %dma_start3A_274] : memref<12500x8x64xf32, #tpu.memory_space<hbm>> -> memref<1x1x64xf32, #tpu.memory_space<hbm>>
      %dma_start3A_276 = tpu.memref_squeeze %dma_start3A_275 : memref<1x1x64xf32, #tpu.memory_space<hbm>> -> memref<64xf32, #tpu.memory_space<hbm>>
      tpu.enqueue_dma source(%dma_start3A_276 : memref<64xf32, #tpu.memory_space<hbm>>) target(%dma_start3A_273 : memref<64xf32, #tpu.memory_space<vmem>>) target_semaphore(%arg12 : memref<!tpu.dma_semaphore, #tpu.memory_space<semaphore_mem>>)
      %slice3A_277 = vector.extract_strided_slice %get3A_126 {offsets = [7], sizes = [1], strides = [1]} : vector<16xi32> to vector<1xi32>
      %squeeze3A_278 = vector.extract %slice3A_277[0] : i32 from vector<1xi32>
      %shift_right_logical3A_279 = arith.constant 3 : i32
      %shift_right_logical3A_280 = arith.shrui %squeeze3A_278, %shift_right_logical3A_279 : i32
      %and3A_281 = arith.constant 7 : i32
      %and3A_282 = arith.andi %squeeze3A_278, %and3A_281 : i32
      %mul3A_283 = arith.constant 16 : i32
      %mul3A_284 = arith.muli %add3A_121, %mul3A_283 : i32
      %add3A_285 = arith.constant 7 : i32
      %add3A_286 = arith.addi %mul3A_284, %add3A_285 : i32
      %dma_start3A_287 = arith.constant 0 : i32
      %dma_start3A_288 = tpu.memref_slice %arg9[%add3A_286, %dma_start3A_287] : memref<128x64xf32, #tpu.memory_space<vmem>> -> memref<1x64xf32, #tpu.memory_space<vmem>>
      %dma_start3A_289 = tpu.memref_squeeze %dma_start3A_288 : memref<1x64xf32, #tpu.memory_space<vmem>> -> memref<64xf32, #tpu.memory_space<vmem>>
      %dma_start3A_290 = arith.constant 0 : i32
      %dma_start3A_291 = tpu.memref_slice %arg4[%shift_right_logical3A_280, %and3A_282, %dma_start3A_290] : memref<12500x8x64xf32, #tpu.memory_space<hbm>> -> memref<1x1x64xf32, #tpu.memory_space<hbm>>
      %dma_start3A_292 = tpu.memref_squeeze %dma_start3A_291 : memref<1x1x64xf32, #tpu.memory_space<hbm>> -> memref<64xf32, #tpu.memory_space<hbm>>
      %dma_start3A_293 = arith.constant 0 : i32
      %dma_start3A_294 = tpu.memref_slice %arg9[%add3A_286, %dma_start3A_293] : memref<128x64xf32, #tpu.memory_space<vmem>> -> memref<1x64xf32, #tpu.memory_space<vmem>>
      %dma_start3A_295 = tpu.memref_squeeze %dma_start3A_294 : memref<1x64xf32, #tpu.memory_space<vmem>> -> memref<64xf32, #tpu.memory_space<vmem>>
      %dma_start3A_296 = arith.constant 0 : i32
      %dma_start3A_297 = tpu.memref_slice %arg4[%shift_right_logical3A_280, %and3A_282, %dma_start3A_296] : memref<12500x8x64xf32, #tpu.memory_space<hbm>> -> memref<1x1x64xf32, #tpu.memory_space<hbm>>
      %dma_start3A_298 = tpu.memref_squeeze %dma_start3A_297 : memref<1x1x64xf32, #tpu.memory_space<hbm>> -> memref<64xf32, #tpu.memory_space<hbm>>
      tpu.enqueue_dma source(%dma_start3A_298 : memref<64xf32, #tpu.memory_space<hbm>>) target(%dma_start3A_295 : memref<64xf32, #tpu.memory_space<vmem>>) target_semaphore(%arg12 : memref<!tpu.dma_semaphore, #tpu.memory_space<semaphore_mem>>)
      %slice3A_299 = vector.extract_strided_slice %get3A_126 {offsets = [8], sizes = [1], strides = [1]} : vector<16xi32> to vector<1xi32>
      %squeeze3A_300 = vector.extract %slice3A_299[0] : i32 from vector<1xi32>
      %shift_right_logical3A_301 = arith.constant 3 : i32
      %shift_right_logical3A_302 = arith.shrui %squeeze3A_300, %shift_right_logical3A_301 : i32
      %and3A_303 = arith.constant 7 : i32
      %and3A_304 = arith.andi %squeeze3A_300, %and3A_303 : i32
      %mul3A_305 = arith.constant 16 : i32
      %mul3A_306 = arith.muli %add3A_121, %mul3A_305 : i32
      %add3A_307 = arith.constant 8 : i32
      %add3A_308 = arith.addi %mul3A_306, %add3A_307 : i32
      %dma_start3A_309 = arith.constant 0 : i32
      %dma_start3A_310 = tpu.memref_slice %arg9[%add3A_308, %dma_start3A_309] : memref<128x64xf32, #tpu.memory_space<vmem>> -> memref<1x64xf32, #tpu.memory_space<vmem>>
      %dma_start3A_311 = tpu.memref_squeeze %dma_start3A_310 : memref<1x64xf32, #tpu.memory_space<vmem>> -> memref<64xf32, #tpu.memory_space<vmem>>
      %dma_start3A_312 = arith.constant 0 : i32
      %dma_start3A_313 = tpu.memref_slice %arg4[%shift_right_logical3A_302, %and3A_304, %dma_start3A_312] : memref<12500x8x64xf32, #tpu.memory_space<hbm>> -> memref<1x1x64xf32, #tpu.memory_space<hbm>>
      %dma_start3A_314 = tpu.memref_squeeze %dma_start3A_313 : memref<1x1x64xf32, #tpu.memory_space<hbm>> -> memref<64xf32, #tpu.memory_space<hbm>>
      %dma_start3A_315 = arith.constant 0 : i32
      %dma_start3A_316 = tpu.memref_slice %arg9[%add3A_308, %dma_start3A_315] : memref<128x64xf32, #tpu.memory_space<vmem>> -> memref<1x64xf32, #tpu.memory_space<vmem>>
      %dma_start3A_317 = tpu.memref_squeeze %dma_start3A_316 : memref<1x64xf32, #tpu.memory_space<vmem>> -> memref<64xf32, #tpu.memory_space<vmem>>
      %dma_start3A_318 = arith.constant 0 : i32
      %dma_start3A_319 = tpu.memref_slice %arg4[%shift_right_logical3A_302, %and3A_304, %dma_start3A_318] : memref<12500x8x64xf32, #tpu.memory_space<hbm>> -> memref<1x1x64xf32, #tpu.memory_space<hbm>>
      %dma_start3A_320 = tpu.memref_squeeze %dma_start3A_319 : memref<1x1x64xf32, #tpu.memory_space<hbm>> -> memref<64xf32, #tpu.memory_space<hbm>>
      tpu.enqueue_dma source(%dma_start3A_320 : memref<64xf32, #tpu.memory_space<hbm>>) target(%dma_start3A_317 : memref<64xf32, #tpu.memory_space<vmem>>) target_semaphore(%arg12 : memref<!tpu.dma_semaphore, #tpu.memory_space<semaphore_mem>>)
      %slice3A_321 = vector.extract_strided_slice %get3A_126 {offsets = [9], sizes = [1], strides = [1]} : vector<16xi32> to vector<1xi32>
      %squeeze3A_322 = vector.extract %slice3A_321[0] : i32 from vector<1xi32>
      %shift_right_logical3A_323 = arith.constant 3 : i32
      %shift_right_logical3A_324 = arith.shrui %squeeze3A_322, %shift_right_logical3A_323 : i32
      %and3A_325 = arith.constant 7 : i32
      %and3A_326 = arith.andi %squeeze3A_322, %and3A_325 : i32
      %mul3A_327 = arith.constant 16 : i32
      %mul3A_328 = arith.muli %add3A_121, %mul3A_327 : i32
      %add3A_329 = arith.constant 9 : i32
      %add3A_330 = arith.addi %mul3A_328, %add3A_329 : i32
      %dma_start3A_331 = arith.constant 0 : i32
      %dma_start3A_332 = tpu.memref_slice %arg9[%add3A_330, %dma_start3A_331] : memref<128x64xf32, #tpu.memory_space<vmem>> -> memref<1x64xf32, #tpu.memory_space<vmem>>
      %dma_start3A_333 = tpu.memref_squeeze %dma_start3A_332 : memref<1x64xf32, #tpu.memory_space<vmem>> -> memref<64xf32, #tpu.memory_space<vmem>>
      %dma_start3A_334 = arith.constant 0 : i32
      %dma_start3A_335 = tpu.memref_slice %arg4[%shift_right_logical3A_324, %and3A_326, %dma_start3A_334] : memref<12500x8x64xf32, #tpu.memory_space<hbm>> -> memref<1x1x64xf32, #tpu.memory_space<hbm>>
      %dma_start3A_336 = tpu.memref_squeeze %dma_start3A_335 : memref<1x1x64xf32, #tpu.memory_space<hbm>> -> memref<64xf32, #tpu.memory_space<hbm>>
      %dma_start3A_337 = arith.constant 0 : i32
      %dma_start3A_338 = tpu.memref_slice %arg9[%add3A_330, %dma_start3A_337] : memref<128x64xf32, #tpu.memory_space<vmem>> -> memref<1x64xf32, #tpu.memory_space<vmem>>
      %dma_start3A_339 = tpu.memref_squeeze %dma_start3A_338 : memref<1x64xf32, #tpu.memory_space<vmem>> -> memref<64xf32, #tpu.memory_space<vmem>>
      %dma_start3A_340 = arith.constant 0 : i32
      %dma_start3A_341 = tpu.memref_slice %arg4[%shift_right_logical3A_324, %and3A_326, %dma_start3A_340] : memref<12500x8x64xf32, #tpu.memory_space<hbm>> -> memref<1x1x64xf32, #tpu.memory_space<hbm>>
      %dma_start3A_342 = tpu.memref_squeeze %dma_start3A_341 : memref<1x1x64xf32, #tpu.memory_space<hbm>> -> memref<64xf32, #tpu.memory_space<hbm>>
      tpu.enqueue_dma source(%dma_start3A_342 : memref<64xf32, #tpu.memory_space<hbm>>) target(%dma_start3A_339 : memref<64xf32, #tpu.memory_space<vmem>>) target_semaphore(%arg12 : memref<!tpu.dma_semaphore, #tpu.memory_space<semaphore_mem>>)
      %slice3A_343 = vector.extract_strided_slice %get3A_126 {offsets = [10], sizes = [1], strides = [1]} : vector<16xi32> to vector<1xi32>
      %squeeze3A_344 = vector.extract %slice3A_343[0] : i32 from vector<1xi32>
      %shift_right_logical3A_345 = arith.constant 3 : i32
      %shift_right_logical3A_346 = arith.shrui %squeeze3A_344, %shift_right_logical3A_345 : i32
      %and3A_347 = arith.constant 7 : i32
      %and3A_348 = arith.andi %squeeze3A_344, %and3A_347 : i32
      %mul3A_349 = arith.constant 16 : i32
      %mul3A_350 = arith.muli %add3A_121, %mul3A_349 : i32
      %add3A_351 = arith.constant 10 : i32
      %add3A_352 = arith.addi %mul3A_350, %add3A_351 : i32
      %dma_start3A_353 = arith.constant 0 : i32
      %dma_start3A_354 = tpu.memref_slice %arg9[%add3A_352, %dma_start3A_353] : memref<128x64xf32, #tpu.memory_space<vmem>> -> memref<1x64xf32, #tpu.memory_space<vmem>>
      %dma_start3A_355 = tpu.memref_squeeze %dma_start3A_354 : memref<1x64xf32, #tpu.memory_space<vmem>> -> memref<64xf32, #tpu.memory_space<vmem>>
      %dma_start3A_356 = arith.constant 0 : i32
      %dma_start3A_357 = tpu.memref_slice %arg4[%shift_right_logical3A_346, %and3A_348, %dma_start3A_356] : memref<12500x8x64xf32, #tpu.memory_space<hbm>> -> memref<1x1x64xf32, #tpu.memory_space<hbm>>
      %dma_start3A_358 = tpu.memref_squeeze %dma_start3A_357 : memref<1x1x64xf32, #tpu.memory_space<hbm>> -> memref<64xf32, #tpu.memory_space<hbm>>
      %dma_start3A_359 = arith.constant 0 : i32
      %dma_start3A_360 = tpu.memref_slice %arg9[%add3A_352, %dma_start3A_359] : memref<128x64xf32, #tpu.memory_space<vmem>> -> memref<1x64xf32, #tpu.memory_space<vmem>>
      %dma_start3A_361 = tpu.memref_squeeze %dma_start3A_360 : memref<1x64xf32, #tpu.memory_space<vmem>> -> memref<64xf32, #tpu.memory_space<vmem>>
      %dma_start3A_362 = arith.constant 0 : i32
      %dma_start3A_363 = tpu.memref_slice %arg4[%shift_right_logical3A_346, %and3A_348, %dma_start3A_362] : memref<12500x8x64xf32, #tpu.memory_space<hbm>> -> memref<1x1x64xf32, #tpu.memory_space<hbm>>
      %dma_start3A_364 = tpu.memref_squeeze %dma_start3A_363 : memref<1x1x64xf32, #tpu.memory_space<hbm>> -> memref<64xf32, #tpu.memory_space<hbm>>
      tpu.enqueue_dma source(%dma_start3A_364 : memref<64xf32, #tpu.memory_space<hbm>>) target(%dma_start3A_361 : memref<64xf32, #tpu.memory_space<vmem>>) target_semaphore(%arg12 : memref<!tpu.dma_semaphore, #tpu.memory_space<semaphore_mem>>)
      %slice3A_365 = vector.extract_strided_slice %get3A_126 {offsets = [11], sizes = [1], strides = [1]} : vector<16xi32> to vector<1xi32>
      %squeeze3A_366 = vector.extract %slice3A_365[0] : i32 from vector<1xi32>
      %shift_right_logical3A_367 = arith.constant 3 : i32
      %shift_right_logical3A_368 = arith.shrui %squeeze3A_366, %shift_right_logical3A_367 : i32
      %and3A_369 = arith.constant 7 : i32
      %and3A_370 = arith.andi %squeeze3A_366, %and3A_369 : i32
      %mul3A_371 = arith.constant 16 : i32
      %mul3A_372 = arith.muli %add3A_121, %mul3A_371 : i32
      %add3A_373 = arith.constant 11 : i32
      %add3A_374 = arith.addi %mul3A_372, %add3A_373 : i32
      %dma_start3A_375 = arith.constant 0 : i32
      %dma_start3A_376 = tpu.memref_slice %arg9[%add3A_374, %dma_start3A_375] : memref<128x64xf32, #tpu.memory_space<vmem>> -> memref<1x64xf32, #tpu.memory_space<vmem>>
      %dma_start3A_377 = tpu.memref_squeeze %dma_start3A_376 : memref<1x64xf32, #tpu.memory_space<vmem>> -> memref<64xf32, #tpu.memory_space<vmem>>
      %dma_start3A_378 = arith.constant 0 : i32
      %dma_start3A_379 = tpu.memref_slice %arg4[%shift_right_logical3A_368, %and3A_370, %dma_start3A_378] : memref<12500x8x64xf32, #tpu.memory_space<hbm>> -> memref<1x1x64xf32, #tpu.memory_space<hbm>>
      %dma_start3A_380 = tpu.memref_squeeze %dma_start3A_379 : memref<1x1x64xf32, #tpu.memory_space<hbm>> -> memref<64xf32, #tpu.memory_space<hbm>>
      %dma_start3A_381 = arith.constant 0 : i32
      %dma_start3A_382 = tpu.memref_slice %arg9[%add3A_374, %dma_start3A_381] : memref<128x64xf32, #tpu.memory_space<vmem>> -> memref<1x64xf32, #tpu.memory_space<vmem>>
      %dma_start3A_383 = tpu.memref_squeeze %dma_start3A_382 : memref<1x64xf32, #tpu.memory_space<vmem>> -> memref<64xf32, #tpu.memory_space<vmem>>
      %dma_start3A_384 = arith.constant 0 : i32
      %dma_start3A_385 = tpu.memref_slice %arg4[%shift_right_logical3A_368, %and3A_370, %dma_start3A_384] : memref<12500x8x64xf32, #tpu.memory_space<hbm>> -> memref<1x1x64xf32, #tpu.memory_space<hbm>>
      %dma_start3A_386 = tpu.memref_squeeze %dma_start3A_385 : memref<1x1x64xf32, #tpu.memory_space<hbm>> -> memref<64xf32, #tpu.memory_space<hbm>>
      tpu.enqueue_dma source(%dma_start3A_386 : memref<64xf32, #tpu.memory_space<hbm>>) target(%dma_start3A_383 : memref<64xf32, #tpu.memory_space<vmem>>) target_semaphore(%arg12 : memref<!tpu.dma_semaphore, #tpu.memory_space<semaphore_mem>>)
      %slice3A_387 = vector.extract_strided_slice %get3A_126 {offsets = [12], sizes = [1], strides = [1]} : vector<16xi32> to vector<1xi32>
      %squeeze3A_388 = vector.extract %slice3A_387[0] : i32 from vector<1xi32>
      %shift_right_logical3A_389 = arith.constant 3 : i32
      %shift_right_logical3A_390 = arith.shrui %squeeze3A_388, %shift_right_logical3A_389 : i32
      %and3A_391 = arith.constant 7 : i32
      %and3A_392 = arith.andi %squeeze3A_388, %and3A_391 : i32
      %mul3A_393 = arith.constant 16 : i32
      %mul3A_394 = arith.muli %add3A_121, %mul3A_393 : i32
      %add3A_395 = arith.constant 12 : i32
      %add3A_396 = arith.addi %mul3A_394, %add3A_395 : i32
      %dma_start3A_397 = arith.constant 0 : i32
      %dma_start3A_398 = tpu.memref_slice %arg9[%add3A_396, %dma_start3A_397] : memref<128x64xf32, #tpu.memory_space<vmem>> -> memref<1x64xf32, #tpu.memory_space<vmem>>
      %dma_start3A_399 = tpu.memref_squeeze %dma_start3A_398 : memref<1x64xf32, #tpu.memory_space<vmem>> -> memref<64xf32, #tpu.memory_space<vmem>>
      %dma_start3A_400 = arith.constant 0 : i32
      %dma_start3A_401 = tpu.memref_slice %arg4[%shift_right_logical3A_390, %and3A_392, %dma_start3A_400] : memref<12500x8x64xf32, #tpu.memory_space<hbm>> -> memref<1x1x64xf32, #tpu.memory_space<hbm>>
      %dma_start3A_402 = tpu.memref_squeeze %dma_start3A_401 : memref<1x1x64xf32, #tpu.memory_space<hbm>> -> memref<64xf32, #tpu.memory_space<hbm>>
      %dma_start3A_403 = arith.constant 0 : i32
      %dma_start3A_404 = tpu.memref_slice %arg9[%add3A_396, %dma_start3A_403] : memref<128x64xf32, #tpu.memory_space<vmem>> -> memref<1x64xf32, #tpu.memory_space<vmem>>
      %dma_start3A_405 = tpu.memref_squeeze %dma_start3A_404 : memref<1x64xf32, #tpu.memory_space<vmem>> -> memref<64xf32, #tpu.memory_space<vmem>>
      %dma_start3A_406 = arith.constant 0 : i32
      %dma_start3A_407 = tpu.memref_slice %arg4[%shift_right_logical3A_390, %and3A_392, %dma_start3A_406] : memref<12500x8x64xf32, #tpu.memory_space<hbm>> -> memref<1x1x64xf32, #tpu.memory_space<hbm>>
      %dma_start3A_408 = tpu.memref_squeeze %dma_start3A_407 : memref<1x1x64xf32, #tpu.memory_space<hbm>> -> memref<64xf32, #tpu.memory_space<hbm>>
      tpu.enqueue_dma source(%dma_start3A_408 : memref<64xf32, #tpu.memory_space<hbm>>) target(%dma_start3A_405 : memref<64xf32, #tpu.memory_space<vmem>>) target_semaphore(%arg12 : memref<!tpu.dma_semaphore, #tpu.memory_space<semaphore_mem>>)
      %slice3A_409 = vector.extract_strided_slice %get3A_126 {offsets = [13], sizes = [1], strides = [1]} : vector<16xi32> to vector<1xi32>
      %squeeze3A_410 = vector.extract %slice3A_409[0] : i32 from vector<1xi32>
      %shift_right_logical3A_411 = arith.constant 3 : i32
      %shift_right_logical3A_412 = arith.shrui %squeeze3A_410, %shift_right_logical3A_411 : i32
      %and3A_413 = arith.constant 7 : i32
      %and3A_414 = arith.andi %squeeze3A_410, %and3A_413 : i32
      %mul3A_415 = arith.constant 16 : i32
      %mul3A_416 = arith.muli %add3A_121, %mul3A_415 : i32
      %add3A_417 = arith.constant 13 : i32
      %add3A_418 = arith.addi %mul3A_416, %add3A_417 : i32
      %dma_start3A_419 = arith.constant 0 : i32
      %dma_start3A_420 = tpu.memref_slice %arg9[%add3A_418, %dma_start3A_419] : memref<128x64xf32, #tpu.memory_space<vmem>> -> memref<1x64xf32, #tpu.memory_space<vmem>>
      %dma_start3A_421 = tpu.memref_squeeze %dma_start3A_420 : memref<1x64xf32, #tpu.memory_space<vmem>> -> memref<64xf32, #tpu.memory_space<vmem>>
      %dma_start3A_422 = arith.constant 0 : i32
      %dma_start3A_423 = tpu.memref_slice %arg4[%shift_right_logical3A_412, %and3A_414, %dma_start3A_422] : memref<12500x8x64xf32, #tpu.memory_space<hbm>> -> memref<1x1x64xf32, #tpu.memory_space<hbm>>
      %dma_start3A_424 = tpu.memref_squeeze %dma_start3A_423 : memref<1x1x64xf32, #tpu.memory_space<hbm>> -> memref<64xf32, #tpu.memory_space<hbm>>
      %dma_start3A_425 = arith.constant 0 : i32
      %dma_start3A_426 = tpu.memref_slice %arg9[%add3A_418, %dma_start3A_425] : memref<128x64xf32, #tpu.memory_space<vmem>> -> memref<1x64xf32, #tpu.memory_space<vmem>>
      %dma_start3A_427 = tpu.memref_squeeze %dma_start3A_426 : memref<1x64xf32, #tpu.memory_space<vmem>> -> memref<64xf32, #tpu.memory_space<vmem>>
      %dma_start3A_428 = arith.constant 0 : i32
      %dma_start3A_429 = tpu.memref_slice %arg4[%shift_right_logical3A_412, %and3A_414, %dma_start3A_428] : memref<12500x8x64xf32, #tpu.memory_space<hbm>> -> memref<1x1x64xf32, #tpu.memory_space<hbm>>
      %dma_start3A_430 = tpu.memref_squeeze %dma_start3A_429 : memref<1x1x64xf32, #tpu.memory_space<hbm>> -> memref<64xf32, #tpu.memory_space<hbm>>
      tpu.enqueue_dma source(%dma_start3A_430 : memref<64xf32, #tpu.memory_space<hbm>>) target(%dma_start3A_427 : memref<64xf32, #tpu.memory_space<vmem>>) target_semaphore(%arg12 : memref<!tpu.dma_semaphore, #tpu.memory_space<semaphore_mem>>)
      %slice3A_431 = vector.extract_strided_slice %get3A_126 {offsets = [14], sizes = [1], strides = [1]} : vector<16xi32> to vector<1xi32>
      %squeeze3A_432 = vector.extract %slice3A_431[0] : i32 from vector<1xi32>
      %shift_right_logical3A_433 = arith.constant 3 : i32
      %shift_right_logical3A_434 = arith.shrui %squeeze3A_432, %shift_right_logical3A_433 : i32
      %and3A_435 = arith.constant 7 : i32
      %and3A_436 = arith.andi %squeeze3A_432, %and3A_435 : i32
      %mul3A_437 = arith.constant 16 : i32
      %mul3A_438 = arith.muli %add3A_121, %mul3A_437 : i32
      %add3A_439 = arith.constant 14 : i32
      %add3A_440 = arith.addi %mul3A_438, %add3A_439 : i32
      %dma_start3A_441 = arith.constant 0 : i32
      %dma_start3A_442 = tpu.memref_slice %arg9[%add3A_440, %dma_start3A_441] : memref<128x64xf32, #tpu.memory_space<vmem>> -> memref<1x64xf32, #tpu.memory_space<vmem>>
      %dma_start3A_443 = tpu.memref_squeeze %dma_start3A_442 : memref<1x64xf32, #tpu.memory_space<vmem>> -> memref<64xf32, #tpu.memory_space<vmem>>
      %dma_start3A_444 = arith.constant 0 : i32
      %dma_start3A_445 = tpu.memref_slice %arg4[%shift_right_logical3A_434, %and3A_436, %dma_start3A_444] : memref<12500x8x64xf32, #tpu.memory_space<hbm>> -> memref<1x1x64xf32, #tpu.memory_space<hbm>>
      %dma_start3A_446 = tpu.memref_squeeze %dma_start3A_445 : memref<1x1x64xf32, #tpu.memory_space<hbm>> -> memref<64xf32, #tpu.memory_space<hbm>>
      %dma_start3A_447 = arith.constant 0 : i32
      %dma_start3A_448 = tpu.memref_slice %arg9[%add3A_440, %dma_start3A_447] : memref<128x64xf32, #tpu.memory_space<vmem>> -> memref<1x64xf32, #tpu.memory_space<vmem>>
      %dma_start3A_449 = tpu.memref_squeeze %dma_start3A_448 : memref<1x64xf32, #tpu.memory_space<vmem>> -> memref<64xf32, #tpu.memory_space<vmem>>
      %dma_start3A_450 = arith.constant 0 : i32
      %dma_start3A_451 = tpu.memref_slice %arg4[%shift_right_logical3A_434, %and3A_436, %dma_start3A_450] : memref<12500x8x64xf32, #tpu.memory_space<hbm>> -> memref<1x1x64xf32, #tpu.memory_space<hbm>>
      %dma_start3A_452 = tpu.memref_squeeze %dma_start3A_451 : memref<1x1x64xf32, #tpu.memory_space<hbm>> -> memref<64xf32, #tpu.memory_space<hbm>>
      tpu.enqueue_dma source(%dma_start3A_452 : memref<64xf32, #tpu.memory_space<hbm>>) target(%dma_start3A_449 : memref<64xf32, #tpu.memory_space<vmem>>) target_semaphore(%arg12 : memref<!tpu.dma_semaphore, #tpu.memory_space<semaphore_mem>>)
      %slice3A_453 = vector.extract_strided_slice %get3A_126 {offsets = [15], sizes = [1], strides = [1]} : vector<16xi32> to vector<1xi32>
      %squeeze3A_454 = vector.extract %slice3A_453[0] : i32 from vector<1xi32>
      %shift_right_logical3A_455 = arith.constant 3 : i32
      %shift_right_logical3A_456 = arith.shrui %squeeze3A_454, %shift_right_logical3A_455 : i32
      %and3A_457 = arith.constant 7 : i32
      %and3A_458 = arith.andi %squeeze3A_454, %and3A_457 : i32
      %mul3A_459 = arith.constant 16 : i32
      %mul3A_460 = arith.muli %add3A_121, %mul3A_459 : i32
      %add3A_461 = arith.constant 15 : i32
      %add3A_462 = arith.addi %mul3A_460, %add3A_461 : i32
      %dma_start3A_463 = arith.constant 0 : i32
      %dma_start3A_464 = tpu.memref_slice %arg9[%add3A_462, %dma_start3A_463] : memref<128x64xf32, #tpu.memory_space<vmem>> -> memref<1x64xf32, #tpu.memory_space<vmem>>
      %dma_start3A_465 = tpu.memref_squeeze %dma_start3A_464 : memref<1x64xf32, #tpu.memory_space<vmem>> -> memref<64xf32, #tpu.memory_space<vmem>>
      %dma_start3A_466 = arith.constant 0 : i32
      %dma_start3A_467 = tpu.memref_slice %arg4[%shift_right_logical3A_456, %and3A_458, %dma_start3A_466] : memref<12500x8x64xf32, #tpu.memory_space<hbm>> -> memref<1x1x64xf32, #tpu.memory_space<hbm>>
      %dma_start3A_468 = tpu.memref_squeeze %dma_start3A_467 : memref<1x1x64xf32, #tpu.memory_space<hbm>> -> memref<64xf32, #tpu.memory_space<hbm>>
      %dma_start3A_469 = arith.constant 0 : i32
      %dma_start3A_470 = tpu.memref_slice %arg9[%add3A_462, %dma_start3A_469] : memref<128x64xf32, #tpu.memory_space<vmem>> -> memref<1x64xf32, #tpu.memory_space<vmem>>
      %dma_start3A_471 = tpu.memref_squeeze %dma_start3A_470 : memref<1x64xf32, #tpu.memory_space<vmem>> -> memref<64xf32, #tpu.memory_space<vmem>>
      %dma_start3A_472 = arith.constant 0 : i32
      %dma_start3A_473 = tpu.memref_slice %arg4[%shift_right_logical3A_456, %and3A_458, %dma_start3A_472] : memref<12500x8x64xf32, #tpu.memory_space<hbm>> -> memref<1x1x64xf32, #tpu.memory_space<hbm>>
      %dma_start3A_474 = tpu.memref_squeeze %dma_start3A_473 : memref<1x1x64xf32, #tpu.memory_space<hbm>> -> memref<64xf32, #tpu.memory_space<hbm>>
      tpu.enqueue_dma source(%dma_start3A_474 : memref<64xf32, #tpu.memory_space<hbm>>) target(%dma_start3A_471 : memref<64xf32, #tpu.memory_space<vmem>>) target_semaphore(%arg12 : memref<!tpu.dma_semaphore, #tpu.memory_space<semaphore_mem>>)
    }
    %scan3A_6 = arith.constant 8 : i32
    %add3A_7 = arith.constant 0 : i32
    %add3A_8 = arith.addi %mul3A_2, %add3A_7 : i32
    %dma_start3A = arith.constant 0 : i32
    %dma_start3A_9 = tpu.memref_slice %arg2[%add3A_8, %dma_start3A] : memref<16384x64xf32, #tpu.memory_space<hbm>> -> memref<128x64xf32, #tpu.memory_space<hbm>>
    %dma_start3A_10 = arith.constant 0 : i32
    %dma_start3A_11 = tpu.memref_slice %arg2[%add3A_8, %dma_start3A_10] : memref<16384x64xf32, #tpu.memory_space<hbm>> -> memref<128x64xf32, #tpu.memory_space<hbm>>
    tpu.enqueue_dma source(%dma_start3A_11 : memref<128x64xf32, #tpu.memory_space<hbm>>) target(%arg7 : memref<128x64xf32, #tpu.memory_space<vmem>>) target_semaphore(%arg14 : memref<!tpu.dma_semaphore, #tpu.memory_space<semaphore_mem>>)
    %broadcast_in_dim3A = arith.constant 0.000000e+00 : f32
    %broadcast_in_dim3A_12 = vector.broadcast %broadcast_in_dim3A : f32 to vector<16xf32>
    %scan3A_13 = arith.constant 0 : i32
    %scan3A_14 = arith.constant 8 : i32
    %scan3A_15 = arith.addi %scan3A_13, %scan3A_14 : i32
    %scan3A_16 = arith.constant 1 : i32
    scf.for %scan3A_117 = %scan3A_13 to %scan3A_15 step %scan3A_16  : i32 {
      %mul3A_118 = arith.constant 1 : i32
      %mul3A_119 = arith.muli %scan3A_117, %mul3A_118 : i32
      %add3A_120 = arith.constant 0 : i32
      %add3A_121 = arith.addi %add3A_120, %mul3A_119 : i32
      %mul3A_122 = arith.constant 16 : i32
      %mul3A_123 = arith.muli %add3A_121, %mul3A_122 : i32
      %add3A_124 = arith.constant 128 : i32
      %add3A_125 = arith.addi %add3A_124, %mul3A_123 : i32
      %get3A = arith.index_cast %add3A_125 : i32 to index
      %get3A_126 = tpu.vector_load %arg6[%get3A] {strides = array<i32>} : memref<512xi32, #tpu.memory_space<vmem>>, vector<16xi32>,
      %slice3A = vector.extract_strided_slice %get3A_126 {offsets = [0], sizes = [1], strides = [1]} : vector<16xi32> to vector<1xi32>
      %squeeze3A = vector.extract %slice3A[0] : i32 from vector<1xi32>
      %shift_right_logical3A = arith.constant 3 : i32
      %shift_right_logical3A_127 = arith.shrui %squeeze3A, %shift_right_logical3A : i32
      %and3A = arith.constant 7 : i32
      %and3A_128 = arith.andi %squeeze3A, %and3A : i32
      %mul3A_129 = arith.constant 16 : i32
      %mul3A_130 = arith.muli %add3A_121, %mul3A_129 : i32
      %add3A_131 = arith.constant 0 : i32
      %add3A_132 = arith.addi %mul3A_130, %add3A_131 : i32
      %dma_start3A_133 = arith.constant 0 : i32
      %dma_start3A_134 = tpu.memref_slice %arg10[%add3A_132, %dma_start3A_133] : memref<128x64xf32, #tpu.memory_space<vmem>> -> memref<1x64xf32, #tpu.memory_space<vmem>>
      %dma_start3A_135 = tpu.memref_squeeze %dma_start3A_134 : memref<1x64xf32, #tpu.memory_space<vmem>> -> memref<64xf32, #tpu.memory_space<vmem>>
      %dma_start3A_136 = arith.constant 0 : i32
      %dma_start3A_137 = tpu.memref_slice %arg4[%shift_right_logical3A_127, %and3A_128, %dma_start3A_136] : memref<12500x8x64xf32, #tpu.memory_space<hbm>> -> memref<1x1x64xf32, #tpu.memory_space<hbm>>
      %dma_start3A_138 = tpu.memref_squeeze %dma_start3A_137 : memref<1x1x64xf32, #tpu.memory_space<hbm>> -> memref<64xf32, #tpu.memory_space<hbm>>
      %dma_start3A_139 = arith.constant 0 : i32
      %dma_start3A_140 = tpu.memref_slice %arg10[%add3A_132, %dma_start3A_139] : memref<128x64xf32, #tpu.memory_space<vmem>> -> memref<1x64xf32, #tpu.memory_space<vmem>>
      %dma_start3A_141 = tpu.memref_squeeze %dma_start3A_140 : memref<1x64xf32, #tpu.memory_space<vmem>> -> memref<64xf32, #tpu.memory_space<vmem>>
      %dma_start3A_142 = arith.constant 0 : i32
      %dma_start3A_143 = tpu.memref_slice %arg4[%shift_right_logical3A_127, %and3A_128, %dma_start3A_142] : memref<12500x8x64xf32, #tpu.memory_space<hbm>> -> memref<1x1x64xf32, #tpu.memory_space<hbm>>
      %dma_start3A_144 = tpu.memref_squeeze %dma_start3A_143 : memref<1x1x64xf32, #tpu.memory_space<hbm>> -> memref<64xf32, #tpu.memory_space<hbm>>
      tpu.enqueue_dma source(%dma_start3A_144 : memref<64xf32, #tpu.memory_space<hbm>>) target(%dma_start3A_141 : memref<64xf32, #tpu.memory_space<vmem>>) target_semaphore(%arg13 : memref<!tpu.dma_semaphore, #tpu.memory_space<semaphore_mem>>)
      %slice3A_145 = vector.extract_strided_slice %get3A_126 {offsets = [1], sizes = [1], strides = [1]} : vector<16xi32> to vector<1xi32>
      %squeeze3A_146 = vector.extract %slice3A_145[0] : i32 from vector<1xi32>
      %shift_right_logical3A_147 = arith.constant 3 : i32
      %shift_right_logical3A_148 = arith.shrui %squeeze3A_146, %shift_right_logical3A_147 : i32
      %and3A_149 = arith.constant 7 : i32
      %and3A_150 = arith.andi %squeeze3A_146, %and3A_149 : i32
      %mul3A_151 = arith.constant 16 : i32
      %mul3A_152 = arith.muli %add3A_121, %mul3A_151 : i32
      %add3A_153 = arith.constant 1 : i32
      %add3A_154 = arith.addi %mul3A_152, %add3A_153 : i32
      %dma_start3A_155 = arith.constant 0 : i32
      %dma_start3A_156 = tpu.memref_slice %arg10[%add3A_154, %dma_start3A_155] : memref<128x64xf32, #tpu.memory_space<vmem>> -> memref<1x64xf32, #tpu.memory_space<vmem>>
      %dma_start3A_157 = tpu.memref_squeeze %dma_start3A_156 : memref<1x64xf32, #tpu.memory_space<vmem>> -> memref<64xf32, #tpu.memory_space<vmem>>
      %dma_start3A_158 = arith.constant 0 : i32
      %dma_start3A_159 = tpu.memref_slice %arg4[%shift_right_logical3A_148, %and3A_150, %dma_start3A_158] : memref<12500x8x64xf32, #tpu.memory_space<hbm>> -> memref<1x1x64xf32, #tpu.memory_space<hbm>>
      %dma_start3A_160 = tpu.memref_squeeze %dma_start3A_159 : memref<1x1x64xf32, #tpu.memory_space<hbm>> -> memref<64xf32, #tpu.memory_space<hbm>>
      %dma_start3A_161 = arith.constant 0 : i32
      %dma_start3A_162 = tpu.memref_slice %arg10[%add3A_154, %dma_start3A_161] : memref<128x64xf32, #tpu.memory_space<vmem>> -> memref<1x64xf32, #tpu.memory_space<vmem>>
      %dma_start3A_163 = tpu.memref_squeeze %dma_start3A_162 : memref<1x64xf32, #tpu.memory_space<vmem>> -> memref<64xf32, #tpu.memory_space<vmem>>
      %dma_start3A_164 = arith.constant 0 : i32
      %dma_start3A_165 = tpu.memref_slice %arg4[%shift_right_logical3A_148, %and3A_150, %dma_start3A_164] : memref<12500x8x64xf32, #tpu.memory_space<hbm>> -> memref<1x1x64xf32, #tpu.memory_space<hbm>>
      %dma_start3A_166 = tpu.memref_squeeze %dma_start3A_165 : memref<1x1x64xf32, #tpu.memory_space<hbm>> -> memref<64xf32, #tpu.memory_space<hbm>>
      tpu.enqueue_dma source(%dma_start3A_166 : memref<64xf32, #tpu.memory_space<hbm>>) target(%dma_start3A_163 : memref<64xf32, #tpu.memory_space<vmem>>) target_semaphore(%arg13 : memref<!tpu.dma_semaphore, #tpu.memory_space<semaphore_mem>>)
      %slice3A_167 = vector.extract_strided_slice %get3A_126 {offsets = [2], sizes = [1], strides = [1]} : vector<16xi32> to vector<1xi32>
      %squeeze3A_168 = vector.extract %slice3A_167[0] : i32 from vector<1xi32>
      %shift_right_logical3A_169 = arith.constant 3 : i32
      %shift_right_logical3A_170 = arith.shrui %squeeze3A_168, %shift_right_logical3A_169 : i32
      %and3A_171 = arith.constant 7 : i32
      %and3A_172 = arith.andi %squeeze3A_168, %and3A_171 : i32
      %mul3A_173 = arith.constant 16 : i32
      %mul3A_174 = arith.muli %add3A_121, %mul3A_173 : i32
      %add3A_175 = arith.constant 2 : i32
      %add3A_176 = arith.addi %mul3A_174, %add3A_175 : i32
      %dma_start3A_177 = arith.constant 0 : i32
      %dma_start3A_178 = tpu.memref_slice %arg10[%add3A_176, %dma_start3A_177] : memref<128x64xf32, #tpu.memory_space<vmem>> -> memref<1x64xf32, #tpu.memory_space<vmem>>
      %dma_start3A_179 = tpu.memref_squeeze %dma_start3A_178 : memref<1x64xf32, #tpu.memory_space<vmem>> -> memref<64xf32, #tpu.memory_space<vmem>>
      %dma_start3A_180 = arith.constant 0 : i32
      %dma_start3A_181 = tpu.memref_slice %arg4[%shift_right_logical3A_170, %and3A_172, %dma_start3A_180] : memref<12500x8x64xf32, #tpu.memory_space<hbm>> -> memref<1x1x64xf32, #tpu.memory_space<hbm>>
      %dma_start3A_182 = tpu.memref_squeeze %dma_start3A_181 : memref<1x1x64xf32, #tpu.memory_space<hbm>> -> memref<64xf32, #tpu.memory_space<hbm>>
      %dma_start3A_183 = arith.constant 0 : i32
      %dma_start3A_184 = tpu.memref_slice %arg10[%add3A_176, %dma_start3A_183] : memref<128x64xf32, #tpu.memory_space<vmem>> -> memref<1x64xf32, #tpu.memory_space<vmem>>
      %dma_start3A_185 = tpu.memref_squeeze %dma_start3A_184 : memref<1x64xf32, #tpu.memory_space<vmem>> -> memref<64xf32, #tpu.memory_space<vmem>>
      %dma_start3A_186 = arith.constant 0 : i32
      %dma_start3A_187 = tpu.memref_slice %arg4[%shift_right_logical3A_170, %and3A_172, %dma_start3A_186] : memref<12500x8x64xf32, #tpu.memory_space<hbm>> -> memref<1x1x64xf32, #tpu.memory_space<hbm>>
      %dma_start3A_188 = tpu.memref_squeeze %dma_start3A_187 : memref<1x1x64xf32, #tpu.memory_space<hbm>> -> memref<64xf32, #tpu.memory_space<hbm>>
      tpu.enqueue_dma source(%dma_start3A_188 : memref<64xf32, #tpu.memory_space<hbm>>) target(%dma_start3A_185 : memref<64xf32, #tpu.memory_space<vmem>>) target_semaphore(%arg13 : memref<!tpu.dma_semaphore, #tpu.memory_space<semaphore_mem>>)
      %slice3A_189 = vector.extract_strided_slice %get3A_126 {offsets = [3], sizes = [1], strides = [1]} : vector<16xi32> to vector<1xi32>
      %squeeze3A_190 = vector.extract %slice3A_189[0] : i32 from vector<1xi32>
      %shift_right_logical3A_191 = arith.constant 3 : i32
      %shift_right_logical3A_192 = arith.shrui %squeeze3A_190, %shift_right_logical3A_191 : i32
      %and3A_193 = arith.constant 7 : i32
      %and3A_194 = arith.andi %squeeze3A_190, %and3A_193 : i32
      %mul3A_195 = arith.constant 16 : i32
      %mul3A_196 = arith.muli %add3A_121, %mul3A_195 : i32
      %add3A_197 = arith.constant 3 : i32
      %add3A_198 = arith.addi %mul3A_196, %add3A_197 : i32
      %dma_start3A_199 = arith.constant 0 : i32
      %dma_start3A_200 = tpu.memref_slice %arg10[%add3A_198, %dma_start3A_199] : memref<128x64xf32, #tpu.memory_space<vmem>> -> memref<1x64xf32, #tpu.memory_space<vmem>>
      %dma_start3A_201 = tpu.memref_squeeze %dma_start3A_200 : memref<1x64xf32, #tpu.memory_space<vmem>> -> memref<64xf32, #tpu.memory_space<vmem>>
      %dma_start3A_202 = arith.constant 0 : i32
      %dma_start3A_203 = tpu.memref_slice %arg4[%shift_right_logical3A_192, %and3A_194, %dma_start3A_202] : memref<12500x8x64xf32, #tpu.memory_space<hbm>> -> memref<1x1x64xf32, #tpu.memory_space<hbm>>
      %dma_start3A_204 = tpu.memref_squeeze %dma_start3A_203 : memref<1x1x64xf32, #tpu.memory_space<hbm>> -> memref<64xf32, #tpu.memory_space<hbm>>
      %dma_start3A_205 = arith.constant 0 : i32
      %dma_start3A_206 = tpu.memref_slice %arg10[%add3A_198, %dma_start3A_205] : memref<128x64xf32, #tpu.memory_space<vmem>> -> memref<1x64xf32, #tpu.memory_space<vmem>>
      %dma_start3A_207 = tpu.memref_squeeze %dma_start3A_206 : memref<1x64xf32, #tpu.memory_space<vmem>> -> memref<64xf32, #tpu.memory_space<vmem>>
      %dma_start3A_208 = arith.constant 0 : i32
      %dma_start3A_209 = tpu.memref_slice %arg4[%shift_right_logical3A_192, %and3A_194, %dma_start3A_208] : memref<12500x8x64xf32, #tpu.memory_space<hbm>> -> memref<1x1x64xf32, #tpu.memory_space<hbm>>
      %dma_start3A_210 = tpu.memref_squeeze %dma_start3A_209 : memref<1x1x64xf32, #tpu.memory_space<hbm>> -> memref<64xf32, #tpu.memory_space<hbm>>
      tpu.enqueue_dma source(%dma_start3A_210 : memref<64xf32, #tpu.memory_space<hbm>>) target(%dma_start3A_207 : memref<64xf32, #tpu.memory_space<vmem>>) target_semaphore(%arg13 : memref<!tpu.dma_semaphore, #tpu.memory_space<semaphore_mem>>)
      %slice3A_211 = vector.extract_strided_slice %get3A_126 {offsets = [4], sizes = [1], strides = [1]} : vector<16xi32> to vector<1xi32>
      %squeeze3A_212 = vector.extract %slice3A_211[0] : i32 from vector<1xi32>
      %shift_right_logical3A_213 = arith.constant 3 : i32
      %shift_right_logical3A_214 = arith.shrui %squeeze3A_212, %shift_right_logical3A_213 : i32
      %and3A_215 = arith.constant 7 : i32
      %and3A_216 = arith.andi %squeeze3A_212, %and3A_215 : i32
      %mul3A_217 = arith.constant 16 : i32
      %mul3A_218 = arith.muli %add3A_121, %mul3A_217 : i32
      %add3A_219 = arith.constant 4 : i32
      %add3A_220 = arith.addi %mul3A_218, %add3A_219 : i32
      %dma_start3A_221 = arith.constant 0 : i32
      %dma_start3A_222 = tpu.memref_slice %arg10[%add3A_220, %dma_start3A_221] : memref<128x64xf32, #tpu.memory_space<vmem>> -> memref<1x64xf32, #tpu.memory_space<vmem>>
      %dma_start3A_223 = tpu.memref_squeeze %dma_start3A_222 : memref<1x64xf32, #tpu.memory_space<vmem>> -> memref<64xf32, #tpu.memory_space<vmem>>
      %dma_start3A_224 = arith.constant 0 : i32
      %dma_start3A_225 = tpu.memref_slice %arg4[%shift_right_logical3A_214, %and3A_216, %dma_start3A_224] : memref<12500x8x64xf32, #tpu.memory_space<hbm>> -> memref<1x1x64xf32, #tpu.memory_space<hbm>>
      %dma_start3A_226 = tpu.memref_squeeze %dma_start3A_225 : memref<1x1x64xf32, #tpu.memory_space<hbm>> -> memref<64xf32, #tpu.memory_space<hbm>>
      %dma_start3A_227 = arith.constant 0 : i32
      %dma_start3A_228 = tpu.memref_slice %arg10[%add3A_220, %dma_start3A_227] : memref<128x64xf32, #tpu.memory_space<vmem>> -> memref<1x64xf32, #tpu.memory_space<vmem>>
      %dma_start3A_229 = tpu.memref_squeeze %dma_start3A_228 : memref<1x64xf32, #tpu.memory_space<vmem>> -> memref<64xf32, #tpu.memory_space<vmem>>
      %dma_start3A_230 = arith.constant 0 : i32
      %dma_start3A_231 = tpu.memref_slice %arg4[%shift_right_logical3A_214, %and3A_216, %dma_start3A_230] : memref<12500x8x64xf32, #tpu.memory_space<hbm>> -> memref<1x1x64xf32, #tpu.memory_space<hbm>>
      %dma_start3A_232 = tpu.memref_squeeze %dma_start3A_231 : memref<1x1x64xf32, #tpu.memory_space<hbm>> -> memref<64xf32, #tpu.memory_space<hbm>>
      tpu.enqueue_dma source(%dma_start3A_232 : memref<64xf32, #tpu.memory_space<hbm>>) target(%dma_start3A_229 : memref<64xf32, #tpu.memory_space<vmem>>) target_semaphore(%arg13 : memref<!tpu.dma_semaphore, #tpu.memory_space<semaphore_mem>>)
      %slice3A_233 = vector.extract_strided_slice %get3A_126 {offsets = [5], sizes = [1], strides = [1]} : vector<16xi32> to vector<1xi32>
      %squeeze3A_234 = vector.extract %slice3A_233[0] : i32 from vector<1xi32>
      %shift_right_logical3A_235 = arith.constant 3 : i32
      %shift_right_logical3A_236 = arith.shrui %squeeze3A_234, %shift_right_logical3A_235 : i32
      %and3A_237 = arith.constant 7 : i32
      %and3A_238 = arith.andi %squeeze3A_234, %and3A_237 : i32
      %mul3A_239 = arith.constant 16 : i32
      %mul3A_240 = arith.muli %add3A_121, %mul3A_239 : i32
      %add3A_241 = arith.constant 5 : i32
      %add3A_242 = arith.addi %mul3A_240, %add3A_241 : i32
      %dma_start3A_243 = arith.constant 0 : i32
      %dma_start3A_244 = tpu.memref_slice %arg10[%add3A_242, %dma_start3A_243] : memref<128x64xf32, #tpu.memory_space<vmem>> -> memref<1x64xf32, #tpu.memory_space<vmem>>
      %dma_start3A_245 = tpu.memref_squeeze %dma_start3A_244 : memref<1x64xf32, #tpu.memory_space<vmem>> -> memref<64xf32, #tpu.memory_space<vmem>>
      %dma_start3A_246 = arith.constant 0 : i32
      %dma_start3A_247 = tpu.memref_slice %arg4[%shift_right_logical3A_236, %and3A_238, %dma_start3A_246] : memref<12500x8x64xf32, #tpu.memory_space<hbm>> -> memref<1x1x64xf32, #tpu.memory_space<hbm>>
      %dma_start3A_248 = tpu.memref_squeeze %dma_start3A_247 : memref<1x1x64xf32, #tpu.memory_space<hbm>> -> memref<64xf32, #tpu.memory_space<hbm>>
      %dma_start3A_249 = arith.constant 0 : i32
      %dma_start3A_250 = tpu.memref_slice %arg10[%add3A_242, %dma_start3A_249] : memref<128x64xf32, #tpu.memory_space<vmem>> -> memref<1x64xf32, #tpu.memory_space<vmem>>
      %dma_start3A_251 = tpu.memref_squeeze %dma_start3A_250 : memref<1x64xf32, #tpu.memory_space<vmem>> -> memref<64xf32, #tpu.memory_space<vmem>>
      %dma_start3A_252 = arith.constant 0 : i32
      %dma_start3A_253 = tpu.memref_slice %arg4[%shift_right_logical3A_236, %and3A_238, %dma_start3A_252] : memref<12500x8x64xf32, #tpu.memory_space<hbm>> -> memref<1x1x64xf32, #tpu.memory_space<hbm>>
      %dma_start3A_254 = tpu.memref_squeeze %dma_start3A_253 : memref<1x1x64xf32, #tpu.memory_space<hbm>> -> memref<64xf32, #tpu.memory_space<hbm>>
      tpu.enqueue_dma source(%dma_start3A_254 : memref<64xf32, #tpu.memory_space<hbm>>) target(%dma_start3A_251 : memref<64xf32, #tpu.memory_space<vmem>>) target_semaphore(%arg13 : memref<!tpu.dma_semaphore, #tpu.memory_space<semaphore_mem>>)
      %slice3A_255 = vector.extract_strided_slice %get3A_126 {offsets = [6], sizes = [1], strides = [1]} : vector<16xi32> to vector<1xi32>
      %squeeze3A_256 = vector.extract %slice3A_255[0] : i32 from vector<1xi32>
      %shift_right_logical3A_257 = arith.constant 3 : i32
      %shift_right_logical3A_258 = arith.shrui %squeeze3A_256, %shift_right_logical3A_257 : i32
      %and3A_259 = arith.constant 7 : i32
      %and3A_260 = arith.andi %squeeze3A_256, %and3A_259 : i32
      %mul3A_261 = arith.constant 16 : i32
      %mul3A_262 = arith.muli %add3A_121, %mul3A_261 : i32
      %add3A_263 = arith.constant 6 : i32
      %add3A_264 = arith.addi %mul3A_262, %add3A_263 : i32
      %dma_start3A_265 = arith.constant 0 : i32
      %dma_start3A_266 = tpu.memref_slice %arg10[%add3A_264, %dma_start3A_265] : memref<128x64xf32, #tpu.memory_space<vmem>> -> memref<1x64xf32, #tpu.memory_space<vmem>>
      %dma_start3A_267 = tpu.memref_squeeze %dma_start3A_266 : memref<1x64xf32, #tpu.memory_space<vmem>> -> memref<64xf32, #tpu.memory_space<vmem>>
      %dma_start3A_268 = arith.constant 0 : i32
      %dma_start3A_269 = tpu.memref_slice %arg4[%shift_right_logical3A_258, %and3A_260, %dma_start3A_268] : memref<12500x8x64xf32, #tpu.memory_space<hbm>> -> memref<1x1x64xf32, #tpu.memory_space<hbm>>
      %dma_start3A_270 = tpu.memref_squeeze %dma_start3A_269 : memref<1x1x64xf32, #tpu.memory_space<hbm>> -> memref<64xf32, #tpu.memory_space<hbm>>
      %dma_start3A_271 = arith.constant 0 : i32
      %dma_start3A_272 = tpu.memref_slice %arg10[%add3A_264, %dma_start3A_271] : memref<128x64xf32, #tpu.memory_space<vmem>> -> memref<1x64xf32, #tpu.memory_space<vmem>>
      %dma_start3A_273 = tpu.memref_squeeze %dma_start3A_272 : memref<1x64xf32, #tpu.memory_space<vmem>> -> memref<64xf32, #tpu.memory_space<vmem>>
      %dma_start3A_274 = arith.constant 0 : i32
      %dma_start3A_275 = tpu.memref_slice %arg4[%shift_right_logical3A_258, %and3A_260, %dma_start3A_274] : memref<12500x8x64xf32, #tpu.memory_space<hbm>> -> memref<1x1x64xf32, #tpu.memory_space<hbm>>
      %dma_start3A_276 = tpu.memref_squeeze %dma_start3A_275 : memref<1x1x64xf32, #tpu.memory_space<hbm>> -> memref<64xf32, #tpu.memory_space<hbm>>
      tpu.enqueue_dma source(%dma_start3A_276 : memref<64xf32, #tpu.memory_space<hbm>>) target(%dma_start3A_273 : memref<64xf32, #tpu.memory_space<vmem>>) target_semaphore(%arg13 : memref<!tpu.dma_semaphore, #tpu.memory_space<semaphore_mem>>)
      %slice3A_277 = vector.extract_strided_slice %get3A_126 {offsets = [7], sizes = [1], strides = [1]} : vector<16xi32> to vector<1xi32>
      %squeeze3A_278 = vector.extract %slice3A_277[0] : i32 from vector<1xi32>
      %shift_right_logical3A_279 = arith.constant 3 : i32
      %shift_right_logical3A_280 = arith.shrui %squeeze3A_278, %shift_right_logical3A_279 : i32
      %and3A_281 = arith.constant 7 : i32
      %and3A_282 = arith.andi %squeeze3A_278, %and3A_281 : i32
      %mul3A_283 = arith.constant 16 : i32
      %mul3A_284 = arith.muli %add3A_121, %mul3A_283 : i32
      %add3A_285 = arith.constant 7 : i32
      %add3A_286 = arith.addi %mul3A_284, %add3A_285 : i32
      %dma_start3A_287 = arith.constant 0 : i32
      %dma_start3A_288 = tpu.memref_slice %arg10[%add3A_286, %dma_start3A_287] : memref<128x64xf32, #tpu.memory_space<vmem>> -> memref<1x64xf32, #tpu.memory_space<vmem>>
      %dma_start3A_289 = tpu.memref_squeeze %dma_start3A_288 : memref<1x64xf32, #tpu.memory_space<vmem>> -> memref<64xf32, #tpu.memory_space<vmem>>
      %dma_start3A_290 = arith.constant 0 : i32
      %dma_start3A_291 = tpu.memref_slice %arg4[%shift_right_logical3A_280, %and3A_282, %dma_start3A_290] : memref<12500x8x64xf32, #tpu.memory_space<hbm>> -> memref<1x1x64xf32, #tpu.memory_space<hbm>>
      %dma_start3A_292 = tpu.memref_squeeze %dma_start3A_291 : memref<1x1x64xf32, #tpu.memory_space<hbm>> -> memref<64xf32, #tpu.memory_space<hbm>>
      %dma_start3A_293 = arith.constant 0 : i32
      %dma_start3A_294 = tpu.memref_slice %arg10[%add3A_286, %dma_start3A_293] : memref<128x64xf32, #tpu.memory_space<vmem>> -> memref<1x64xf32, #tpu.memory_space<vmem>>
      %dma_start3A_295 = tpu.memref_squeeze %dma_start3A_294 : memref<1x64xf32, #tpu.memory_space<vmem>> -> memref<64xf32, #tpu.memory_space<vmem>>
      %dma_start3A_296 = arith.constant 0 : i32
      %dma_start3A_297 = tpu.memref_slice %arg4[%shift_right_logical3A_280, %and3A_282, %dma_start3A_296] : memref<12500x8x64xf32, #tpu.memory_space<hbm>> -> memref<1x1x64xf32, #tpu.memory_space<hbm>>
      %dma_start3A_298 = tpu.memref_squeeze %dma_start3A_297 : memref<1x1x64xf32, #tpu.memory_space<hbm>> -> memref<64xf32, #tpu.memory_space<hbm>>
      tpu.enqueue_dma source(%dma_start3A_298 : memref<64xf32, #tpu.memory_space<hbm>>) target(%dma_start3A_295 : memref<64xf32, #tpu.memory_space<vmem>>) target_semaphore(%arg13 : memref<!tpu.dma_semaphore, #tpu.memory_space<semaphore_mem>>)
      %slice3A_299 = vector.extract_strided_slice %get3A_126 {offsets = [8], sizes = [1], strides = [1]} : vector<16xi32> to vector<1xi32>
      %squeeze3A_300 = vector.extract %slice3A_299[0] : i32 from vector<1xi32>
      %shift_right_logical3A_301 = arith.constant 3 : i32
      %shift_right_logical3A_302 = arith.shrui %squeeze3A_300, %shift_right_logical3A_301 : i32
      %and3A_303 = arith.constant 7 : i32
      %and3A_304 = arith.andi %squeeze3A_300, %and3A_303 : i32
      %mul3A_305 = arith.constant 16 : i32
      %mul3A_306 = arith.muli %add3A_121, %mul3A_305 : i32
      %add3A_307 = arith.constant 8 : i32
      %add3A_308 = arith.addi %mul3A_306, %add3A_307 : i32
      %dma_start3A_309 = arith.constant 0 : i32
      %dma_start3A_310 = tpu.memref_slice %arg10[%add3A_308, %dma_start3A_309] : memref<128x64xf32, #tpu.memory_space<vmem>> -> memref<1x64xf32, #tpu.memory_space<vmem>>
      %dma_start3A_311 = tpu.memref_squeeze %dma_start3A_310 : memref<1x64xf32, #tpu.memory_space<vmem>> -> memref<64xf32, #tpu.memory_space<vmem>>
      %dma_start3A_312 = arith.constant 0 : i32
      %dma_start3A_313 = tpu.memref_slice %arg4[%shift_right_logical3A_302, %and3A_304, %dma_start3A_312] : memref<12500x8x64xf32, #tpu.memory_space<hbm>> -> memref<1x1x64xf32, #tpu.memory_space<hbm>>
      %dma_start3A_314 = tpu.memref_squeeze %dma_start3A_313 : memref<1x1x64xf32, #tpu.memory_space<hbm>> -> memref<64xf32, #tpu.memory_space<hbm>>
      %dma_start3A_315 = arith.constant 0 : i32
      %dma_start3A_316 = tpu.memref_slice %arg10[%add3A_308, %dma_start3A_315] : memref<128x64xf32, #tpu.memory_space<vmem>> -> memref<1x64xf32, #tpu.memory_space<vmem>>
      %dma_start3A_317 = tpu.memref_squeeze %dma_start3A_316 : memref<1x64xf32, #tpu.memory_space<vmem>> -> memref<64xf32, #tpu.memory_space<vmem>>
      %dma_start3A_318 = arith.constant 0 : i32
      %dma_start3A_319 = tpu.memref_slice %arg4[%shift_right_logical3A_302, %and3A_304, %dma_start3A_318] : memref<12500x8x64xf32, #tpu.memory_space<hbm>> -> memref<1x1x64xf32, #tpu.memory_space<hbm>>
      %dma_start3A_320 = tpu.memref_squeeze %dma_start3A_319 : memref<1x1x64xf32, #tpu.memory_space<hbm>> -> memref<64xf32, #tpu.memory_space<hbm>>
      tpu.enqueue_dma source(%dma_start3A_320 : memref<64xf32, #tpu.memory_space<hbm>>) target(%dma_start3A_317 : memref<64xf32, #tpu.memory_space<vmem>>) target_semaphore(%arg13 : memref<!tpu.dma_semaphore, #tpu.memory_space<semaphore_mem>>)
      %slice3A_321 = vector.extract_strided_slice %get3A_126 {offsets = [9], sizes = [1], strides = [1]} : vector<16xi32> to vector<1xi32>
      %squeeze3A_322 = vector.extract %slice3A_321[0] : i32 from vector<1xi32>
      %shift_right_logical3A_323 = arith.constant 3 : i32
      %shift_right_logical3A_324 = arith.shrui %squeeze3A_322, %shift_right_logical3A_323 : i32
      %and3A_325 = arith.constant 7 : i32
      %and3A_326 = arith.andi %squeeze3A_322, %and3A_325 : i32
      %mul3A_327 = arith.constant 16 : i32
      %mul3A_328 = arith.muli %add3A_121, %mul3A_327 : i32
      %add3A_329 = arith.constant 9 : i32
      %add3A_330 = arith.addi %mul3A_328, %add3A_329 : i32
      %dma_start3A_331 = arith.constant 0 : i32
      %dma_start3A_332 = tpu.memref_slice %arg10[%add3A_330, %dma_start3A_331] : memref<128x64xf32, #tpu.memory_space<vmem>> -> memref<1x64xf32, #tpu.memory_space<vmem>>
      %dma_start3A_333 = tpu.memref_squeeze %dma_start3A_332 : memref<1x64xf32, #tpu.memory_space<vmem>> -> memref<64xf32, #tpu.memory_space<vmem>>
      %dma_start3A_334 = arith.constant 0 : i32
      %dma_start3A_335 = tpu.memref_slice %arg4[%shift_right_logical3A_324, %and3A_326, %dma_start3A_334] : memref<12500x8x64xf32, #tpu.memory_space<hbm>> -> memref<1x1x64xf32, #tpu.memory_space<hbm>>
      %dma_start3A_336 = tpu.memref_squeeze %dma_start3A_335 : memref<1x1x64xf32, #tpu.memory_space<hbm>> -> memref<64xf32, #tpu.memory_space<hbm>>
      %dma_start3A_337 = arith.constant 0 : i32
      %dma_start3A_338 = tpu.memref_slice %arg10[%add3A_330, %dma_start3A_337] : memref<128x64xf32, #tpu.memory_space<vmem>> -> memref<1x64xf32, #tpu.memory_space<vmem>>
      %dma_start3A_339 = tpu.memref_squeeze %dma_start3A_338 : memref<1x64xf32, #tpu.memory_space<vmem>> -> memref<64xf32, #tpu.memory_space<vmem>>
      %dma_start3A_340 = arith.constant 0 : i32
      %dma_start3A_341 = tpu.memref_slice %arg4[%shift_right_logical3A_324, %and3A_326, %dma_start3A_340] : memref<12500x8x64xf32, #tpu.memory_space<hbm>> -> memref<1x1x64xf32, #tpu.memory_space<hbm>>
      %dma_start3A_342 = tpu.memref_squeeze %dma_start3A_341 : memref<1x1x64xf32, #tpu.memory_space<hbm>> -> memref<64xf32, #tpu.memory_space<hbm>>
      tpu.enqueue_dma source(%dma_start3A_342 : memref<64xf32, #tpu.memory_space<hbm>>) target(%dma_start3A_339 : memref<64xf32, #tpu.memory_space<vmem>>) target_semaphore(%arg13 : memref<!tpu.dma_semaphore, #tpu.memory_space<semaphore_mem>>)
      %slice3A_343 = vector.extract_strided_slice %get3A_126 {offsets = [10], sizes = [1], strides = [1]} : vector<16xi32> to vector<1xi32>
      %squeeze3A_344 = vector.extract %slice3A_343[0] : i32 from vector<1xi32>
      %shift_right_logical3A_345 = arith.constant 3 : i32
      %shift_right_logical3A_346 = arith.shrui %squeeze3A_344, %shift_right_logical3A_345 : i32
      %and3A_347 = arith.constant 7 : i32
      %and3A_348 = arith.andi %squeeze3A_344, %and3A_347 : i32
      %mul3A_349 = arith.constant 16 : i32
      %mul3A_350 = arith.muli %add3A_121, %mul3A_349 : i32
      %add3A_351 = arith.constant 10 : i32
      %add3A_352 = arith.addi %mul3A_350, %add3A_351 : i32
      %dma_start3A_353 = arith.constant 0 : i32
      %dma_start3A_354 = tpu.memref_slice %arg10[%add3A_352, %dma_start3A_353] : memref<128x64xf32, #tpu.memory_space<vmem>> -> memref<1x64xf32, #tpu.memory_space<vmem>>
      %dma_start3A_355 = tpu.memref_squeeze %dma_start3A_354 : memref<1x64xf32, #tpu.memory_space<vmem>> -> memref<64xf32, #tpu.memory_space<vmem>>
      %dma_start3A_356 = arith.constant 0 : i32
      %dma_start3A_357 = tpu.memref_slice %arg4[%shift_right_logical3A_346, %and3A_348, %dma_start3A_356] : memref<12500x8x64xf32, #tpu.memory_space<hbm>> -> memref<1x1x64xf32, #tpu.memory_space<hbm>>
      %dma_start3A_358 = tpu.memref_squeeze %dma_start3A_357 : memref<1x1x64xf32, #tpu.memory_space<hbm>> -> memref<64xf32, #tpu.memory_space<hbm>>
      %dma_start3A_359 = arith.constant 0 : i32
      %dma_start3A_360 = tpu.memref_slice %arg10[%add3A_352, %dma_start3A_359] : memref<128x64xf32, #tpu.memory_space<vmem>> -> memref<1x64xf32, #tpu.memory_space<vmem>>
      %dma_start3A_361 = tpu.memref_squeeze %dma_start3A_360 : memref<1x64xf32, #tpu.memory_space<vmem>> -> memref<64xf32, #tpu.memory_space<vmem>>
      %dma_start3A_362 = arith.constant 0 : i32
      %dma_start3A_363 = tpu.memref_slice %arg4[%shift_right_logical3A_346, %and3A_348, %dma_start3A_362] : memref<12500x8x64xf32, #tpu.memory_space<hbm>> -> memref<1x1x64xf32, #tpu.memory_space<hbm>>
      %dma_start3A_364 = tpu.memref_squeeze %dma_start3A_363 : memref<1x1x64xf32, #tpu.memory_space<hbm>> -> memref<64xf32, #tpu.memory_space<hbm>>
      tpu.enqueue_dma source(%dma_start3A_364 : memref<64xf32, #tpu.memory_space<hbm>>) target(%dma_start3A_361 : memref<64xf32, #tpu.memory_space<vmem>>) target_semaphore(%arg13 : memref<!tpu.dma_semaphore, #tpu.memory_space<semaphore_mem>>)
      %slice3A_365 = vector.extract_strided_slice %get3A_126 {offsets = [11], sizes = [1], strides = [1]} : vector<16xi32> to vector<1xi32>
      %squeeze3A_366 = vector.extract %slice3A_365[0] : i32 from vector<1xi32>
      %shift_right_logical3A_367 = arith.constant 3 : i32
      %shift_right_logical3A_368 = arith.shrui %squeeze3A_366, %shift_right_logical3A_367 : i32
      %and3A_369 = arith.constant 7 : i32
      %and3A_370 = arith.andi %squeeze3A_366, %and3A_369 : i32
      %mul3A_371 = arith.constant 16 : i32
      %mul3A_372 = arith.muli %add3A_121, %mul3A_371 : i32
      %add3A_373 = arith.constant 11 : i32
      %add3A_374 = arith.addi %mul3A_372, %add3A_373 : i32
      %dma_start3A_375 = arith.constant 0 : i32
      %dma_start3A_376 = tpu.memref_slice %arg10[%add3A_374, %dma_start3A_375] : memref<128x64xf32, #tpu.memory_space<vmem>> -> memref<1x64xf32, #tpu.memory_space<vmem>>
      %dma_start3A_377 = tpu.memref_squeeze %dma_start3A_376 : memref<1x64xf32, #tpu.memory_space<vmem>> -> memref<64xf32, #tpu.memory_space<vmem>>
      %dma_start3A_378 = arith.constant 0 : i32
      %dma_start3A_379 = tpu.memref_slice %arg4[%shift_right_logical3A_368, %and3A_370, %dma_start3A_378] : memref<12500x8x64xf32, #tpu.memory_space<hbm>> -> memref<1x1x64xf32, #tpu.memory_space<hbm>>
      %dma_start3A_380 = tpu.memref_squeeze %dma_start3A_379 : memref<1x1x64xf32, #tpu.memory_space<hbm>> -> memref<64xf32, #tpu.memory_space<hbm>>
      %dma_start3A_381 = arith.constant 0 : i32
      %dma_start3A_382 = tpu.memref_slice %arg10[%add3A_374, %dma_start3A_381] : memref<128x64xf32, #tpu.memory_space<vmem>> -> memref<1x64xf32, #tpu.memory_space<vmem>>
      %dma_start3A_383 = tpu.memref_squeeze %dma_start3A_382 : memref<1x64xf32, #tpu.memory_space<vmem>> -> memref<64xf32, #tpu.memory_space<vmem>>
      %dma_start3A_384 = arith.constant 0 : i32
      %dma_start3A_385 = tpu.memref_slice %arg4[%shift_right_logical3A_368, %and3A_370, %dma_start3A_384] : memref<12500x8x64xf32, #tpu.memory_space<hbm>> -> memref<1x1x64xf32, #tpu.memory_space<hbm>>
      %dma_start3A_386 = tpu.memref_squeeze %dma_start3A_385 : memref<1x1x64xf32, #tpu.memory_space<hbm>> -> memref<64xf32, #tpu.memory_space<hbm>>
      tpu.enqueue_dma source(%dma_start3A_386 : memref<64xf32, #tpu.memory_space<hbm>>) target(%dma_start3A_383 : memref<64xf32, #tpu.memory_space<vmem>>) target_semaphore(%arg13 : memref<!tpu.dma_semaphore, #tpu.memory_space<semaphore_mem>>)
      %slice3A_387 = vector.extract_strided_slice %get3A_126 {offsets = [12], sizes = [1], strides = [1]} : vector<16xi32> to vector<1xi32>
      %squeeze3A_388 = vector.extract %slice3A_387[0] : i32 from vector<1xi32>
      %shift_right_logical3A_389 = arith.constant 3 : i32
      %shift_right_logical3A_390 = arith.shrui %squeeze3A_388, %shift_right_logical3A_389 : i32
      %and3A_391 = arith.constant 7 : i32
      %and3A_392 = arith.andi %squeeze3A_388, %and3A_391 : i32
      %mul3A_393 = arith.constant 16 : i32
      %mul3A_394 = arith.muli %add3A_121, %mul3A_393 : i32
      %add3A_395 = arith.constant 12 : i32
      %add3A_396 = arith.addi %mul3A_394, %add3A_395 : i32
      %dma_start3A_397 = arith.constant 0 : i32
      %dma_start3A_398 = tpu.memref_slice %arg10[%add3A_396, %dma_start3A_397] : memref<128x64xf32, #tpu.memory_space<vmem>> -> memref<1x64xf32, #tpu.memory_space<vmem>>
      %dma_start3A_399 = tpu.memref_squeeze %dma_start3A_398 : memref<1x64xf32, #tpu.memory_space<vmem>> -> memref<64xf32, #tpu.memory_space<vmem>>
      %dma_start3A_400 = arith.constant 0 : i32
      %dma_start3A_401 = tpu.memref_slice %arg4[%shift_right_logical3A_390, %and3A_392, %dma_start3A_400] : memref<12500x8x64xf32, #tpu.memory_space<hbm>> -> memref<1x1x64xf32, #tpu.memory_space<hbm>>
      %dma_start3A_402 = tpu.memref_squeeze %dma_start3A_401 : memref<1x1x64xf32, #tpu.memory_space<hbm>> -> memref<64xf32, #tpu.memory_space<hbm>>
      %dma_start3A_403 = arith.constant 0 : i32
      %dma_start3A_404 = tpu.memref_slice %arg10[%add3A_396, %dma_start3A_403] : memref<128x64xf32, #tpu.memory_space<vmem>> -> memref<1x64xf32, #tpu.memory_space<vmem>>
      %dma_start3A_405 = tpu.memref_squeeze %dma_start3A_404 : memref<1x64xf32, #tpu.memory_space<vmem>> -> memref<64xf32, #tpu.memory_space<vmem>>
      %dma_start3A_406 = arith.constant 0 : i32
      %dma_start3A_407 = tpu.memref_slice %arg4[%shift_right_logical3A_390, %and3A_392, %dma_start3A_406] : memref<12500x8x64xf32, #tpu.memory_space<hbm>> -> memref<1x1x64xf32, #tpu.memory_space<hbm>>
      %dma_start3A_408 = tpu.memref_squeeze %dma_start3A_407 : memref<1x1x64xf32, #tpu.memory_space<hbm>> -> memref<64xf32, #tpu.memory_space<hbm>>
      tpu.enqueue_dma source(%dma_start3A_408 : memref<64xf32, #tpu.memory_space<hbm>>) target(%dma_start3A_405 : memref<64xf32, #tpu.memory_space<vmem>>) target_semaphore(%arg13 : memref<!tpu.dma_semaphore, #tpu.memory_space<semaphore_mem>>)
      %slice3A_409 = vector.extract_strided_slice %get3A_126 {offsets = [13], sizes = [1], strides = [1]} : vector<16xi32> to vector<1xi32>
      %squeeze3A_410 = vector.extract %slice3A_409[0] : i32 from vector<1xi32>
      %shift_right_logical3A_411 = arith.constant 3 : i32
      %shift_right_logical3A_412 = arith.shrui %squeeze3A_410, %shift_right_logical3A_411 : i32
      %and3A_413 = arith.constant 7 : i32
      %and3A_414 = arith.andi %squeeze3A_410, %and3A_413 : i32
      %mul3A_415 = arith.constant 16 : i32
      %mul3A_416 = arith.muli %add3A_121, %mul3A_415 : i32
      %add3A_417 = arith.constant 13 : i32
      %add3A_418 = arith.addi %mul3A_416, %add3A_417 : i32
      %dma_start3A_419 = arith.constant 0 : i32
      %dma_start3A_420 = tpu.memref_slice %arg10[%add3A_418, %dma_start3A_419] : memref<128x64xf32, #tpu.memory_space<vmem>> -> memref<1x64xf32, #tpu.memory_space<vmem>>
      %dma_start3A_421 = tpu.memref_squeeze %dma_start3A_420 : memref<1x64xf32, #tpu.memory_space<vmem>> -> memref<64xf32, #tpu.memory_space<vmem>>
      %dma_start3A_422 = arith.constant 0 : i32
      %dma_start3A_423 = tpu.memref_slice %arg4[%shift_right_logical3A_412, %and3A_414, %dma_start3A_422] : memref<12500x8x64xf32, #tpu.memory_space<hbm>> -> memref<1x1x64xf32, #tpu.memory_space<hbm>>
      %dma_start3A_424 = tpu.memref_squeeze %dma_start3A_423 : memref<1x1x64xf32, #tpu.memory_space<hbm>> -> memref<64xf32, #tpu.memory_space<hbm>>
      %dma_start3A_425 = arith.constant 0 : i32
      %dma_start3A_426 = tpu.memref_slice %arg10[%add3A_418, %dma_start3A_425] : memref<128x64xf32, #tpu.memory_space<vmem>> -> memref<1x64xf32, #tpu.memory_space<vmem>>
      %dma_start3A_427 = tpu.memref_squeeze %dma_start3A_426 : memref<1x64xf32, #tpu.memory_space<vmem>> -> memref<64xf32, #tpu.memory_space<vmem>>
      %dma_start3A_428 = arith.constant 0 : i32
      %dma_start3A_429 = tpu.memref_slice %arg4[%shift_right_logical3A_412, %and3A_414, %dma_start3A_428] : memref<12500x8x64xf32, #tpu.memory_space<hbm>> -> memref<1x1x64xf32, #tpu.memory_space<hbm>>
      %dma_start3A_430 = tpu.memref_squeeze %dma_start3A_429 : memref<1x1x64xf32, #tpu.memory_space<hbm>> -> memref<64xf32, #tpu.memory_space<hbm>>
      tpu.enqueue_dma source(%dma_start3A_430 : memref<64xf32, #tpu.memory_space<hbm>>) target(%dma_start3A_427 : memref<64xf32, #tpu.memory_space<vmem>>) target_semaphore(%arg13 : memref<!tpu.dma_semaphore, #tpu.memory_space<semaphore_mem>>)
      %slice3A_431 = vector.extract_strided_slice %get3A_126 {offsets = [14], sizes = [1], strides = [1]} : vector<16xi32> to vector<1xi32>
      %squeeze3A_432 = vector.extract %slice3A_431[0] : i32 from vector<1xi32>
      %shift_right_logical3A_433 = arith.constant 3 : i32
      %shift_right_logical3A_434 = arith.shrui %squeeze3A_432, %shift_right_logical3A_433 : i32
      %and3A_435 = arith.constant 7 : i32
      %and3A_436 = arith.andi %squeeze3A_432, %and3A_435 : i32
      %mul3A_437 = arith.constant 16 : i32
      %mul3A_438 = arith.muli %add3A_121, %mul3A_437 : i32
      %add3A_439 = arith.constant 14 : i32
      %add3A_440 = arith.addi %mul3A_438, %add3A_439 : i32
      %dma_start3A_441 = arith.constant 0 : i32
      %dma_start3A_442 = tpu.memref_slice %arg10[%add3A_440, %dma_start3A_441] : memref<128x64xf32, #tpu.memory_space<vmem>> -> memref<1x64xf32, #tpu.memory_space<vmem>>
      %dma_start3A_443 = tpu.memref_squeeze %dma_start3A_442 : memref<1x64xf32, #tpu.memory_space<vmem>> -> memref<64xf32, #tpu.memory_space<vmem>>
      %dma_start3A_444 = arith.constant 0 : i32
      %dma_start3A_445 = tpu.memref_slice %arg4[%shift_right_logical3A_434, %and3A_436, %dma_start3A_444] : memref<12500x8x64xf32, #tpu.memory_space<hbm>> -> memref<1x1x64xf32, #tpu.memory_space<hbm>>
      %dma_start3A_446 = tpu.memref_squeeze %dma_start3A_445 : memref<1x1x64xf32, #tpu.memory_space<hbm>> -> memref<64xf32, #tpu.memory_space<hbm>>
      %dma_start3A_447 = arith.constant 0 : i32
      %dma_start3A_448 = tpu.memref_slice %arg10[%add3A_440, %dma_start3A_447] : memref<128x64xf32, #tpu.memory_space<vmem>> -> memref<1x64xf32, #tpu.memory_space<vmem>>
      %dma_start3A_449 = tpu.memref_squeeze %dma_start3A_448 : memref<1x64xf32, #tpu.memory_space<vmem>> -> memref<64xf32, #tpu.memory_space<vmem>>
      %dma_start3A_450 = arith.constant 0 : i32
      %dma_start3A_451 = tpu.memref_slice %arg4[%shift_right_logical3A_434, %and3A_436, %dma_start3A_450] : memref<12500x8x64xf32, #tpu.memory_space<hbm>> -> memref<1x1x64xf32, #tpu.memory_space<hbm>>
      %dma_start3A_452 = tpu.memref_squeeze %dma_start3A_451 : memref<1x1x64xf32, #tpu.memory_space<hbm>> -> memref<64xf32, #tpu.memory_space<hbm>>
      tpu.enqueue_dma source(%dma_start3A_452 : memref<64xf32, #tpu.memory_space<hbm>>) target(%dma_start3A_449 : memref<64xf32, #tpu.memory_space<vmem>>) target_semaphore(%arg13 : memref<!tpu.dma_semaphore, #tpu.memory_space<semaphore_mem>>)
      %slice3A_453 = vector.extract_strided_slice %get3A_126 {offsets = [15], sizes = [1], strides = [1]} : vector<16xi32> to vector<1xi32>
      %squeeze3A_454 = vector.extract %slice3A_453[0] : i32 from vector<1xi32>
      %shift_right_logical3A_455 = arith.constant 3 : i32
      %shift_right_logical3A_456 = arith.shrui %squeeze3A_454, %shift_right_logical3A_455 : i32
      %and3A_457 = arith.constant 7 : i32
      %and3A_458 = arith.andi %squeeze3A_454, %and3A_457 : i32
      %mul3A_459 = arith.constant 16 : i32
      %mul3A_460 = arith.muli %add3A_121, %mul3A_459 : i32
      %add3A_461 = arith.constant 15 : i32
      %add3A_462 = arith.addi %mul3A_460, %add3A_461 : i32
      %dma_start3A_463 = arith.constant 0 : i32
      %dma_start3A_464 = tpu.memref_slice %arg10[%add3A_462, %dma_start3A_463] : memref<128x64xf32, #tpu.memory_space<vmem>> -> memref<1x64xf32, #tpu.memory_space<vmem>>
      %dma_start3A_465 = tpu.memref_squeeze %dma_start3A_464 : memref<1x64xf32, #tpu.memory_space<vmem>> -> memref<64xf32, #tpu.memory_space<vmem>>
      %dma_start3A_466 = arith.constant 0 : i32
      %dma_start3A_467 = tpu.memref_slice %arg4[%shift_right_logical3A_456, %and3A_458, %dma_start3A_466] : memref<12500x8x64xf32, #tpu.memory_space<hbm>> -> memref<1x1x64xf32, #tpu.memory_space<hbm>>
      %dma_start3A_468 = tpu.memref_squeeze %dma_start3A_467 : memref<1x1x64xf32, #tpu.memory_space<hbm>> -> memref<64xf32, #tpu.memory_space<hbm>>
      %dma_start3A_469 = arith.constant 0 : i32
      %dma_start3A_470 = tpu.memref_slice %arg10[%add3A_462, %dma_start3A_469] : memref<128x64xf32, #tpu.memory_space<vmem>> -> memref<1x64xf32, #tpu.memory_space<vmem>>
      %dma_start3A_471 = tpu.memref_squeeze %dma_start3A_470 : memref<1x64xf32, #tpu.memory_space<vmem>> -> memref<64xf32, #tpu.memory_space<vmem>>
      %dma_start3A_472 = arith.constant 0 : i32
      %dma_start3A_473 = tpu.memref_slice %arg4[%shift_right_logical3A_456, %and3A_458, %dma_start3A_472] : memref<12500x8x64xf32, #tpu.memory_space<hbm>> -> memref<1x1x64xf32, #tpu.memory_space<hbm>>
      %dma_start3A_474 = tpu.memref_squeeze %dma_start3A_473 : memref<1x1x64xf32, #tpu.memory_space<hbm>> -> memref<64xf32, #tpu.memory_space<hbm>>
      tpu.enqueue_dma source(%dma_start3A_474 : memref<64xf32, #tpu.memory_space<hbm>>) target(%dma_start3A_471 : memref<64xf32, #tpu.memory_space<vmem>>) target_semaphore(%arg13 : memref<!tpu.dma_semaphore, #tpu.memory_space<semaphore_mem>>)
    }
    %scan3A_17 = arith.constant 8 : i32
    %add3A_18 = arith.constant 128 : i32
    %add3A_19 = arith.addi %mul3A_2, %add3A_18 : i32
    %dma_start3A_20 = arith.constant 0 : i32
    %dma_start3A_21 = tpu.memref_slice %arg2[%add3A_19, %dma_start3A_20] : memref<16384x64xf32, #tpu.memory_space<hbm>> -> memref<128x64xf32, #tpu.memory_space<hbm>>
    %dma_start3A_22 = arith.constant 0 : i32
    %dma_start3A_23 = tpu.memref_slice %arg2[%add3A_19, %dma_start3A_22] : memref<16384x64xf32, #tpu.memory_space<hbm>> -> memref<128x64xf32, #tpu.memory_space<hbm>>
    tpu.enqueue_dma source(%dma_start3A_23 : memref<128x64xf32, #tpu.memory_space<hbm>>) target(%arg8 : memref<128x64xf32, #tpu.memory_space<vmem>>) target_semaphore(%arg15 : memref<!tpu.dma_semaphore, #tpu.memory_space<semaphore_mem>>)
    %scan3A_24 = arith.constant 0 : i32
    %scan3A_25 = arith.constant 128 : i32
    %scan3A_26 = arith.addi %scan3A_24, %scan3A_25 : i32
    %scan3A_27 = arith.constant 1 : i32
    scf.for %scan3A_117 = %scan3A_24 to %scan3A_26 step %scan3A_27  : i32 {
      %mul3A_118 = arith.constant 1 : i32
      %mul3A_119 = arith.muli %scan3A_117, %mul3A_118 : i32
      %add3A_120 = arith.constant 0 : i32
      %add3A_121 = arith.addi %add3A_120, %mul3A_119 : i32
      %dma_wait3A_122 = arith.constant 0 : i32
      %dma_wait3A_123 = arith.constant 0 : i32
      %dma_wait3A_124 = arith.constant 0 : i32
      %dma_wait3A_125 = arith.constant 0 : i32
      %dma_wait3A_126 = tpu.memref_slice %arg9[%dma_wait3A_124, %dma_wait3A_125] : memref<128x64xf32, #tpu.memory_space<vmem>> -> memref<1x64xf32, #tpu.memory_space<vmem>>
      %dma_wait3A_127 = tpu.memref_squeeze %dma_wait3A_126 : memref<1x64xf32, #tpu.memory_space<vmem>> -> memref<64xf32, #tpu.memory_space<vmem>>
      %dma_wait3A_128 = arith.constant 0 : i32
      %dma_wait3A_129 = tpu.memref_slice %arg4[%dma_wait3A_122, %dma_wait3A_123, %dma_wait3A_128] : memref<12500x8x64xf32, #tpu.memory_space<hbm>> -> memref<1x1x64xf32, #tpu.memory_space<hbm>>
      %dma_wait3A_130 = tpu.memref_squeeze %dma_wait3A_129 : memref<1x1x64xf32, #tpu.memory_space<hbm>> -> memref<64xf32, #tpu.memory_space<hbm>>
      %dma_wait3A_131 = arith.constant 0 : i32
      %dma_wait3A_132 = tpu.memref_slice %arg9[%dma_wait3A_124, %dma_wait3A_131] : memref<128x64xf32, #tpu.memory_space<vmem>> -> memref<1x64xf32, #tpu.memory_space<vmem>>
      %dma_wait3A_133 = tpu.memref_squeeze %dma_wait3A_132 : memref<1x64xf32, #tpu.memory_space<vmem>> -> memref<64xf32, #tpu.memory_space<vmem>>
      %dma_wait3A_134 = arith.constant 0 : i32
      %dma_wait3A_135 = tpu.memref_slice %arg4[%dma_wait3A_122, %dma_wait3A_123, %dma_wait3A_134] : memref<12500x8x64xf32, #tpu.memory_space<hbm>> -> memref<1x1x64xf32, #tpu.memory_space<hbm>>
      %dma_wait3A_136 = tpu.memref_squeeze %dma_wait3A_135 : memref<1x1x64xf32, #tpu.memory_space<hbm>> -> memref<64xf32, #tpu.memory_space<hbm>>
      tpu.wait_dma2 semaphore(%arg12 : memref<!tpu.dma_semaphore, #tpu.memory_space<semaphore_mem>>) src(%dma_wait3A_136 : memref<64xf32, #tpu.memory_space<hbm>>) dst(%dma_wait3A_133 : memref<64xf32, #tpu.memory_space<vmem>>)
    }
    %scan3A_28 = arith.constant 128 : i32
    %add3A_29 = arith.constant 0 : i32
    %add3A_30 = arith.addi %mul3A_2, %add3A_29 : i32
    %dma_wait3A = arith.constant 0 : i32
    %dma_wait3A_31 = tpu.memref_slice %arg2[%add3A_30, %dma_wait3A] : memref<16384x64xf32, #tpu.memory_space<hbm>> -> memref<128x64xf32, #tpu.memory_space<hbm>>
    %dma_wait3A_32 = arith.constant 0 : i32
    %dma_wait3A_33 = tpu.memref_slice %arg2[%add3A_30, %dma_wait3A_32] : memref<16384x64xf32, #tpu.memory_space<hbm>> -> memref<128x64xf32, #tpu.memory_space<hbm>>
    tpu.wait_dma2 semaphore(%arg14 : memref<!tpu.dma_semaphore, #tpu.memory_space<semaphore_mem>>) src(%dma_wait3A_33 : memref<128x64xf32, #tpu.memory_space<hbm>>) dst(%arg7 : memref<128x64xf32, #tpu.memory_space<vmem>>)
    %scan3A_34 = arith.constant 0 : i32
    %scan3A_35 = arith.constant 64 : i32
    %scan3A_36 = arith.addi %scan3A_34, %scan3A_35 : i32
    %scan3A_37 = arith.constant 1 : i32
    %scan3A_38 = scf.for %scan3A_117 = %scan3A_34 to %scan3A_36 step %scan3A_37 iter_args(%scan3A_118 = %broadcast_in_dim3A_12) -> (vector<16xf32>)  : i32 {
      %mul3A_119 = arith.constant 2 : i32
      %mul3A_120 = arith.muli %scan3A_117, %mul3A_119 : i32
      %add3A_121 = arith.constant 0 : i32
      %add3A_122 = arith.addi %mul3A_120, %add3A_121 : i32
      %get3A = arith.index_cast %add3A_122 : i32 to index
      %get3A_123 = arith.constant 0 : index
      %get3A_124 = tpu.vector_load %arg7[%get3A, %get3A_123] {strides = array<i32>} : memref<128x64xf32, #tpu.memory_space<vmem>>, vector<16xf32>,
      %get3A_125 = arith.index_cast %add3A_122 : i32 to index
      %get3A_126 = arith.constant 0 : index
      %get3A_127 = tpu.vector_load %arg9[%get3A_125, %get3A_126] {strides = array<i32>} : memref<128x64xf32, #tpu.memory_space<vmem>>, vector<16xf32>,
      %sub3A = arith.subf %get3A_124, %get3A_127 : vector<16xf32>
      %mul3A_128 = arith.mulf %sub3A, %sub3A : vector<16xf32>
      %add3A_129 = arith.addf %scan3A_118, %mul3A_128 : vector<16xf32>
      %get3A_130 = arith.index_cast %add3A_122 : i32 to index
      %get3A_131 = arith.constant 16 : index
      %get3A_132 = tpu.vector_load %arg7[%get3A_130, %get3A_131] {strides = array<i32>} : memref<128x64xf32, #tpu.memory_space<vmem>>, vector<16xf32>,
      %get3A_133 = arith.index_cast %add3A_122 : i32 to index
      %get3A_134 = arith.constant 16 : index
      %get3A_135 = tpu.vector_load %arg9[%get3A_133, %get3A_134] {strides = array<i32>} : memref<128x64xf32, #tpu.memory_space<vmem>>, vector<16xf32>,
      %sub3A_136 = arith.subf %get3A_132, %get3A_135 : vector<16xf32>
      %mul3A_137 = arith.mulf %sub3A_136, %sub3A_136 : vector<16xf32>
      %add3A_138 = arith.addf %add3A_129, %mul3A_137 : vector<16xf32>
      %get3A_139 = arith.index_cast %add3A_122 : i32 to index
      %get3A_140 = arith.constant 32 : index
      %get3A_141 = tpu.vector_load %arg7[%get3A_139, %get3A_140] {strides = array<i32>} : memref<128x64xf32, #tpu.memory_space<vmem>>, vector<16xf32>,
      %get3A_142 = arith.index_cast %add3A_122 : i32 to index
      %get3A_143 = arith.constant 32 : index
      %get3A_144 = tpu.vector_load %arg9[%get3A_142, %get3A_143] {strides = array<i32>} : memref<128x64xf32, #tpu.memory_space<vmem>>, vector<16xf32>,
      %sub3A_145 = arith.subf %get3A_141, %get3A_144 : vector<16xf32>
      %mul3A_146 = arith.mulf %sub3A_145, %sub3A_145 : vector<16xf32>
      %add3A_147 = arith.addf %add3A_138, %mul3A_146 : vector<16xf32>
      %get3A_148 = arith.index_cast %add3A_122 : i32 to index
      %get3A_149 = arith.constant 48 : index
      %get3A_150 = tpu.vector_load %arg7[%get3A_148, %get3A_149] {strides = array<i32>} : memref<128x64xf32, #tpu.memory_space<vmem>>, vector<16xf32>,
      %get3A_151 = arith.index_cast %add3A_122 : i32 to index
      %get3A_152 = arith.constant 48 : index
      %get3A_153 = tpu.vector_load %arg9[%get3A_151, %get3A_152] {strides = array<i32>} : memref<128x64xf32, #tpu.memory_space<vmem>>, vector<16xf32>,
      %sub3A_154 = arith.subf %get3A_150, %get3A_153 : vector<16xf32>
      %mul3A_155 = arith.mulf %sub3A_154, %sub3A_154 : vector<16xf32>
      %add3A_156 = arith.addf %add3A_147, %mul3A_155 : vector<16xf32>
      %mul3A_157 = arith.constant 2 : i32
      %mul3A_158 = arith.muli %scan3A_117, %mul3A_157 : i32
      %add3A_159 = arith.constant 1 : i32
      %add3A_160 = arith.addi %mul3A_158, %add3A_159 : i32
      %get3A_161 = arith.index_cast %add3A_160 : i32 to index
      %get3A_162 = arith.constant 0 : index
      %get3A_163 = tpu.vector_load %arg7[%get3A_161, %get3A_162] {strides = array<i32>} : memref<128x64xf32, #tpu.memory_space<vmem>>, vector<16xf32>,
      %get3A_164 = arith.index_cast %add3A_160 : i32 to index
      %get3A_165 = arith.constant 0 : index
      %get3A_166 = tpu.vector_load %arg9[%get3A_164, %get3A_165] {strides = array<i32>} : memref<128x64xf32, #tpu.memory_space<vmem>>, vector<16xf32>,
      %sub3A_167 = arith.subf %get3A_163, %get3A_166 : vector<16xf32>
      %mul3A_168 = arith.mulf %sub3A_167, %sub3A_167 : vector<16xf32>
      %add3A_169 = arith.addf %add3A_156, %mul3A_168 : vector<16xf32>
      %get3A_170 = arith.index_cast %add3A_160 : i32 to index
      %get3A_171 = arith.constant 16 : index
      %get3A_172 = tpu.vector_load %arg7[%get3A_170, %get3A_171] {strides = array<i32>} : memref<128x64xf32, #tpu.memory_space<vmem>>, vector<16xf32>,
      %get3A_173 = arith.index_cast %add3A_160 : i32 to index
      %get3A_174 = arith.constant 16 : index
      %get3A_175 = tpu.vector_load %arg9[%get3A_173, %get3A_174] {strides = array<i32>} : memref<128x64xf32, #tpu.memory_space<vmem>>, vector<16xf32>,
      %sub3A_176 = arith.subf %get3A_172, %get3A_175 : vector<16xf32>
      %mul3A_177 = arith.mulf %sub3A_176, %sub3A_176 : vector<16xf32>
      %add3A_178 = arith.addf %add3A_169, %mul3A_177 : vector<16xf32>
      %get3A_179 = arith.index_cast %add3A_160 : i32 to index
      %get3A_180 = arith.constant 32 : index
      %get3A_181 = tpu.vector_load %arg7[%get3A_179, %get3A_180] {strides = array<i32>} : memref<128x64xf32, #tpu.memory_space<vmem>>, vector<16xf32>,
      %get3A_182 = arith.index_cast %add3A_160 : i32 to index
      %get3A_183 = arith.constant 32 : index
      %get3A_184 = tpu.vector_load %arg9[%get3A_182, %get3A_183] {strides = array<i32>} : memref<128x64xf32, #tpu.memory_space<vmem>>, vector<16xf32>,
      %sub3A_185 = arith.subf %get3A_181, %get3A_184 : vector<16xf32>
      %mul3A_186 = arith.mulf %sub3A_185, %sub3A_185 : vector<16xf32>
      %add3A_187 = arith.addf %add3A_178, %mul3A_186 : vector<16xf32>
      %get3A_188 = arith.index_cast %add3A_160 : i32 to index
      %get3A_189 = arith.constant 48 : index
      %get3A_190 = tpu.vector_load %arg7[%get3A_188, %get3A_189] {strides = array<i32>} : memref<128x64xf32, #tpu.memory_space<vmem>>, vector<16xf32>,
      %get3A_191 = arith.index_cast %add3A_160 : i32 to index
      %get3A_192 = arith.constant 48 : index
      %get3A_193 = tpu.vector_load %arg9[%get3A_191, %get3A_192] {strides = array<i32>} : memref<128x64xf32, #tpu.memory_space<vmem>>, vector<16xf32>,
      %sub3A_194 = arith.subf %get3A_190, %get3A_193 : vector<16xf32>
      %mul3A_195 = arith.mulf %sub3A_194, %sub3A_194 : vector<16xf32>
      %add3A_196 = arith.addf %add3A_187, %mul3A_195 : vector<16xf32>
      scf.yield %add3A_196 : vector<16xf32>
    }
    %scan3A_39 = arith.constant 64 : i32
    %scan3A_40 = arith.constant 0 : i32
    %scan3A_41 = arith.constant 8 : i32
    %scan3A_42 = arith.addi %scan3A_40, %scan3A_41 : i32
    %scan3A_43 = arith.constant 1 : i32
    scf.for %scan3A_117 = %scan3A_40 to %scan3A_42 step %scan3A_43  : i32 {
      %mul3A_118 = arith.constant 1 : i32
      %mul3A_119 = arith.muli %scan3A_117, %mul3A_118 : i32
      %add3A_120 = arith.constant 0 : i32
      %add3A_121 = arith.addi %add3A_120, %mul3A_119 : i32
      %mul3A_122 = arith.constant 16 : i32
      %mul3A_123 = arith.muli %add3A_121, %mul3A_122 : i32
      %add3A_124 = arith.constant 256 : i32
      %add3A_125 = arith.addi %add3A_124, %mul3A_123 : i32
      %get3A = arith.index_cast %add3A_125 : i32 to index
      %get3A_126 = tpu.vector_load %arg6[%get3A] {strides = array<i32>} : memref<512xi32, #tpu.memory_space<vmem>>, vector<16xi32>,
      %slice3A = vector.extract_strided_slice %get3A_126 {offsets = [0], sizes = [1], strides = [1]} : vector<16xi32> to vector<1xi32>
      %squeeze3A = vector.extract %slice3A[0] : i32 from vector<1xi32>
      %shift_right_logical3A = arith.constant 3 : i32
      %shift_right_logical3A_127 = arith.shrui %squeeze3A, %shift_right_logical3A : i32
      %and3A = arith.constant 7 : i32
      %and3A_128 = arith.andi %squeeze3A, %and3A : i32
      %mul3A_129 = arith.constant 16 : i32
      %mul3A_130 = arith.muli %add3A_121, %mul3A_129 : i32
      %add3A_131 = arith.constant 0 : i32
      %add3A_132 = arith.addi %mul3A_130, %add3A_131 : i32
      %dma_start3A_133 = arith.constant 0 : i32
      %dma_start3A_134 = tpu.memref_slice %arg9[%add3A_132, %dma_start3A_133] : memref<128x64xf32, #tpu.memory_space<vmem>> -> memref<1x64xf32, #tpu.memory_space<vmem>>
      %dma_start3A_135 = tpu.memref_squeeze %dma_start3A_134 : memref<1x64xf32, #tpu.memory_space<vmem>> -> memref<64xf32, #tpu.memory_space<vmem>>
      %dma_start3A_136 = arith.constant 0 : i32
      %dma_start3A_137 = tpu.memref_slice %arg4[%shift_right_logical3A_127, %and3A_128, %dma_start3A_136] : memref<12500x8x64xf32, #tpu.memory_space<hbm>> -> memref<1x1x64xf32, #tpu.memory_space<hbm>>
      %dma_start3A_138 = tpu.memref_squeeze %dma_start3A_137 : memref<1x1x64xf32, #tpu.memory_space<hbm>> -> memref<64xf32, #tpu.memory_space<hbm>>
      %dma_start3A_139 = arith.constant 0 : i32
      %dma_start3A_140 = tpu.memref_slice %arg9[%add3A_132, %dma_start3A_139] : memref<128x64xf32, #tpu.memory_space<vmem>> -> memref<1x64xf32, #tpu.memory_space<vmem>>
      %dma_start3A_141 = tpu.memref_squeeze %dma_start3A_140 : memref<1x64xf32, #tpu.memory_space<vmem>> -> memref<64xf32, #tpu.memory_space<vmem>>
      %dma_start3A_142 = arith.constant 0 : i32
      %dma_start3A_143 = tpu.memref_slice %arg4[%shift_right_logical3A_127, %and3A_128, %dma_start3A_142] : memref<12500x8x64xf32, #tpu.memory_space<hbm>> -> memref<1x1x64xf32, #tpu.memory_space<hbm>>
      %dma_start3A_144 = tpu.memref_squeeze %dma_start3A_143 : memref<1x1x64xf32, #tpu.memory_space<hbm>> -> memref<64xf32, #tpu.memory_space<hbm>>
      tpu.enqueue_dma source(%dma_start3A_144 : memref<64xf32, #tpu.memory_space<hbm>>) target(%dma_start3A_141 : memref<64xf32, #tpu.memory_space<vmem>>) target_semaphore(%arg12 : memref<!tpu.dma_semaphore, #tpu.memory_space<semaphore_mem>>)
      %slice3A_145 = vector.extract_strided_slice %get3A_126 {offsets = [1], sizes = [1], strides = [1]} : vector<16xi32> to vector<1xi32>
      %squeeze3A_146 = vector.extract %slice3A_145[0] : i32 from vector<1xi32>
      %shift_right_logical3A_147 = arith.constant 3 : i32
      %shift_right_logical3A_148 = arith.shrui %squeeze3A_146, %shift_right_logical3A_147 : i32
      %and3A_149 = arith.constant 7 : i32
      %and3A_150 = arith.andi %squeeze3A_146, %and3A_149 : i32
      %mul3A_151 = arith.constant 16 : i32
      %mul3A_152 = arith.muli %add3A_121, %mul3A_151 : i32
      %add3A_153 = arith.constant 1 : i32
      %add3A_154 = arith.addi %mul3A_152, %add3A_153 : i32
      %dma_start3A_155 = arith.constant 0 : i32
      %dma_start3A_156 = tpu.memref_slice %arg9[%add3A_154, %dma_start3A_155] : memref<128x64xf32, #tpu.memory_space<vmem>> -> memref<1x64xf32, #tpu.memory_space<vmem>>
      %dma_start3A_157 = tpu.memref_squeeze %dma_start3A_156 : memref<1x64xf32, #tpu.memory_space<vmem>> -> memref<64xf32, #tpu.memory_space<vmem>>
      %dma_start3A_158 = arith.constant 0 : i32
      %dma_start3A_159 = tpu.memref_slice %arg4[%shift_right_logical3A_148, %and3A_150, %dma_start3A_158] : memref<12500x8x64xf32, #tpu.memory_space<hbm>> -> memref<1x1x64xf32, #tpu.memory_space<hbm>>
      %dma_start3A_160 = tpu.memref_squeeze %dma_start3A_159 : memref<1x1x64xf32, #tpu.memory_space<hbm>> -> memref<64xf32, #tpu.memory_space<hbm>>
      %dma_start3A_161 = arith.constant 0 : i32
      %dma_start3A_162 = tpu.memref_slice %arg9[%add3A_154, %dma_start3A_161] : memref<128x64xf32, #tpu.memory_space<vmem>> -> memref<1x64xf32, #tpu.memory_space<vmem>>
      %dma_start3A_163 = tpu.memref_squeeze %dma_start3A_162 : memref<1x64xf32, #tpu.memory_space<vmem>> -> memref<64xf32, #tpu.memory_space<vmem>>
      %dma_start3A_164 = arith.constant 0 : i32
      %dma_start3A_165 = tpu.memref_slice %arg4[%shift_right_logical3A_148, %and3A_150, %dma_start3A_164] : memref<12500x8x64xf32, #tpu.memory_space<hbm>> -> memref<1x1x64xf32, #tpu.memory_space<hbm>>
      %dma_start3A_166 = tpu.memref_squeeze %dma_start3A_165 : memref<1x1x64xf32, #tpu.memory_space<hbm>> -> memref<64xf32, #tpu.memory_space<hbm>>
      tpu.enqueue_dma source(%dma_start3A_166 : memref<64xf32, #tpu.memory_space<hbm>>) target(%dma_start3A_163 : memref<64xf32, #tpu.memory_space<vmem>>) target_semaphore(%arg12 : memref<!tpu.dma_semaphore, #tpu.memory_space<semaphore_mem>>)
      %slice3A_167 = vector.extract_strided_slice %get3A_126 {offsets = [2], sizes = [1], strides = [1]} : vector<16xi32> to vector<1xi32>
      %squeeze3A_168 = vector.extract %slice3A_167[0] : i32 from vector<1xi32>
      %shift_right_logical3A_169 = arith.constant 3 : i32
      %shift_right_logical3A_170 = arith.shrui %squeeze3A_168, %shift_right_logical3A_169 : i32
      %and3A_171 = arith.constant 7 : i32
      %and3A_172 = arith.andi %squeeze3A_168, %and3A_171 : i32
      %mul3A_173 = arith.constant 16 : i32
      %mul3A_174 = arith.muli %add3A_121, %mul3A_173 : i32
      %add3A_175 = arith.constant 2 : i32
      %add3A_176 = arith.addi %mul3A_174, %add3A_175 : i32
      %dma_start3A_177 = arith.constant 0 : i32
      %dma_start3A_178 = tpu.memref_slice %arg9[%add3A_176, %dma_start3A_177] : memref<128x64xf32, #tpu.memory_space<vmem>> -> memref<1x64xf32, #tpu.memory_space<vmem>>
      %dma_start3A_179 = tpu.memref_squeeze %dma_start3A_178 : memref<1x64xf32, #tpu.memory_space<vmem>> -> memref<64xf32, #tpu.memory_space<vmem>>
      %dma_start3A_180 = arith.constant 0 : i32
      %dma_start3A_181 = tpu.memref_slice %arg4[%shift_right_logical3A_170, %and3A_172, %dma_start3A_180] : memref<12500x8x64xf32, #tpu.memory_space<hbm>> -> memref<1x1x64xf32, #tpu.memory_space<hbm>>
      %dma_start3A_182 = tpu.memref_squeeze %dma_start3A_181 : memref<1x1x64xf32, #tpu.memory_space<hbm>> -> memref<64xf32, #tpu.memory_space<hbm>>
      %dma_start3A_183 = arith.constant 0 : i32
      %dma_start3A_184 = tpu.memref_slice %arg9[%add3A_176, %dma_start3A_183] : memref<128x64xf32, #tpu.memory_space<vmem>> -> memref<1x64xf32, #tpu.memory_space<vmem>>
      %dma_start3A_185 = tpu.memref_squeeze %dma_start3A_184 : memref<1x64xf32, #tpu.memory_space<vmem>> -> memref<64xf32, #tpu.memory_space<vmem>>
      %dma_start3A_186 = arith.constant 0 : i32
      %dma_start3A_187 = tpu.memref_slice %arg4[%shift_right_logical3A_170, %and3A_172, %dma_start3A_186] : memref<12500x8x64xf32, #tpu.memory_space<hbm>> -> memref<1x1x64xf32, #tpu.memory_space<hbm>>
      %dma_start3A_188 = tpu.memref_squeeze %dma_start3A_187 : memref<1x1x64xf32, #tpu.memory_space<hbm>> -> memref<64xf32, #tpu.memory_space<hbm>>
      tpu.enqueue_dma source(%dma_start3A_188 : memref<64xf32, #tpu.memory_space<hbm>>) target(%dma_start3A_185 : memref<64xf32, #tpu.memory_space<vmem>>) target_semaphore(%arg12 : memref<!tpu.dma_semaphore, #tpu.memory_space<semaphore_mem>>)
      %slice3A_189 = vector.extract_strided_slice %get3A_126 {offsets = [3], sizes = [1], strides = [1]} : vector<16xi32> to vector<1xi32>
      %squeeze3A_190 = vector.extract %slice3A_189[0] : i32 from vector<1xi32>
      %shift_right_logical3A_191 = arith.constant 3 : i32
      %shift_right_logical3A_192 = arith.shrui %squeeze3A_190, %shift_right_logical3A_191 : i32
      %and3A_193 = arith.constant 7 : i32
      %and3A_194 = arith.andi %squeeze3A_190, %and3A_193 : i32
      %mul3A_195 = arith.constant 16 : i32
      %mul3A_196 = arith.muli %add3A_121, %mul3A_195 : i32
      %add3A_197 = arith.constant 3 : i32
      %add3A_198 = arith.addi %mul3A_196, %add3A_197 : i32
      %dma_start3A_199 = arith.constant 0 : i32
      %dma_start3A_200 = tpu.memref_slice %arg9[%add3A_198, %dma_start3A_199] : memref<128x64xf32, #tpu.memory_space<vmem>> -> memref<1x64xf32, #tpu.memory_space<vmem>>
      %dma_start3A_201 = tpu.memref_squeeze %dma_start3A_200 : memref<1x64xf32, #tpu.memory_space<vmem>> -> memref<64xf32, #tpu.memory_space<vmem>>
      %dma_start3A_202 = arith.constant 0 : i32
      %dma_start3A_203 = tpu.memref_slice %arg4[%shift_right_logical3A_192, %and3A_194, %dma_start3A_202] : memref<12500x8x64xf32, #tpu.memory_space<hbm>> -> memref<1x1x64xf32, #tpu.memory_space<hbm>>
      %dma_start3A_204 = tpu.memref_squeeze %dma_start3A_203 : memref<1x1x64xf32, #tpu.memory_space<hbm>> -> memref<64xf32, #tpu.memory_space<hbm>>
      %dma_start3A_205 = arith.constant 0 : i32
      %dma_start3A_206 = tpu.memref_slice %arg9[%add3A_198, %dma_start3A_205] : memref<128x64xf32, #tpu.memory_space<vmem>> -> memref<1x64xf32, #tpu.memory_space<vmem>>
      %dma_start3A_207 = tpu.memref_squeeze %dma_start3A_206 : memref<1x64xf32, #tpu.memory_space<vmem>> -> memref<64xf32, #tpu.memory_space<vmem>>
      %dma_start3A_208 = arith.constant 0 : i32
      %dma_start3A_209 = tpu.memref_slice %arg4[%shift_right_logical3A_192, %and3A_194, %dma_start3A_208] : memref<12500x8x64xf32, #tpu.memory_space<hbm>> -> memref<1x1x64xf32, #tpu.memory_space<hbm>>
      %dma_start3A_210 = tpu.memref_squeeze %dma_start3A_209 : memref<1x1x64xf32, #tpu.memory_space<hbm>> -> memref<64xf32, #tpu.memory_space<hbm>>
      tpu.enqueue_dma source(%dma_start3A_210 : memref<64xf32, #tpu.memory_space<hbm>>) target(%dma_start3A_207 : memref<64xf32, #tpu.memory_space<vmem>>) target_semaphore(%arg12 : memref<!tpu.dma_semaphore, #tpu.memory_space<semaphore_mem>>)
      %slice3A_211 = vector.extract_strided_slice %get3A_126 {offsets = [4], sizes = [1], strides = [1]} : vector<16xi32> to vector<1xi32>
      %squeeze3A_212 = vector.extract %slice3A_211[0] : i32 from vector<1xi32>
      %shift_right_logical3A_213 = arith.constant 3 : i32
      %shift_right_logical3A_214 = arith.shrui %squeeze3A_212, %shift_right_logical3A_213 : i32
      %and3A_215 = arith.constant 7 : i32
      %and3A_216 = arith.andi %squeeze3A_212, %and3A_215 : i32
      %mul3A_217 = arith.constant 16 : i32
      %mul3A_218 = arith.muli %add3A_121, %mul3A_217 : i32
      %add3A_219 = arith.constant 4 : i32
      %add3A_220 = arith.addi %mul3A_218, %add3A_219 : i32
      %dma_start3A_221 = arith.constant 0 : i32
      %dma_start3A_222 = tpu.memref_slice %arg9[%add3A_220, %dma_start3A_221] : memref<128x64xf32, #tpu.memory_space<vmem>> -> memref<1x64xf32, #tpu.memory_space<vmem>>
      %dma_start3A_223 = tpu.memref_squeeze %dma_start3A_222 : memref<1x64xf32, #tpu.memory_space<vmem>> -> memref<64xf32, #tpu.memory_space<vmem>>
      %dma_start3A_224 = arith.constant 0 : i32
      %dma_start3A_225 = tpu.memref_slice %arg4[%shift_right_logical3A_214, %and3A_216, %dma_start3A_224] : memref<12500x8x64xf32, #tpu.memory_space<hbm>> -> memref<1x1x64xf32, #tpu.memory_space<hbm>>
      %dma_start3A_226 = tpu.memref_squeeze %dma_start3A_225 : memref<1x1x64xf32, #tpu.memory_space<hbm>> -> memref<64xf32, #tpu.memory_space<hbm>>
      %dma_start3A_227 = arith.constant 0 : i32
      %dma_start3A_228 = tpu.memref_slice %arg9[%add3A_220, %dma_start3A_227] : memref<128x64xf32, #tpu.memory_space<vmem>> -> memref<1x64xf32, #tpu.memory_space<vmem>>
      %dma_start3A_229 = tpu.memref_squeeze %dma_start3A_228 : memref<1x64xf32, #tpu.memory_space<vmem>> -> memref<64xf32, #tpu.memory_space<vmem>>
      %dma_start3A_230 = arith.constant 0 : i32
      %dma_start3A_231 = tpu.memref_slice %arg4[%shift_right_logical3A_214, %and3A_216, %dma_start3A_230] : memref<12500x8x64xf32, #tpu.memory_space<hbm>> -> memref<1x1x64xf32, #tpu.memory_space<hbm>>
      %dma_start3A_232 = tpu.memref_squeeze %dma_start3A_231 : memref<1x1x64xf32, #tpu.memory_space<hbm>> -> memref<64xf32, #tpu.memory_space<hbm>>
      tpu.enqueue_dma source(%dma_start3A_232 : memref<64xf32, #tpu.memory_space<hbm>>) target(%dma_start3A_229 : memref<64xf32, #tpu.memory_space<vmem>>) target_semaphore(%arg12 : memref<!tpu.dma_semaphore, #tpu.memory_space<semaphore_mem>>)
      %slice3A_233 = vector.extract_strided_slice %get3A_126 {offsets = [5], sizes = [1], strides = [1]} : vector<16xi32> to vector<1xi32>
      %squeeze3A_234 = vector.extract %slice3A_233[0] : i32 from vector<1xi32>
      %shift_right_logical3A_235 = arith.constant 3 : i32
      %shift_right_logical3A_236 = arith.shrui %squeeze3A_234, %shift_right_logical3A_235 : i32
      %and3A_237 = arith.constant 7 : i32
      %and3A_238 = arith.andi %squeeze3A_234, %and3A_237 : i32
      %mul3A_239 = arith.constant 16 : i32
      %mul3A_240 = arith.muli %add3A_121, %mul3A_239 : i32
      %add3A_241 = arith.constant 5 : i32
      %add3A_242 = arith.addi %mul3A_240, %add3A_241 : i32
      %dma_start3A_243 = arith.constant 0 : i32
      %dma_start3A_244 = tpu.memref_slice %arg9[%add3A_242, %dma_start3A_243] : memref<128x64xf32, #tpu.memory_space<vmem>> -> memref<1x64xf32, #tpu.memory_space<vmem>>
      %dma_start3A_245 = tpu.memref_squeeze %dma_start3A_244 : memref<1x64xf32, #tpu.memory_space<vmem>> -> memref<64xf32, #tpu.memory_space<vmem>>
      %dma_start3A_246 = arith.constant 0 : i32
      %dma_start3A_247 = tpu.memref_slice %arg4[%shift_right_logical3A_236, %and3A_238, %dma_start3A_246] : memref<12500x8x64xf32, #tpu.memory_space<hbm>> -> memref<1x1x64xf32, #tpu.memory_space<hbm>>
      %dma_start3A_248 = tpu.memref_squeeze %dma_start3A_247 : memref<1x1x64xf32, #tpu.memory_space<hbm>> -> memref<64xf32, #tpu.memory_space<hbm>>
      %dma_start3A_249 = arith.constant 0 : i32
      %dma_start3A_250 = tpu.memref_slice %arg9[%add3A_242, %dma_start3A_249] : memref<128x64xf32, #tpu.memory_space<vmem>> -> memref<1x64xf32, #tpu.memory_space<vmem>>
      %dma_start3A_251 = tpu.memref_squeeze %dma_start3A_250 : memref<1x64xf32, #tpu.memory_space<vmem>> -> memref<64xf32, #tpu.memory_space<vmem>>
      %dma_start3A_252 = arith.constant 0 : i32
      %dma_start3A_253 = tpu.memref_slice %arg4[%shift_right_logical3A_236, %and3A_238, %dma_start3A_252] : memref<12500x8x64xf32, #tpu.memory_space<hbm>> -> memref<1x1x64xf32, #tpu.memory_space<hbm>>
      %dma_start3A_254 = tpu.memref_squeeze %dma_start3A_253 : memref<1x1x64xf32, #tpu.memory_space<hbm>> -> memref<64xf32, #tpu.memory_space<hbm>>
      tpu.enqueue_dma source(%dma_start3A_254 : memref<64xf32, #tpu.memory_space<hbm>>) target(%dma_start3A_251 : memref<64xf32, #tpu.memory_space<vmem>>) target_semaphore(%arg12 : memref<!tpu.dma_semaphore, #tpu.memory_space<semaphore_mem>>)
      %slice3A_255 = vector.extract_strided_slice %get3A_126 {offsets = [6], sizes = [1], strides = [1]} : vector<16xi32> to vector<1xi32>
      %squeeze3A_256 = vector.extract %slice3A_255[0] : i32 from vector<1xi32>
      %shift_right_logical3A_257 = arith.constant 3 : i32
      %shift_right_logical3A_258 = arith.shrui %squeeze3A_256, %shift_right_logical3A_257 : i32
      %and3A_259 = arith.constant 7 : i32
      %and3A_260 = arith.andi %squeeze3A_256, %and3A_259 : i32
      %mul3A_261 = arith.constant 16 : i32
      %mul3A_262 = arith.muli %add3A_121, %mul3A_261 : i32
      %add3A_263 = arith.constant 6 : i32
      %add3A_264 = arith.addi %mul3A_262, %add3A_263 : i32
      %dma_start3A_265 = arith.constant 0 : i32
      %dma_start3A_266 = tpu.memref_slice %arg9[%add3A_264, %dma_start3A_265] : memref<128x64xf32, #tpu.memory_space<vmem>> -> memref<1x64xf32, #tpu.memory_space<vmem>>
      %dma_start3A_267 = tpu.memref_squeeze %dma_start3A_266 : memref<1x64xf32, #tpu.memory_space<vmem>> -> memref<64xf32, #tpu.memory_space<vmem>>
      %dma_start3A_268 = arith.constant 0 : i32
      %dma_start3A_269 = tpu.memref_slice %arg4[%shift_right_logical3A_258, %and3A_260, %dma_start3A_268] : memref<12500x8x64xf32, #tpu.memory_space<hbm>> -> memref<1x1x64xf32, #tpu.memory_space<hbm>>
      %dma_start3A_270 = tpu.memref_squeeze %dma_start3A_269 : memref<1x1x64xf32, #tpu.memory_space<hbm>> -> memref<64xf32, #tpu.memory_space<hbm>>
      %dma_start3A_271 = arith.constant 0 : i32
      %dma_start3A_272 = tpu.memref_slice %arg9[%add3A_264, %dma_start3A_271] : memref<128x64xf32, #tpu.memory_space<vmem>> -> memref<1x64xf32, #tpu.memory_space<vmem>>
      %dma_start3A_273 = tpu.memref_squeeze %dma_start3A_272 : memref<1x64xf32, #tpu.memory_space<vmem>> -> memref<64xf32, #tpu.memory_space<vmem>>
      %dma_start3A_274 = arith.constant 0 : i32
      %dma_start3A_275 = tpu.memref_slice %arg4[%shift_right_logical3A_258, %and3A_260, %dma_start3A_274] : memref<12500x8x64xf32, #tpu.memory_space<hbm>> -> memref<1x1x64xf32, #tpu.memory_space<hbm>>
      %dma_start3A_276 = tpu.memref_squeeze %dma_start3A_275 : memref<1x1x64xf32, #tpu.memory_space<hbm>> -> memref<64xf32, #tpu.memory_space<hbm>>
      tpu.enqueue_dma source(%dma_start3A_276 : memref<64xf32, #tpu.memory_space<hbm>>) target(%dma_start3A_273 : memref<64xf32, #tpu.memory_space<vmem>>) target_semaphore(%arg12 : memref<!tpu.dma_semaphore, #tpu.memory_space<semaphore_mem>>)
      %slice3A_277 = vector.extract_strided_slice %get3A_126 {offsets = [7], sizes = [1], strides = [1]} : vector<16xi32> to vector<1xi32>
      %squeeze3A_278 = vector.extract %slice3A_277[0] : i32 from vector<1xi32>
      %shift_right_logical3A_279 = arith.constant 3 : i32
      %shift_right_logical3A_280 = arith.shrui %squeeze3A_278, %shift_right_logical3A_279 : i32
      %and3A_281 = arith.constant 7 : i32
      %and3A_282 = arith.andi %squeeze3A_278, %and3A_281 : i32
      %mul3A_283 = arith.constant 16 : i32
      %mul3A_284 = arith.muli %add3A_121, %mul3A_283 : i32
      %add3A_285 = arith.constant 7 : i32
      %add3A_286 = arith.addi %mul3A_284, %add3A_285 : i32
      %dma_start3A_287 = arith.constant 0 : i32
      %dma_start3A_288 = tpu.memref_slice %arg9[%add3A_286, %dma_start3A_287] : memref<128x64xf32, #tpu.memory_space<vmem>> -> memref<1x64xf32, #tpu.memory_space<vmem>>
      %dma_start3A_289 = tpu.memref_squeeze %dma_start3A_288 : memref<1x64xf32, #tpu.memory_space<vmem>> -> memref<64xf32, #tpu.memory_space<vmem>>
      %dma_start3A_290 = arith.constant 0 : i32
      %dma_start3A_291 = tpu.memref_slice %arg4[%shift_right_logical3A_280, %and3A_282, %dma_start3A_290] : memref<12500x8x64xf32, #tpu.memory_space<hbm>> -> memref<1x1x64xf32, #tpu.memory_space<hbm>>
      %dma_start3A_292 = tpu.memref_squeeze %dma_start3A_291 : memref<1x1x64xf32, #tpu.memory_space<hbm>> -> memref<64xf32, #tpu.memory_space<hbm>>
      %dma_start3A_293 = arith.constant 0 : i32
      %dma_start3A_294 = tpu.memref_slice %arg9[%add3A_286, %dma_start3A_293] : memref<128x64xf32, #tpu.memory_space<vmem>> -> memref<1x64xf32, #tpu.memory_space<vmem>>
      %dma_start3A_295 = tpu.memref_squeeze %dma_start3A_294 : memref<1x64xf32, #tpu.memory_space<vmem>> -> memref<64xf32, #tpu.memory_space<vmem>>
      %dma_start3A_296 = arith.constant 0 : i32
      %dma_start3A_297 = tpu.memref_slice %arg4[%shift_right_logical3A_280, %and3A_282, %dma_start3A_296] : memref<12500x8x64xf32, #tpu.memory_space<hbm>> -> memref<1x1x64xf32, #tpu.memory_space<hbm>>
      %dma_start3A_298 = tpu.memref_squeeze %dma_start3A_297 : memref<1x1x64xf32, #tpu.memory_space<hbm>> -> memref<64xf32, #tpu.memory_space<hbm>>
      tpu.enqueue_dma source(%dma_start3A_298 : memref<64xf32, #tpu.memory_space<hbm>>) target(%dma_start3A_295 : memref<64xf32, #tpu.memory_space<vmem>>) target_semaphore(%arg12 : memref<!tpu.dma_semaphore, #tpu.memory_space<semaphore_mem>>)
      %slice3A_299 = vector.extract_strided_slice %get3A_126 {offsets = [8], sizes = [1], strides = [1]} : vector<16xi32> to vector<1xi32>
      %squeeze3A_300 = vector.extract %slice3A_299[0] : i32 from vector<1xi32>
      %shift_right_logical3A_301 = arith.constant 3 : i32
      %shift_right_logical3A_302 = arith.shrui %squeeze3A_300, %shift_right_logical3A_301 : i32
      %and3A_303 = arith.constant 7 : i32
      %and3A_304 = arith.andi %squeeze3A_300, %and3A_303 : i32
      %mul3A_305 = arith.constant 16 : i32
      %mul3A_306 = arith.muli %add3A_121, %mul3A_305 : i32
      %add3A_307 = arith.constant 8 : i32
      %add3A_308 = arith.addi %mul3A_306, %add3A_307 : i32
      %dma_start3A_309 = arith.constant 0 : i32
      %dma_start3A_310 = tpu.memref_slice %arg9[%add3A_308, %dma_start3A_309] : memref<128x64xf32, #tpu.memory_space<vmem>> -> memref<1x64xf32, #tpu.memory_space<vmem>>
      %dma_start3A_311 = tpu.memref_squeeze %dma_start3A_310 : memref<1x64xf32, #tpu.memory_space<vmem>> -> memref<64xf32, #tpu.memory_space<vmem>>
      %dma_start3A_312 = arith.constant 0 : i32
      %dma_start3A_313 = tpu.memref_slice %arg4[%shift_right_logical3A_302, %and3A_304, %dma_start3A_312] : memref<12500x8x64xf32, #tpu.memory_space<hbm>> -> memref<1x1x64xf32, #tpu.memory_space<hbm>>
      %dma_start3A_314 = tpu.memref_squeeze %dma_start3A_313 : memref<1x1x64xf32, #tpu.memory_space<hbm>> -> memref<64xf32, #tpu.memory_space<hbm>>
      %dma_start3A_315 = arith.constant 0 : i32
      %dma_start3A_316 = tpu.memref_slice %arg9[%add3A_308, %dma_start3A_315] : memref<128x64xf32, #tpu.memory_space<vmem>> -> memref<1x64xf32, #tpu.memory_space<vmem>>
      %dma_start3A_317 = tpu.memref_squeeze %dma_start3A_316 : memref<1x64xf32, #tpu.memory_space<vmem>> -> memref<64xf32, #tpu.memory_space<vmem>>
      %dma_start3A_318 = arith.constant 0 : i32
      %dma_start3A_319 = tpu.memref_slice %arg4[%shift_right_logical3A_302, %and3A_304, %dma_start3A_318] : memref<12500x8x64xf32, #tpu.memory_space<hbm>> -> memref<1x1x64xf32, #tpu.memory_space<hbm>>
      %dma_start3A_320 = tpu.memref_squeeze %dma_start3A_319 : memref<1x1x64xf32, #tpu.memory_space<hbm>> -> memref<64xf32, #tpu.memory_space<hbm>>
      tpu.enqueue_dma source(%dma_start3A_320 : memref<64xf32, #tpu.memory_space<hbm>>) target(%dma_start3A_317 : memref<64xf32, #tpu.memory_space<vmem>>) target_semaphore(%arg12 : memref<!tpu.dma_semaphore, #tpu.memory_space<semaphore_mem>>)
      %slice3A_321 = vector.extract_strided_slice %get3A_126 {offsets = [9], sizes = [1], strides = [1]} : vector<16xi32> to vector<1xi32>
      %squeeze3A_322 = vector.extract %slice3A_321[0] : i32 from vector<1xi32>
      %shift_right_logical3A_323 = arith.constant 3 : i32
      %shift_right_logical3A_324 = arith.shrui %squeeze3A_322, %shift_right_logical3A_323 : i32
      %and3A_325 = arith.constant 7 : i32
      %and3A_326 = arith.andi %squeeze3A_322, %and3A_325 : i32
      %mul3A_327 = arith.constant 16 : i32
      %mul3A_328 = arith.muli %add3A_121, %mul3A_327 : i32
      %add3A_329 = arith.constant 9 : i32
      %add3A_330 = arith.addi %mul3A_328, %add3A_329 : i32
      %dma_start3A_331 = arith.constant 0 : i32
      %dma_start3A_332 = tpu.memref_slice %arg9[%add3A_330, %dma_start3A_331] : memref<128x64xf32, #tpu.memory_space<vmem>> -> memref<1x64xf32, #tpu.memory_space<vmem>>
      %dma_start3A_333 = tpu.memref_squeeze %dma_start3A_332 : memref<1x64xf32, #tpu.memory_space<vmem>> -> memref<64xf32, #tpu.memory_space<vmem>>
      %dma_start3A_334 = arith.constant 0 : i32
      %dma_start3A_335 = tpu.memref_slice %arg4[%shift_right_logical3A_324, %and3A_326, %dma_start3A_334] : memref<12500x8x64xf32, #tpu.memory_space<hbm>> -> memref<1x1x64xf32, #tpu.memory_space<hbm>>
      %dma_start3A_336 = tpu.memref_squeeze %dma_start3A_335 : memref<1x1x64xf32, #tpu.memory_space<hbm>> -> memref<64xf32, #tpu.memory_space<hbm>>
      %dma_start3A_337 = arith.constant 0 : i32
      %dma_start3A_338 = tpu.memref_slice %arg9[%add3A_330, %dma_start3A_337] : memref<128x64xf32, #tpu.memory_space<vmem>> -> memref<1x64xf32, #tpu.memory_space<vmem>>
      %dma_start3A_339 = tpu.memref_squeeze %dma_start3A_338 : memref<1x64xf32, #tpu.memory_space<vmem>> -> memref<64xf32, #tpu.memory_space<vmem>>
      %dma_start3A_340 = arith.constant 0 : i32
      %dma_start3A_341 = tpu.memref_slice %arg4[%shift_right_logical3A_324, %and3A_326, %dma_start3A_340] : memref<12500x8x64xf32, #tpu.memory_space<hbm>> -> memref<1x1x64xf32, #tpu.memory_space<hbm>>
      %dma_start3A_342 = tpu.memref_squeeze %dma_start3A_341 : memref<1x1x64xf32, #tpu.memory_space<hbm>> -> memref<64xf32, #tpu.memory_space<hbm>>
      tpu.enqueue_dma source(%dma_start3A_342 : memref<64xf32, #tpu.memory_space<hbm>>) target(%dma_start3A_339 : memref<64xf32, #tpu.memory_space<vmem>>) target_semaphore(%arg12 : memref<!tpu.dma_semaphore, #tpu.memory_space<semaphore_mem>>)
      %slice3A_343 = vector.extract_strided_slice %get3A_126 {offsets = [10], sizes = [1], strides = [1]} : vector<16xi32> to vector<1xi32>
      %squeeze3A_344 = vector.extract %slice3A_343[0] : i32 from vector<1xi32>
      %shift_right_logical3A_345 = arith.constant 3 : i32
      %shift_right_logical3A_346 = arith.shrui %squeeze3A_344, %shift_right_logical3A_345 : i32
      %and3A_347 = arith.constant 7 : i32
      %and3A_348 = arith.andi %squeeze3A_344, %and3A_347 : i32
      %mul3A_349 = arith.constant 16 : i32
      %mul3A_350 = arith.muli %add3A_121, %mul3A_349 : i32
      %add3A_351 = arith.constant 10 : i32
      %add3A_352 = arith.addi %mul3A_350, %add3A_351 : i32
      %dma_start3A_353 = arith.constant 0 : i32
      %dma_start3A_354 = tpu.memref_slice %arg9[%add3A_352, %dma_start3A_353] : memref<128x64xf32, #tpu.memory_space<vmem>> -> memref<1x64xf32, #tpu.memory_space<vmem>>
      %dma_start3A_355 = tpu.memref_squeeze %dma_start3A_354 : memref<1x64xf32, #tpu.memory_space<vmem>> -> memref<64xf32, #tpu.memory_space<vmem>>
      %dma_start3A_356 = arith.constant 0 : i32
      %dma_start3A_357 = tpu.memref_slice %arg4[%shift_right_logical3A_346, %and3A_348, %dma_start3A_356] : memref<12500x8x64xf32, #tpu.memory_space<hbm>> -> memref<1x1x64xf32, #tpu.memory_space<hbm>>
      %dma_start3A_358 = tpu.memref_squeeze %dma_start3A_357 : memref<1x1x64xf32, #tpu.memory_space<hbm>> -> memref<64xf32, #tpu.memory_space<hbm>>
      %dma_start3A_359 = arith.constant 0 : i32
      %dma_start3A_360 = tpu.memref_slice %arg9[%add3A_352, %dma_start3A_359] : memref<128x64xf32, #tpu.memory_space<vmem>> -> memref<1x64xf32, #tpu.memory_space<vmem>>
      %dma_start3A_361 = tpu.memref_squeeze %dma_start3A_360 : memref<1x64xf32, #tpu.memory_space<vmem>> -> memref<64xf32, #tpu.memory_space<vmem>>
      %dma_start3A_362 = arith.constant 0 : i32
      %dma_start3A_363 = tpu.memref_slice %arg4[%shift_right_logical3A_346, %and3A_348, %dma_start3A_362] : memref<12500x8x64xf32, #tpu.memory_space<hbm>> -> memref<1x1x64xf32, #tpu.memory_space<hbm>>
      %dma_start3A_364 = tpu.memref_squeeze %dma_start3A_363 : memref<1x1x64xf32, #tpu.memory_space<hbm>> -> memref<64xf32, #tpu.memory_space<hbm>>
      tpu.enqueue_dma source(%dma_start3A_364 : memref<64xf32, #tpu.memory_space<hbm>>) target(%dma_start3A_361 : memref<64xf32, #tpu.memory_space<vmem>>) target_semaphore(%arg12 : memref<!tpu.dma_semaphore, #tpu.memory_space<semaphore_mem>>)
      %slice3A_365 = vector.extract_strided_slice %get3A_126 {offsets = [11], sizes = [1], strides = [1]} : vector<16xi32> to vector<1xi32>
      %squeeze3A_366 = vector.extract %slice3A_365[0] : i32 from vector<1xi32>
      %shift_right_logical3A_367 = arith.constant 3 : i32
      %shift_right_logical3A_368 = arith.shrui %squeeze3A_366, %shift_right_logical3A_367 : i32
      %and3A_369 = arith.constant 7 : i32
      %and3A_370 = arith.andi %squeeze3A_366, %and3A_369 : i32
      %mul3A_371 = arith.constant 16 : i32
      %mul3A_372 = arith.muli %add3A_121, %mul3A_371 : i32
      %add3A_373 = arith.constant 11 : i32
      %add3A_374 = arith.addi %mul3A_372, %add3A_373 : i32
      %dma_start3A_375 = arith.constant 0 : i32
      %dma_start3A_376 = tpu.memref_slice %arg9[%add3A_374, %dma_start3A_375] : memref<128x64xf32, #tpu.memory_space<vmem>> -> memref<1x64xf32, #tpu.memory_space<vmem>>
      %dma_start3A_377 = tpu.memref_squeeze %dma_start3A_376 : memref<1x64xf32, #tpu.memory_space<vmem>> -> memref<64xf32, #tpu.memory_space<vmem>>
      %dma_start3A_378 = arith.constant 0 : i32
      %dma_start3A_379 = tpu.memref_slice %arg4[%shift_right_logical3A_368, %and3A_370, %dma_start3A_378] : memref<12500x8x64xf32, #tpu.memory_space<hbm>> -> memref<1x1x64xf32, #tpu.memory_space<hbm>>
      %dma_start3A_380 = tpu.memref_squeeze %dma_start3A_379 : memref<1x1x64xf32, #tpu.memory_space<hbm>> -> memref<64xf32, #tpu.memory_space<hbm>>
      %dma_start3A_381 = arith.constant 0 : i32
      %dma_start3A_382 = tpu.memref_slice %arg9[%add3A_374, %dma_start3A_381] : memref<128x64xf32, #tpu.memory_space<vmem>> -> memref<1x64xf32, #tpu.memory_space<vmem>>
      %dma_start3A_383 = tpu.memref_squeeze %dma_start3A_382 : memref<1x64xf32, #tpu.memory_space<vmem>> -> memref<64xf32, #tpu.memory_space<vmem>>
      %dma_start3A_384 = arith.constant 0 : i32
      %dma_start3A_385 = tpu.memref_slice %arg4[%shift_right_logical3A_368, %and3A_370, %dma_start3A_384] : memref<12500x8x64xf32, #tpu.memory_space<hbm>> -> memref<1x1x64xf32, #tpu.memory_space<hbm>>
      %dma_start3A_386 = tpu.memref_squeeze %dma_start3A_385 : memref<1x1x64xf32, #tpu.memory_space<hbm>> -> memref<64xf32, #tpu.memory_space<hbm>>
      tpu.enqueue_dma source(%dma_start3A_386 : memref<64xf32, #tpu.memory_space<hbm>>) target(%dma_start3A_383 : memref<64xf32, #tpu.memory_space<vmem>>) target_semaphore(%arg12 : memref<!tpu.dma_semaphore, #tpu.memory_space<semaphore_mem>>)
      %slice3A_387 = vector.extract_strided_slice %get3A_126 {offsets = [12], sizes = [1], strides = [1]} : vector<16xi32> to vector<1xi32>
      %squeeze3A_388 = vector.extract %slice3A_387[0] : i32 from vector<1xi32>
      %shift_right_logical3A_389 = arith.constant 3 : i32
      %shift_right_logical3A_390 = arith.shrui %squeeze3A_388, %shift_right_logical3A_389 : i32
      %and3A_391 = arith.constant 7 : i32
      %and3A_392 = arith.andi %squeeze3A_388, %and3A_391 : i32
      %mul3A_393 = arith.constant 16 : i32
      %mul3A_394 = arith.muli %add3A_121, %mul3A_393 : i32
      %add3A_395 = arith.constant 12 : i32
      %add3A_396 = arith.addi %mul3A_394, %add3A_395 : i32
      %dma_start3A_397 = arith.constant 0 : i32
      %dma_start3A_398 = tpu.memref_slice %arg9[%add3A_396, %dma_start3A_397] : memref<128x64xf32, #tpu.memory_space<vmem>> -> memref<1x64xf32, #tpu.memory_space<vmem>>
      %dma_start3A_399 = tpu.memref_squeeze %dma_start3A_398 : memref<1x64xf32, #tpu.memory_space<vmem>> -> memref<64xf32, #tpu.memory_space<vmem>>
      %dma_start3A_400 = arith.constant 0 : i32
      %dma_start3A_401 = tpu.memref_slice %arg4[%shift_right_logical3A_390, %and3A_392, %dma_start3A_400] : memref<12500x8x64xf32, #tpu.memory_space<hbm>> -> memref<1x1x64xf32, #tpu.memory_space<hbm>>
      %dma_start3A_402 = tpu.memref_squeeze %dma_start3A_401 : memref<1x1x64xf32, #tpu.memory_space<hbm>> -> memref<64xf32, #tpu.memory_space<hbm>>
      %dma_start3A_403 = arith.constant 0 : i32
      %dma_start3A_404 = tpu.memref_slice %arg9[%add3A_396, %dma_start3A_403] : memref<128x64xf32, #tpu.memory_space<vmem>> -> memref<1x64xf32, #tpu.memory_space<vmem>>
      %dma_start3A_405 = tpu.memref_squeeze %dma_start3A_404 : memref<1x64xf32, #tpu.memory_space<vmem>> -> memref<64xf32, #tpu.memory_space<vmem>>
      %dma_start3A_406 = arith.constant 0 : i32
      %dma_start3A_407 = tpu.memref_slice %arg4[%shift_right_logical3A_390, %and3A_392, %dma_start3A_406] : memref<12500x8x64xf32, #tpu.memory_space<hbm>> -> memref<1x1x64xf32, #tpu.memory_space<hbm>>
      %dma_start3A_408 = tpu.memref_squeeze %dma_start3A_407 : memref<1x1x64xf32, #tpu.memory_space<hbm>> -> memref<64xf32, #tpu.memory_space<hbm>>
      tpu.enqueue_dma source(%dma_start3A_408 : memref<64xf32, #tpu.memory_space<hbm>>) target(%dma_start3A_405 : memref<64xf32, #tpu.memory_space<vmem>>) target_semaphore(%arg12 : memref<!tpu.dma_semaphore, #tpu.memory_space<semaphore_mem>>)
      %slice3A_409 = vector.extract_strided_slice %get3A_126 {offsets = [13], sizes = [1], strides = [1]} : vector<16xi32> to vector<1xi32>
      %squeeze3A_410 = vector.extract %slice3A_409[0] : i32 from vector<1xi32>
      %shift_right_logical3A_411 = arith.constant 3 : i32
      %shift_right_logical3A_412 = arith.shrui %squeeze3A_410, %shift_right_logical3A_411 : i32
      %and3A_413 = arith.constant 7 : i32
      %and3A_414 = arith.andi %squeeze3A_410, %and3A_413 : i32
      %mul3A_415 = arith.constant 16 : i32
      %mul3A_416 = arith.muli %add3A_121, %mul3A_415 : i32
      %add3A_417 = arith.constant 13 : i32
      %add3A_418 = arith.addi %mul3A_416, %add3A_417 : i32
      %dma_start3A_419 = arith.constant 0 : i32
      %dma_start3A_420 = tpu.memref_slice %arg9[%add3A_418, %dma_start3A_419] : memref<128x64xf32, #tpu.memory_space<vmem>> -> memref<1x64xf32, #tpu.memory_space<vmem>>
      %dma_start3A_421 = tpu.memref_squeeze %dma_start3A_420 : memref<1x64xf32, #tpu.memory_space<vmem>> -> memref<64xf32, #tpu.memory_space<vmem>>
      %dma_start3A_422 = arith.constant 0 : i32
      %dma_start3A_423 = tpu.memref_slice %arg4[%shift_right_logical3A_412, %and3A_414, %dma_start3A_422] : memref<12500x8x64xf32, #tpu.memory_space<hbm>> -> memref<1x1x64xf32, #tpu.memory_space<hbm>>
      %dma_start3A_424 = tpu.memref_squeeze %dma_start3A_423 : memref<1x1x64xf32, #tpu.memory_space<hbm>> -> memref<64xf32, #tpu.memory_space<hbm>>
      %dma_start3A_425 = arith.constant 0 : i32
      %dma_start3A_426 = tpu.memref_slice %arg9[%add3A_418, %dma_start3A_425] : memref<128x64xf32, #tpu.memory_space<vmem>> -> memref<1x64xf32, #tpu.memory_space<vmem>>
      %dma_start3A_427 = tpu.memref_squeeze %dma_start3A_426 : memref<1x64xf32, #tpu.memory_space<vmem>> -> memref<64xf32, #tpu.memory_space<vmem>>
      %dma_start3A_428 = arith.constant 0 : i32
      %dma_start3A_429 = tpu.memref_slice %arg4[%shift_right_logical3A_412, %and3A_414, %dma_start3A_428] : memref<12500x8x64xf32, #tpu.memory_space<hbm>> -> memref<1x1x64xf32, #tpu.memory_space<hbm>>
      %dma_start3A_430 = tpu.memref_squeeze %dma_start3A_429 : memref<1x1x64xf32, #tpu.memory_space<hbm>> -> memref<64xf32, #tpu.memory_space<hbm>>
      tpu.enqueue_dma source(%dma_start3A_430 : memref<64xf32, #tpu.memory_space<hbm>>) target(%dma_start3A_427 : memref<64xf32, #tpu.memory_space<vmem>>) target_semaphore(%arg12 : memref<!tpu.dma_semaphore, #tpu.memory_space<semaphore_mem>>)
      %slice3A_431 = vector.extract_strided_slice %get3A_126 {offsets = [14], sizes = [1], strides = [1]} : vector<16xi32> to vector<1xi32>
      %squeeze3A_432 = vector.extract %slice3A_431[0] : i32 from vector<1xi32>
      %shift_right_logical3A_433 = arith.constant 3 : i32
      %shift_right_logical3A_434 = arith.shrui %squeeze3A_432, %shift_right_logical3A_433 : i32
      %and3A_435 = arith.constant 7 : i32
      %and3A_436 = arith.andi %squeeze3A_432, %and3A_435 : i32
      %mul3A_437 = arith.constant 16 : i32
      %mul3A_438 = arith.muli %add3A_121, %mul3A_437 : i32
      %add3A_439 = arith.constant 14 : i32
      %add3A_440 = arith.addi %mul3A_438, %add3A_439 : i32
      %dma_start3A_441 = arith.constant 0 : i32
      %dma_start3A_442 = tpu.memref_slice %arg9[%add3A_440, %dma_start3A_441] : memref<128x64xf32, #tpu.memory_space<vmem>> -> memref<1x64xf32, #tpu.memory_space<vmem>>
      %dma_start3A_443 = tpu.memref_squeeze %dma_start3A_442 : memref<1x64xf32, #tpu.memory_space<vmem>> -> memref<64xf32, #tpu.memory_space<vmem>>
      %dma_start3A_444 = arith.constant 0 : i32
      %dma_start3A_445 = tpu.memref_slice %arg4[%shift_right_logical3A_434, %and3A_436, %dma_start3A_444] : memref<12500x8x64xf32, #tpu.memory_space<hbm>> -> memref<1x1x64xf32, #tpu.memory_space<hbm>>
      %dma_start3A_446 = tpu.memref_squeeze %dma_start3A_445 : memref<1x1x64xf32, #tpu.memory_space<hbm>> -> memref<64xf32, #tpu.memory_space<hbm>>
      %dma_start3A_447 = arith.constant 0 : i32
      %dma_start3A_448 = tpu.memref_slice %arg9[%add3A_440, %dma_start3A_447] : memref<128x64xf32, #tpu.memory_space<vmem>> -> memref<1x64xf32, #tpu.memory_space<vmem>>
      %dma_start3A_449 = tpu.memref_squeeze %dma_start3A_448 : memref<1x64xf32, #tpu.memory_space<vmem>> -> memref<64xf32, #tpu.memory_space<vmem>>
      %dma_start3A_450 = arith.constant 0 : i32
      %dma_start3A_451 = tpu.memref_slice %arg4[%shift_right_logical3A_434, %and3A_436, %dma_start3A_450] : memref<12500x8x64xf32, #tpu.memory_space<hbm>> -> memref<1x1x64xf32, #tpu.memory_space<hbm>>
      %dma_start3A_452 = tpu.memref_squeeze %dma_start3A_451 : memref<1x1x64xf32, #tpu.memory_space<hbm>> -> memref<64xf32, #tpu.memory_space<hbm>>
      tpu.enqueue_dma source(%dma_start3A_452 : memref<64xf32, #tpu.memory_space<hbm>>) target(%dma_start3A_449 : memref<64xf32, #tpu.memory_space<vmem>>) target_semaphore(%arg12 : memref<!tpu.dma_semaphore, #tpu.memory_space<semaphore_mem>>)
      %slice3A_453 = vector.extract_strided_slice %get3A_126 {offsets = [15], sizes = [1], strides = [1]} : vector<16xi32> to vector<1xi32>
      %squeeze3A_454 = vector.extract %slice3A_453[0] : i32 from vector<1xi32>
      %shift_right_logical3A_455 = arith.constant 3 : i32
      %shift_right_logical3A_456 = arith.shrui %squeeze3A_454, %shift_right_logical3A_455 : i32
      %and3A_457 = arith.constant 7 : i32
      %and3A_458 = arith.andi %squeeze3A_454, %and3A_457 : i32
      %mul3A_459 = arith.constant 16 : i32
      %mul3A_460 = arith.muli %add3A_121, %mul3A_459 : i32
      %add3A_461 = arith.constant 15 : i32
      %add3A_462 = arith.addi %mul3A_460, %add3A_461 : i32
      %dma_start3A_463 = arith.constant 0 : i32
      %dma_start3A_464 = tpu.memref_slice %arg9[%add3A_462, %dma_start3A_463] : memref<128x64xf32, #tpu.memory_space<vmem>> -> memref<1x64xf32, #tpu.memory_space<vmem>>
      %dma_start3A_465 = tpu.memref_squeeze %dma_start3A_464 : memref<1x64xf32, #tpu.memory_space<vmem>> -> memref<64xf32, #tpu.memory_space<vmem>>
      %dma_start3A_466 = arith.constant 0 : i32
      %dma_start3A_467 = tpu.memref_slice %arg4[%shift_right_logical3A_456, %and3A_458, %dma_start3A_466] : memref<12500x8x64xf32, #tpu.memory_space<hbm>> -> memref<1x1x64xf32, #tpu.memory_space<hbm>>
      %dma_start3A_468 = tpu.memref_squeeze %dma_start3A_467 : memref<1x1x64xf32, #tpu.memory_space<hbm>> -> memref<64xf32, #tpu.memory_space<hbm>>
      %dma_start3A_469 = arith.constant 0 : i32
      %dma_start3A_470 = tpu.memref_slice %arg9[%add3A_462, %dma_start3A_469] : memref<128x64xf32, #tpu.memory_space<vmem>> -> memref<1x64xf32, #tpu.memory_space<vmem>>
      %dma_start3A_471 = tpu.memref_squeeze %dma_start3A_470 : memref<1x64xf32, #tpu.memory_space<vmem>> -> memref<64xf32, #tpu.memory_space<vmem>>
      %dma_start3A_472 = arith.constant 0 : i32
      %dma_start3A_473 = tpu.memref_slice %arg4[%shift_right_logical3A_456, %and3A_458, %dma_start3A_472] : memref<12500x8x64xf32, #tpu.memory_space<hbm>> -> memref<1x1x64xf32, #tpu.memory_space<hbm>>
      %dma_start3A_474 = tpu.memref_squeeze %dma_start3A_473 : memref<1x1x64xf32, #tpu.memory_space<hbm>> -> memref<64xf32, #tpu.memory_space<hbm>>
      tpu.enqueue_dma source(%dma_start3A_474 : memref<64xf32, #tpu.memory_space<hbm>>) target(%dma_start3A_471 : memref<64xf32, #tpu.memory_space<vmem>>) target_semaphore(%arg12 : memref<!tpu.dma_semaphore, #tpu.memory_space<semaphore_mem>>)
    }
    %scan3A_44 = arith.constant 8 : i32
    %add3A_45 = arith.constant 256 : i32
    %add3A_46 = arith.addi %mul3A_2, %add3A_45 : i32
    %dma_start3A_47 = arith.constant 0 : i32
    %dma_start3A_48 = tpu.memref_slice %arg2[%add3A_46, %dma_start3A_47] : memref<16384x64xf32, #tpu.memory_space<hbm>> -> memref<128x64xf32, #tpu.memory_space<hbm>>
    %dma_start3A_49 = arith.constant 0 : i32
    %dma_start3A_50 = tpu.memref_slice %arg2[%add3A_46, %dma_start3A_49] : memref<16384x64xf32, #tpu.memory_space<hbm>> -> memref<128x64xf32, #tpu.memory_space<hbm>>
    tpu.enqueue_dma source(%dma_start3A_50 : memref<128x64xf32, #tpu.memory_space<hbm>>) target(%arg7 : memref<128x64xf32, #tpu.memory_space<vmem>>) target_semaphore(%arg14 : memref<!tpu.dma_semaphore, #tpu.memory_space<semaphore_mem>>)
    %scan3A_51 = arith.constant 0 : i32
    %scan3A_52 = arith.constant 128 : i32
    %scan3A_53 = arith.addi %scan3A_51, %scan3A_52 : i32
    %scan3A_54 = arith.constant 1 : i32
    scf.for %scan3A_117 = %scan3A_51 to %scan3A_53 step %scan3A_54  : i32 {
      %mul3A_118 = arith.constant 1 : i32
      %mul3A_119 = arith.muli %scan3A_117, %mul3A_118 : i32
      %add3A_120 = arith.constant 0 : i32
      %add3A_121 = arith.addi %add3A_120, %mul3A_119 : i32
      %dma_wait3A_122 = arith.constant 0 : i32
      %dma_wait3A_123 = arith.constant 0 : i32
      %dma_wait3A_124 = arith.constant 0 : i32
      %dma_wait3A_125 = arith.constant 0 : i32
      %dma_wait3A_126 = tpu.memref_slice %arg10[%dma_wait3A_124, %dma_wait3A_125] : memref<128x64xf32, #tpu.memory_space<vmem>> -> memref<1x64xf32, #tpu.memory_space<vmem>>
      %dma_wait3A_127 = tpu.memref_squeeze %dma_wait3A_126 : memref<1x64xf32, #tpu.memory_space<vmem>> -> memref<64xf32, #tpu.memory_space<vmem>>
      %dma_wait3A_128 = arith.constant 0 : i32
      %dma_wait3A_129 = tpu.memref_slice %arg4[%dma_wait3A_122, %dma_wait3A_123, %dma_wait3A_128] : memref<12500x8x64xf32, #tpu.memory_space<hbm>> -> memref<1x1x64xf32, #tpu.memory_space<hbm>>
      %dma_wait3A_130 = tpu.memref_squeeze %dma_wait3A_129 : memref<1x1x64xf32, #tpu.memory_space<hbm>> -> memref<64xf32, #tpu.memory_space<hbm>>
      %dma_wait3A_131 = arith.constant 0 : i32
      %dma_wait3A_132 = tpu.memref_slice %arg10[%dma_wait3A_124, %dma_wait3A_131] : memref<128x64xf32, #tpu.memory_space<vmem>> -> memref<1x64xf32, #tpu.memory_space<vmem>>
      %dma_wait3A_133 = tpu.memref_squeeze %dma_wait3A_132 : memref<1x64xf32, #tpu.memory_space<vmem>> -> memref<64xf32, #tpu.memory_space<vmem>>
      %dma_wait3A_134 = arith.constant 0 : i32
      %dma_wait3A_135 = tpu.memref_slice %arg4[%dma_wait3A_122, %dma_wait3A_123, %dma_wait3A_134] : memref<12500x8x64xf32, #tpu.memory_space<hbm>> -> memref<1x1x64xf32, #tpu.memory_space<hbm>>
      %dma_wait3A_136 = tpu.memref_squeeze %dma_wait3A_135 : memref<1x1x64xf32, #tpu.memory_space<hbm>> -> memref<64xf32, #tpu.memory_space<hbm>>
      tpu.wait_dma2 semaphore(%arg13 : memref<!tpu.dma_semaphore, #tpu.memory_space<semaphore_mem>>) src(%dma_wait3A_136 : memref<64xf32, #tpu.memory_space<hbm>>) dst(%dma_wait3A_133 : memref<64xf32, #tpu.memory_space<vmem>>)
    }
    %scan3A_55 = arith.constant 128 : i32
    %add3A_56 = arith.constant 128 : i32
    %add3A_57 = arith.addi %mul3A_2, %add3A_56 : i32
    %dma_wait3A_58 = arith.constant 0 : i32
    %dma_wait3A_59 = tpu.memref_slice %arg2[%add3A_57, %dma_wait3A_58] : memref<16384x64xf32, #tpu.memory_space<hbm>> -> memref<128x64xf32, #tpu.memory_space<hbm>>
    %dma_wait3A_60 = arith.constant 0 : i32
    %dma_wait3A_61 = tpu.memref_slice %arg2[%add3A_57, %dma_wait3A_60] : memref<16384x64xf32, #tpu.memory_space<hbm>> -> memref<128x64xf32, #tpu.memory_space<hbm>>
    tpu.wait_dma2 semaphore(%arg15 : memref<!tpu.dma_semaphore, #tpu.memory_space<semaphore_mem>>) src(%dma_wait3A_61 : memref<128x64xf32, #tpu.memory_space<hbm>>) dst(%arg8 : memref<128x64xf32, #tpu.memory_space<vmem>>)
    %scan3A_62 = arith.constant 0 : i32
    %scan3A_63 = arith.constant 64 : i32
    %scan3A_64 = arith.addi %scan3A_62, %scan3A_63 : i32
    %scan3A_65 = arith.constant 1 : i32
    %scan3A_66 = scf.for %scan3A_117 = %scan3A_62 to %scan3A_64 step %scan3A_65 iter_args(%scan3A_118 = %scan3A_38) -> (vector<16xf32>)  : i32 {
      %mul3A_119 = arith.constant 2 : i32
      %mul3A_120 = arith.muli %scan3A_117, %mul3A_119 : i32
      %add3A_121 = arith.constant 0 : i32
      %add3A_122 = arith.addi %mul3A_120, %add3A_121 : i32
      %get3A = arith.index_cast %add3A_122 : i32 to index
      %get3A_123 = arith.constant 0 : index
      %get3A_124 = tpu.vector_load %arg8[%get3A, %get3A_123] {strides = array<i32>} : memref<128x64xf32, #tpu.memory_space<vmem>>, vector<16xf32>,
      %get3A_125 = arith.index_cast %add3A_122 : i32 to index
      %get3A_126 = arith.constant 0 : index
      %get3A_127 = tpu.vector_load %arg10[%get3A_125, %get3A_126] {strides = array<i32>} : memref<128x64xf32, #tpu.memory_space<vmem>>, vector<16xf32>,
      %sub3A = arith.subf %get3A_124, %get3A_127 : vector<16xf32>
      %mul3A_128 = arith.mulf %sub3A, %sub3A : vector<16xf32>
      %add3A_129 = arith.addf %scan3A_118, %mul3A_128 : vector<16xf32>
      %get3A_130 = arith.index_cast %add3A_122 : i32 to index
      %get3A_131 = arith.constant 16 : index
      %get3A_132 = tpu.vector_load %arg8[%get3A_130, %get3A_131] {strides = array<i32>} : memref<128x64xf32, #tpu.memory_space<vmem>>, vector<16xf32>,
      %get3A_133 = arith.index_cast %add3A_122 : i32 to index
      %get3A_134 = arith.constant 16 : index
      %get3A_135 = tpu.vector_load %arg10[%get3A_133, %get3A_134] {strides = array<i32>} : memref<128x64xf32, #tpu.memory_space<vmem>>, vector<16xf32>,
      %sub3A_136 = arith.subf %get3A_132, %get3A_135 : vector<16xf32>
      %mul3A_137 = arith.mulf %sub3A_136, %sub3A_136 : vector<16xf32>
      %add3A_138 = arith.addf %add3A_129, %mul3A_137 : vector<16xf32>
      %get3A_139 = arith.index_cast %add3A_122 : i32 to index
      %get3A_140 = arith.constant 32 : index
      %get3A_141 = tpu.vector_load %arg8[%get3A_139, %get3A_140] {strides = array<i32>} : memref<128x64xf32, #tpu.memory_space<vmem>>, vector<16xf32>,
      %get3A_142 = arith.index_cast %add3A_122 : i32 to index
      %get3A_143 = arith.constant 32 : index
      %get3A_144 = tpu.vector_load %arg10[%get3A_142, %get3A_143] {strides = array<i32>} : memref<128x64xf32, #tpu.memory_space<vmem>>, vector<16xf32>,
      %sub3A_145 = arith.subf %get3A_141, %get3A_144 : vector<16xf32>
      %mul3A_146 = arith.mulf %sub3A_145, %sub3A_145 : vector<16xf32>
      %add3A_147 = arith.addf %add3A_138, %mul3A_146 : vector<16xf32>
      %get3A_148 = arith.index_cast %add3A_122 : i32 to index
      %get3A_149 = arith.constant 48 : index
      %get3A_150 = tpu.vector_load %arg8[%get3A_148, %get3A_149] {strides = array<i32>} : memref<128x64xf32, #tpu.memory_space<vmem>>, vector<16xf32>,
      %get3A_151 = arith.index_cast %add3A_122 : i32 to index
      %get3A_152 = arith.constant 48 : index
      %get3A_153 = tpu.vector_load %arg10[%get3A_151, %get3A_152] {strides = array<i32>} : memref<128x64xf32, #tpu.memory_space<vmem>>, vector<16xf32>,
      %sub3A_154 = arith.subf %get3A_150, %get3A_153 : vector<16xf32>
      %mul3A_155 = arith.mulf %sub3A_154, %sub3A_154 : vector<16xf32>
      %add3A_156 = arith.addf %add3A_147, %mul3A_155 : vector<16xf32>
      %mul3A_157 = arith.constant 2 : i32
      %mul3A_158 = arith.muli %scan3A_117, %mul3A_157 : i32
      %add3A_159 = arith.constant 1 : i32
      %add3A_160 = arith.addi %mul3A_158, %add3A_159 : i32
      %get3A_161 = arith.index_cast %add3A_160 : i32 to index
      %get3A_162 = arith.constant 0 : index
      %get3A_163 = tpu.vector_load %arg8[%get3A_161, %get3A_162] {strides = array<i32>} : memref<128x64xf32, #tpu.memory_space<vmem>>, vector<16xf32>,
      %get3A_164 = arith.index_cast %add3A_160 : i32 to index
      %get3A_165 = arith.constant 0 : index
      %get3A_166 = tpu.vector_load %arg10[%get3A_164, %get3A_165] {strides = array<i32>} : memref<128x64xf32, #tpu.memory_space<vmem>>, vector<16xf32>,
      %sub3A_167 = arith.subf %get3A_163, %get3A_166 : vector<16xf32>
      %mul3A_168 = arith.mulf %sub3A_167, %sub3A_167 : vector<16xf32>
      %add3A_169 = arith.addf %add3A_156, %mul3A_168 : vector<16xf32>
      %get3A_170 = arith.index_cast %add3A_160 : i32 to index
      %get3A_171 = arith.constant 16 : index
      %get3A_172 = tpu.vector_load %arg8[%get3A_170, %get3A_171] {strides = array<i32>} : memref<128x64xf32, #tpu.memory_space<vmem>>, vector<16xf32>,
      %get3A_173 = arith.index_cast %add3A_160 : i32 to index
      %get3A_174 = arith.constant 16 : index
      %get3A_175 = tpu.vector_load %arg10[%get3A_173, %get3A_174] {strides = array<i32>} : memref<128x64xf32, #tpu.memory_space<vmem>>, vector<16xf32>,
      %sub3A_176 = arith.subf %get3A_172, %get3A_175 : vector<16xf32>
      %mul3A_177 = arith.mulf %sub3A_176, %sub3A_176 : vector<16xf32>
      %add3A_178 = arith.addf %add3A_169, %mul3A_177 : vector<16xf32>
      %get3A_179 = arith.index_cast %add3A_160 : i32 to index
      %get3A_180 = arith.constant 32 : index
      %get3A_181 = tpu.vector_load %arg8[%get3A_179, %get3A_180] {strides = array<i32>} : memref<128x64xf32, #tpu.memory_space<vmem>>, vector<16xf32>,
      %get3A_182 = arith.index_cast %add3A_160 : i32 to index
      %get3A_183 = arith.constant 32 : index
      %get3A_184 = tpu.vector_load %arg10[%get3A_182, %get3A_183] {strides = array<i32>} : memref<128x64xf32, #tpu.memory_space<vmem>>, vector<16xf32>,
      %sub3A_185 = arith.subf %get3A_181, %get3A_184 : vector<16xf32>
      %mul3A_186 = arith.mulf %sub3A_185, %sub3A_185 : vector<16xf32>
      %add3A_187 = arith.addf %add3A_178, %mul3A_186 : vector<16xf32>
      %get3A_188 = arith.index_cast %add3A_160 : i32 to index
      %get3A_189 = arith.constant 48 : index
      %get3A_190 = tpu.vector_load %arg8[%get3A_188, %get3A_189] {strides = array<i32>} : memref<128x64xf32, #tpu.memory_space<vmem>>, vector<16xf32>,
      %get3A_191 = arith.index_cast %add3A_160 : i32 to index
      %get3A_192 = arith.constant 48 : index
      %get3A_193 = tpu.vector_load %arg10[%get3A_191, %get3A_192] {strides = array<i32>} : memref<128x64xf32, #tpu.memory_space<vmem>>, vector<16xf32>,
      %sub3A_194 = arith.subf %get3A_190, %get3A_193 : vector<16xf32>
      %mul3A_195 = arith.mulf %sub3A_194, %sub3A_194 : vector<16xf32>
      %add3A_196 = arith.addf %add3A_187, %mul3A_195 : vector<16xf32>
      scf.yield %add3A_196 : vector<16xf32>
    }
    %scan3A_67 = arith.constant 64 : i32
    %scan3A_68 = arith.constant 0 : i32
    %scan3A_69 = arith.constant 8 : i32
    %scan3A_70 = arith.addi %scan3A_68, %scan3A_69 : i32
    %scan3A_71 = arith.constant 1 : i32
    scf.for %scan3A_117 = %scan3A_68 to %scan3A_70 step %scan3A_71  : i32 {
      %mul3A_118 = arith.constant 1 : i32
      %mul3A_119 = arith.muli %scan3A_117, %mul3A_118 : i32
      %add3A_120 = arith.constant 0 : i32
      %add3A_121 = arith.addi %add3A_120, %mul3A_119 : i32
      %mul3A_122 = arith.constant 16 : i32
      %mul3A_123 = arith.muli %add3A_121, %mul3A_122 : i32
      %add3A_124 = arith.constant 384 : i32
      %add3A_125 = arith.addi %add3A_124, %mul3A_123 : i32
      %get3A = arith.index_cast %add3A_125 : i32 to index
      %get3A_126 = tpu.vector_load %arg6[%get3A] {strides = array<i32>} : memref<512xi32, #tpu.memory_space<vmem>>, vector<16xi32>,
      %slice3A = vector.extract_strided_slice %get3A_126 {offsets = [0], sizes = [1], strides = [1]} : vector<16xi32> to vector<1xi32>
      %squeeze3A = vector.extract %slice3A[0] : i32 from vector<1xi32>
      %shift_right_logical3A = arith.constant 3 : i32
      %shift_right_logical3A_127 = arith.shrui %squeeze3A, %shift_right_logical3A : i32
      %and3A = arith.constant 7 : i32
      %and3A_128 = arith.andi %squeeze3A, %and3A : i32
      %mul3A_129 = arith.constant 16 : i32
      %mul3A_130 = arith.muli %add3A_121, %mul3A_129 : i32
      %add3A_131 = arith.constant 0 : i32
      %add3A_132 = arith.addi %mul3A_130, %add3A_131 : i32
      %dma_start3A_133 = arith.constant 0 : i32
      %dma_start3A_134 = tpu.memref_slice %arg10[%add3A_132, %dma_start3A_133] : memref<128x64xf32, #tpu.memory_space<vmem>> -> memref<1x64xf32, #tpu.memory_space<vmem>>
      %dma_start3A_135 = tpu.memref_squeeze %dma_start3A_134 : memref<1x64xf32, #tpu.memory_space<vmem>> -> memref<64xf32, #tpu.memory_space<vmem>>
      %dma_start3A_136 = arith.constant 0 : i32
      %dma_start3A_137 = tpu.memref_slice %arg4[%shift_right_logical3A_127, %and3A_128, %dma_start3A_136] : memref<12500x8x64xf32, #tpu.memory_space<hbm>> -> memref<1x1x64xf32, #tpu.memory_space<hbm>>
      %dma_start3A_138 = tpu.memref_squeeze %dma_start3A_137 : memref<1x1x64xf32, #tpu.memory_space<hbm>> -> memref<64xf32, #tpu.memory_space<hbm>>
      %dma_start3A_139 = arith.constant 0 : i32
      %dma_start3A_140 = tpu.memref_slice %arg10[%add3A_132, %dma_start3A_139] : memref<128x64xf32, #tpu.memory_space<vmem>> -> memref<1x64xf32, #tpu.memory_space<vmem>>
      %dma_start3A_141 = tpu.memref_squeeze %dma_start3A_140 : memref<1x64xf32, #tpu.memory_space<vmem>> -> memref<64xf32, #tpu.memory_space<vmem>>
      %dma_start3A_142 = arith.constant 0 : i32
      %dma_start3A_143 = tpu.memref_slice %arg4[%shift_right_logical3A_127, %and3A_128, %dma_start3A_142] : memref<12500x8x64xf32, #tpu.memory_space<hbm>> -> memref<1x1x64xf32, #tpu.memory_space<hbm>>
      %dma_start3A_144 = tpu.memref_squeeze %dma_start3A_143 : memref<1x1x64xf32, #tpu.memory_space<hbm>> -> memref<64xf32, #tpu.memory_space<hbm>>
      tpu.enqueue_dma source(%dma_start3A_144 : memref<64xf32, #tpu.memory_space<hbm>>) target(%dma_start3A_141 : memref<64xf32, #tpu.memory_space<vmem>>) target_semaphore(%arg13 : memref<!tpu.dma_semaphore, #tpu.memory_space<semaphore_mem>>)
      %slice3A_145 = vector.extract_strided_slice %get3A_126 {offsets = [1], sizes = [1], strides = [1]} : vector<16xi32> to vector<1xi32>
      %squeeze3A_146 = vector.extract %slice3A_145[0] : i32 from vector<1xi32>
      %shift_right_logical3A_147 = arith.constant 3 : i32
      %shift_right_logical3A_148 = arith.shrui %squeeze3A_146, %shift_right_logical3A_147 : i32
      %and3A_149 = arith.constant 7 : i32
      %and3A_150 = arith.andi %squeeze3A_146, %and3A_149 : i32
      %mul3A_151 = arith.constant 16 : i32
      %mul3A_152 = arith.muli %add3A_121, %mul3A_151 : i32
      %add3A_153 = arith.constant 1 : i32
      %add3A_154 = arith.addi %mul3A_152, %add3A_153 : i32
      %dma_start3A_155 = arith.constant 0 : i32
      %dma_start3A_156 = tpu.memref_slice %arg10[%add3A_154, %dma_start3A_155] : memref<128x64xf32, #tpu.memory_space<vmem>> -> memref<1x64xf32, #tpu.memory_space<vmem>>
      %dma_start3A_157 = tpu.memref_squeeze %dma_start3A_156 : memref<1x64xf32, #tpu.memory_space<vmem>> -> memref<64xf32, #tpu.memory_space<vmem>>
      %dma_start3A_158 = arith.constant 0 : i32
      %dma_start3A_159 = tpu.memref_slice %arg4[%shift_right_logical3A_148, %and3A_150, %dma_start3A_158] : memref<12500x8x64xf32, #tpu.memory_space<hbm>> -> memref<1x1x64xf32, #tpu.memory_space<hbm>>
      %dma_start3A_160 = tpu.memref_squeeze %dma_start3A_159 : memref<1x1x64xf32, #tpu.memory_space<hbm>> -> memref<64xf32, #tpu.memory_space<hbm>>
      %dma_start3A_161 = arith.constant 0 : i32
      %dma_start3A_162 = tpu.memref_slice %arg10[%add3A_154, %dma_start3A_161] : memref<128x64xf32, #tpu.memory_space<vmem>> -> memref<1x64xf32, #tpu.memory_space<vmem>>
      %dma_start3A_163 = tpu.memref_squeeze %dma_start3A_162 : memref<1x64xf32, #tpu.memory_space<vmem>> -> memref<64xf32, #tpu.memory_space<vmem>>
      %dma_start3A_164 = arith.constant 0 : i32
      %dma_start3A_165 = tpu.memref_slice %arg4[%shift_right_logical3A_148, %and3A_150, %dma_start3A_164] : memref<12500x8x64xf32, #tpu.memory_space<hbm>> -> memref<1x1x64xf32, #tpu.memory_space<hbm>>
      %dma_start3A_166 = tpu.memref_squeeze %dma_start3A_165 : memref<1x1x64xf32, #tpu.memory_space<hbm>> -> memref<64xf32, #tpu.memory_space<hbm>>
      tpu.enqueue_dma source(%dma_start3A_166 : memref<64xf32, #tpu.memory_space<hbm>>) target(%dma_start3A_163 : memref<64xf32, #tpu.memory_space<vmem>>) target_semaphore(%arg13 : memref<!tpu.dma_semaphore, #tpu.memory_space<semaphore_mem>>)
      %slice3A_167 = vector.extract_strided_slice %get3A_126 {offsets = [2], sizes = [1], strides = [1]} : vector<16xi32> to vector<1xi32>
      %squeeze3A_168 = vector.extract %slice3A_167[0] : i32 from vector<1xi32>
      %shift_right_logical3A_169 = arith.constant 3 : i32
      %shift_right_logical3A_170 = arith.shrui %squeeze3A_168, %shift_right_logical3A_169 : i32
      %and3A_171 = arith.constant 7 : i32
      %and3A_172 = arith.andi %squeeze3A_168, %and3A_171 : i32
      %mul3A_173 = arith.constant 16 : i32
      %mul3A_174 = arith.muli %add3A_121, %mul3A_173 : i32
      %add3A_175 = arith.constant 2 : i32
      %add3A_176 = arith.addi %mul3A_174, %add3A_175 : i32
      %dma_start3A_177 = arith.constant 0 : i32
      %dma_start3A_178 = tpu.memref_slice %arg10[%add3A_176, %dma_start3A_177] : memref<128x64xf32, #tpu.memory_space<vmem>> -> memref<1x64xf32, #tpu.memory_space<vmem>>
      %dma_start3A_179 = tpu.memref_squeeze %dma_start3A_178 : memref<1x64xf32, #tpu.memory_space<vmem>> -> memref<64xf32, #tpu.memory_space<vmem>>
      %dma_start3A_180 = arith.constant 0 : i32
      %dma_start3A_181 = tpu.memref_slice %arg4[%shift_right_logical3A_170, %and3A_172, %dma_start3A_180] : memref<12500x8x64xf32, #tpu.memory_space<hbm>> -> memref<1x1x64xf32, #tpu.memory_space<hbm>>
      %dma_start3A_182 = tpu.memref_squeeze %dma_start3A_181 : memref<1x1x64xf32, #tpu.memory_space<hbm>> -> memref<64xf32, #tpu.memory_space<hbm>>
      %dma_start3A_183 = arith.constant 0 : i32
      %dma_start3A_184 = tpu.memref_slice %arg10[%add3A_176, %dma_start3A_183] : memref<128x64xf32, #tpu.memory_space<vmem>> -> memref<1x64xf32, #tpu.memory_space<vmem>>
      %dma_start3A_185 = tpu.memref_squeeze %dma_start3A_184 : memref<1x64xf32, #tpu.memory_space<vmem>> -> memref<64xf32, #tpu.memory_space<vmem>>
      %dma_start3A_186 = arith.constant 0 : i32
      %dma_start3A_187 = tpu.memref_slice %arg4[%shift_right_logical3A_170, %and3A_172, %dma_start3A_186] : memref<12500x8x64xf32, #tpu.memory_space<hbm>> -> memref<1x1x64xf32, #tpu.memory_space<hbm>>
      %dma_start3A_188 = tpu.memref_squeeze %dma_start3A_187 : memref<1x1x64xf32, #tpu.memory_space<hbm>> -> memref<64xf32, #tpu.memory_space<hbm>>
      tpu.enqueue_dma source(%dma_start3A_188 : memref<64xf32, #tpu.memory_space<hbm>>) target(%dma_start3A_185 : memref<64xf32, #tpu.memory_space<vmem>>) target_semaphore(%arg13 : memref<!tpu.dma_semaphore, #tpu.memory_space<semaphore_mem>>)
      %slice3A_189 = vector.extract_strided_slice %get3A_126 {offsets = [3], sizes = [1], strides = [1]} : vector<16xi32> to vector<1xi32>
      %squeeze3A_190 = vector.extract %slice3A_189[0] : i32 from vector<1xi32>
      %shift_right_logical3A_191 = arith.constant 3 : i32
      %shift_right_logical3A_192 = arith.shrui %squeeze3A_190, %shift_right_logical3A_191 : i32
      %and3A_193 = arith.constant 7 : i32
      %and3A_194 = arith.andi %squeeze3A_190, %and3A_193 : i32
      %mul3A_195 = arith.constant 16 : i32
      %mul3A_196 = arith.muli %add3A_121, %mul3A_195 : i32
      %add3A_197 = arith.constant 3 : i32
      %add3A_198 = arith.addi %mul3A_196, %add3A_197 : i32
      %dma_start3A_199 = arith.constant 0 : i32
      %dma_start3A_200 = tpu.memref_slice %arg10[%add3A_198, %dma_start3A_199] : memref<128x64xf32, #tpu.memory_space<vmem>> -> memref<1x64xf32, #tpu.memory_space<vmem>>
      %dma_start3A_201 = tpu.memref_squeeze %dma_start3A_200 : memref<1x64xf32, #tpu.memory_space<vmem>> -> memref<64xf32, #tpu.memory_space<vmem>>
      %dma_start3A_202 = arith.constant 0 : i32
      %dma_start3A_203 = tpu.memref_slice %arg4[%shift_right_logical3A_192, %and3A_194, %dma_start3A_202] : memref<12500x8x64xf32, #tpu.memory_space<hbm>> -> memref<1x1x64xf32, #tpu.memory_space<hbm>>
      %dma_start3A_204 = tpu.memref_squeeze %dma_start3A_203 : memref<1x1x64xf32, #tpu.memory_space<hbm>> -> memref<64xf32, #tpu.memory_space<hbm>>
      %dma_start3A_205 = arith.constant 0 : i32
      %dma_start3A_206 = tpu.memref_slice %arg10[%add3A_198, %dma_start3A_205] : memref<128x64xf32, #tpu.memory_space<vmem>> -> memref<1x64xf32, #tpu.memory_space<vmem>>
      %dma_start3A_207 = tpu.memref_squeeze %dma_start3A_206 : memref<1x64xf32, #tpu.memory_space<vmem>> -> memref<64xf32, #tpu.memory_space<vmem>>
      %dma_start3A_208 = arith.constant 0 : i32
      %dma_start3A_209 = tpu.memref_slice %arg4[%shift_right_logical3A_192, %and3A_194, %dma_start3A_208] : memref<12500x8x64xf32, #tpu.memory_space<hbm>> -> memref<1x1x64xf32, #tpu.memory_space<hbm>>
      %dma_start3A_210 = tpu.memref_squeeze %dma_start3A_209 : memref<1x1x64xf32, #tpu.memory_space<hbm>> -> memref<64xf32, #tpu.memory_space<hbm>>
      tpu.enqueue_dma source(%dma_start3A_210 : memref<64xf32, #tpu.memory_space<hbm>>) target(%dma_start3A_207 : memref<64xf32, #tpu.memory_space<vmem>>) target_semaphore(%arg13 : memref<!tpu.dma_semaphore, #tpu.memory_space<semaphore_mem>>)
      %slice3A_211 = vector.extract_strided_slice %get3A_126 {offsets = [4], sizes = [1], strides = [1]} : vector<16xi32> to vector<1xi32>
      %squeeze3A_212 = vector.extract %slice3A_211[0] : i32 from vector<1xi32>
      %shift_right_logical3A_213 = arith.constant 3 : i32
      %shift_right_logical3A_214 = arith.shrui %squeeze3A_212, %shift_right_logical3A_213 : i32
      %and3A_215 = arith.constant 7 : i32
      %and3A_216 = arith.andi %squeeze3A_212, %and3A_215 : i32
      %mul3A_217 = arith.constant 16 : i32
      %mul3A_218 = arith.muli %add3A_121, %mul3A_217 : i32
      %add3A_219 = arith.constant 4 : i32
      %add3A_220 = arith.addi %mul3A_218, %add3A_219 : i32
      %dma_start3A_221 = arith.constant 0 : i32
      %dma_start3A_222 = tpu.memref_slice %arg10[%add3A_220, %dma_start3A_221] : memref<128x64xf32, #tpu.memory_space<vmem>> -> memref<1x64xf32, #tpu.memory_space<vmem>>
      %dma_start3A_223 = tpu.memref_squeeze %dma_start3A_222 : memref<1x64xf32, #tpu.memory_space<vmem>> -> memref<64xf32, #tpu.memory_space<vmem>>
      %dma_start3A_224 = arith.constant 0 : i32
      %dma_start3A_225 = tpu.memref_slice %arg4[%shift_right_logical3A_214, %and3A_216, %dma_start3A_224] : memref<12500x8x64xf32, #tpu.memory_space<hbm>> -> memref<1x1x64xf32, #tpu.memory_space<hbm>>
      %dma_start3A_226 = tpu.memref_squeeze %dma_start3A_225 : memref<1x1x64xf32, #tpu.memory_space<hbm>> -> memref<64xf32, #tpu.memory_space<hbm>>
      %dma_start3A_227 = arith.constant 0 : i32
      %dma_start3A_228 = tpu.memref_slice %arg10[%add3A_220, %dma_start3A_227] : memref<128x64xf32, #tpu.memory_space<vmem>> -> memref<1x64xf32, #tpu.memory_space<vmem>>
      %dma_start3A_229 = tpu.memref_squeeze %dma_start3A_228 : memref<1x64xf32, #tpu.memory_space<vmem>> -> memref<64xf32, #tpu.memory_space<vmem>>
      %dma_start3A_230 = arith.constant 0 : i32
      %dma_start3A_231 = tpu.memref_slice %arg4[%shift_right_logical3A_214, %and3A_216, %dma_start3A_230] : memref<12500x8x64xf32, #tpu.memory_space<hbm>> -> memref<1x1x64xf32, #tpu.memory_space<hbm>>
      %dma_start3A_232 = tpu.memref_squeeze %dma_start3A_231 : memref<1x1x64xf32, #tpu.memory_space<hbm>> -> memref<64xf32, #tpu.memory_space<hbm>>
      tpu.enqueue_dma source(%dma_start3A_232 : memref<64xf32, #tpu.memory_space<hbm>>) target(%dma_start3A_229 : memref<64xf32, #tpu.memory_space<vmem>>) target_semaphore(%arg13 : memref<!tpu.dma_semaphore, #tpu.memory_space<semaphore_mem>>)
      %slice3A_233 = vector.extract_strided_slice %get3A_126 {offsets = [5], sizes = [1], strides = [1]} : vector<16xi32> to vector<1xi32>
      %squeeze3A_234 = vector.extract %slice3A_233[0] : i32 from vector<1xi32>
      %shift_right_logical3A_235 = arith.constant 3 : i32
      %shift_right_logical3A_236 = arith.shrui %squeeze3A_234, %shift_right_logical3A_235 : i32
      %and3A_237 = arith.constant 7 : i32
      %and3A_238 = arith.andi %squeeze3A_234, %and3A_237 : i32
      %mul3A_239 = arith.constant 16 : i32
      %mul3A_240 = arith.muli %add3A_121, %mul3A_239 : i32
      %add3A_241 = arith.constant 5 : i32
      %add3A_242 = arith.addi %mul3A_240, %add3A_241 : i32
      %dma_start3A_243 = arith.constant 0 : i32
      %dma_start3A_244 = tpu.memref_slice %arg10[%add3A_242, %dma_start3A_243] : memref<128x64xf32, #tpu.memory_space<vmem>> -> memref<1x64xf32, #tpu.memory_space<vmem>>
      %dma_start3A_245 = tpu.memref_squeeze %dma_start3A_244 : memref<1x64xf32, #tpu.memory_space<vmem>> -> memref<64xf32, #tpu.memory_space<vmem>>
      %dma_start3A_246 = arith.constant 0 : i32
      %dma_start3A_247 = tpu.memref_slice %arg4[%shift_right_logical3A_236, %and3A_238, %dma_start3A_246] : memref<12500x8x64xf32, #tpu.memory_space<hbm>> -> memref<1x1x64xf32, #tpu.memory_space<hbm>>
      %dma_start3A_248 = tpu.memref_squeeze %dma_start3A_247 : memref<1x1x64xf32, #tpu.memory_space<hbm>> -> memref<64xf32, #tpu.memory_space<hbm>>
      %dma_start3A_249 = arith.constant 0 : i32
      %dma_start3A_250 = tpu.memref_slice %arg10[%add3A_242, %dma_start3A_249] : memref<128x64xf32, #tpu.memory_space<vmem>> -> memref<1x64xf32, #tpu.memory_space<vmem>>
      %dma_start3A_251 = tpu.memref_squeeze %dma_start3A_250 : memref<1x64xf32, #tpu.memory_space<vmem>> -> memref<64xf32, #tpu.memory_space<vmem>>
      %dma_start3A_252 = arith.constant 0 : i32
      %dma_start3A_253 = tpu.memref_slice %arg4[%shift_right_logical3A_236, %and3A_238, %dma_start3A_252] : memref<12500x8x64xf32, #tpu.memory_space<hbm>> -> memref<1x1x64xf32, #tpu.memory_space<hbm>>
      %dma_start3A_254 = tpu.memref_squeeze %dma_start3A_253 : memref<1x1x64xf32, #tpu.memory_space<hbm>> -> memref<64xf32, #tpu.memory_space<hbm>>
      tpu.enqueue_dma source(%dma_start3A_254 : memref<64xf32, #tpu.memory_space<hbm>>) target(%dma_start3A_251 : memref<64xf32, #tpu.memory_space<vmem>>) target_semaphore(%arg13 : memref<!tpu.dma_semaphore, #tpu.memory_space<semaphore_mem>>)
      %slice3A_255 = vector.extract_strided_slice %get3A_126 {offsets = [6], sizes = [1], strides = [1]} : vector<16xi32> to vector<1xi32>
      %squeeze3A_256 = vector.extract %slice3A_255[0] : i32 from vector<1xi32>
      %shift_right_logical3A_257 = arith.constant 3 : i32
      %shift_right_logical3A_258 = arith.shrui %squeeze3A_256, %shift_right_logical3A_257 : i32
      %and3A_259 = arith.constant 7 : i32
      %and3A_260 = arith.andi %squeeze3A_256, %and3A_259 : i32
      %mul3A_261 = arith.constant 16 : i32
      %mul3A_262 = arith.muli %add3A_121, %mul3A_261 : i32
      %add3A_263 = arith.constant 6 : i32
      %add3A_264 = arith.addi %mul3A_262, %add3A_263 : i32
      %dma_start3A_265 = arith.constant 0 : i32
      %dma_start3A_266 = tpu.memref_slice %arg10[%add3A_264, %dma_start3A_265] : memref<128x64xf32, #tpu.memory_space<vmem>> -> memref<1x64xf32, #tpu.memory_space<vmem>>
      %dma_start3A_267 = tpu.memref_squeeze %dma_start3A_266 : memref<1x64xf32, #tpu.memory_space<vmem>> -> memref<64xf32, #tpu.memory_space<vmem>>
      %dma_start3A_268 = arith.constant 0 : i32
      %dma_start3A_269 = tpu.memref_slice %arg4[%shift_right_logical3A_258, %and3A_260, %dma_start3A_268] : memref<12500x8x64xf32, #tpu.memory_space<hbm>> -> memref<1x1x64xf32, #tpu.memory_space<hbm>>
      %dma_start3A_270 = tpu.memref_squeeze %dma_start3A_269 : memref<1x1x64xf32, #tpu.memory_space<hbm>> -> memref<64xf32, #tpu.memory_space<hbm>>
      %dma_start3A_271 = arith.constant 0 : i32
      %dma_start3A_272 = tpu.memref_slice %arg10[%add3A_264, %dma_start3A_271] : memref<128x64xf32, #tpu.memory_space<vmem>> -> memref<1x64xf32, #tpu.memory_space<vmem>>
      %dma_start3A_273 = tpu.memref_squeeze %dma_start3A_272 : memref<1x64xf32, #tpu.memory_space<vmem>> -> memref<64xf32, #tpu.memory_space<vmem>>
      %dma_start3A_274 = arith.constant 0 : i32
      %dma_start3A_275 = tpu.memref_slice %arg4[%shift_right_logical3A_258, %and3A_260, %dma_start3A_274] : memref<12500x8x64xf32, #tpu.memory_space<hbm>> -> memref<1x1x64xf32, #tpu.memory_space<hbm>>
      %dma_start3A_276 = tpu.memref_squeeze %dma_start3A_275 : memref<1x1x64xf32, #tpu.memory_space<hbm>> -> memref<64xf32, #tpu.memory_space<hbm>>
      tpu.enqueue_dma source(%dma_start3A_276 : memref<64xf32, #tpu.memory_space<hbm>>) target(%dma_start3A_273 : memref<64xf32, #tpu.memory_space<vmem>>) target_semaphore(%arg13 : memref<!tpu.dma_semaphore, #tpu.memory_space<semaphore_mem>>)
      %slice3A_277 = vector.extract_strided_slice %get3A_126 {offsets = [7], sizes = [1], strides = [1]} : vector<16xi32> to vector<1xi32>
      %squeeze3A_278 = vector.extract %slice3A_277[0] : i32 from vector<1xi32>
      %shift_right_logical3A_279 = arith.constant 3 : i32
      %shift_right_logical3A_280 = arith.shrui %squeeze3A_278, %shift_right_logical3A_279 : i32
      %and3A_281 = arith.constant 7 : i32
      %and3A_282 = arith.andi %squeeze3A_278, %and3A_281 : i32
      %mul3A_283 = arith.constant 16 : i32
      %mul3A_284 = arith.muli %add3A_121, %mul3A_283 : i32
      %add3A_285 = arith.constant 7 : i32
      %add3A_286 = arith.addi %mul3A_284, %add3A_285 : i32
      %dma_start3A_287 = arith.constant 0 : i32
      %dma_start3A_288 = tpu.memref_slice %arg10[%add3A_286, %dma_start3A_287] : memref<128x64xf32, #tpu.memory_space<vmem>> -> memref<1x64xf32, #tpu.memory_space<vmem>>
      %dma_start3A_289 = tpu.memref_squeeze %dma_start3A_288 : memref<1x64xf32, #tpu.memory_space<vmem>> -> memref<64xf32, #tpu.memory_space<vmem>>
      %dma_start3A_290 = arith.constant 0 : i32
      %dma_start3A_291 = tpu.memref_slice %arg4[%shift_right_logical3A_280, %and3A_282, %dma_start3A_290] : memref<12500x8x64xf32, #tpu.memory_space<hbm>> -> memref<1x1x64xf32, #tpu.memory_space<hbm>>
      %dma_start3A_292 = tpu.memref_squeeze %dma_start3A_291 : memref<1x1x64xf32, #tpu.memory_space<hbm>> -> memref<64xf32, #tpu.memory_space<hbm>>
      %dma_start3A_293 = arith.constant 0 : i32
      %dma_start3A_294 = tpu.memref_slice %arg10[%add3A_286, %dma_start3A_293] : memref<128x64xf32, #tpu.memory_space<vmem>> -> memref<1x64xf32, #tpu.memory_space<vmem>>
      %dma_start3A_295 = tpu.memref_squeeze %dma_start3A_294 : memref<1x64xf32, #tpu.memory_space<vmem>> -> memref<64xf32, #tpu.memory_space<vmem>>
      %dma_start3A_296 = arith.constant 0 : i32
      %dma_start3A_297 = tpu.memref_slice %arg4[%shift_right_logical3A_280, %and3A_282, %dma_start3A_296] : memref<12500x8x64xf32, #tpu.memory_space<hbm>> -> memref<1x1x64xf32, #tpu.memory_space<hbm>>
      %dma_start3A_298 = tpu.memref_squeeze %dma_start3A_297 : memref<1x1x64xf32, #tpu.memory_space<hbm>> -> memref<64xf32, #tpu.memory_space<hbm>>
      tpu.enqueue_dma source(%dma_start3A_298 : memref<64xf32, #tpu.memory_space<hbm>>) target(%dma_start3A_295 : memref<64xf32, #tpu.memory_space<vmem>>) target_semaphore(%arg13 : memref<!tpu.dma_semaphore, #tpu.memory_space<semaphore_mem>>)
      %slice3A_299 = vector.extract_strided_slice %get3A_126 {offsets = [8], sizes = [1], strides = [1]} : vector<16xi32> to vector<1xi32>
      %squeeze3A_300 = vector.extract %slice3A_299[0] : i32 from vector<1xi32>
      %shift_right_logical3A_301 = arith.constant 3 : i32
      %shift_right_logical3A_302 = arith.shrui %squeeze3A_300, %shift_right_logical3A_301 : i32
      %and3A_303 = arith.constant 7 : i32
      %and3A_304 = arith.andi %squeeze3A_300, %and3A_303 : i32
      %mul3A_305 = arith.constant 16 : i32
      %mul3A_306 = arith.muli %add3A_121, %mul3A_305 : i32
      %add3A_307 = arith.constant 8 : i32
      %add3A_308 = arith.addi %mul3A_306, %add3A_307 : i32
      %dma_start3A_309 = arith.constant 0 : i32
      %dma_start3A_310 = tpu.memref_slice %arg10[%add3A_308, %dma_start3A_309] : memref<128x64xf32, #tpu.memory_space<vmem>> -> memref<1x64xf32, #tpu.memory_space<vmem>>
      %dma_start3A_311 = tpu.memref_squeeze %dma_start3A_310 : memref<1x64xf32, #tpu.memory_space<vmem>> -> memref<64xf32, #tpu.memory_space<vmem>>
      %dma_start3A_312 = arith.constant 0 : i32
      %dma_start3A_313 = tpu.memref_slice %arg4[%shift_right_logical3A_302, %and3A_304, %dma_start3A_312] : memref<12500x8x64xf32, #tpu.memory_space<hbm>> -> memref<1x1x64xf32, #tpu.memory_space<hbm>>
      %dma_start3A_314 = tpu.memref_squeeze %dma_start3A_313 : memref<1x1x64xf32, #tpu.memory_space<hbm>> -> memref<64xf32, #tpu.memory_space<hbm>>
      %dma_start3A_315 = arith.constant 0 : i32
      %dma_start3A_316 = tpu.memref_slice %arg10[%add3A_308, %dma_start3A_315] : memref<128x64xf32, #tpu.memory_space<vmem>> -> memref<1x64xf32, #tpu.memory_space<vmem>>
      %dma_start3A_317 = tpu.memref_squeeze %dma_start3A_316 : memref<1x64xf32, #tpu.memory_space<vmem>> -> memref<64xf32, #tpu.memory_space<vmem>>
      %dma_start3A_318 = arith.constant 0 : i32
      %dma_start3A_319 = tpu.memref_slice %arg4[%shift_right_logical3A_302, %and3A_304, %dma_start3A_318] : memref<12500x8x64xf32, #tpu.memory_space<hbm>> -> memref<1x1x64xf32, #tpu.memory_space<hbm>>
      %dma_start3A_320 = tpu.memref_squeeze %dma_start3A_319 : memref<1x1x64xf32, #tpu.memory_space<hbm>> -> memref<64xf32, #tpu.memory_space<hbm>>
      tpu.enqueue_dma source(%dma_start3A_320 : memref<64xf32, #tpu.memory_space<hbm>>) target(%dma_start3A_317 : memref<64xf32, #tpu.memory_space<vmem>>) target_semaphore(%arg13 : memref<!tpu.dma_semaphore, #tpu.memory_space<semaphore_mem>>)
      %slice3A_321 = vector.extract_strided_slice %get3A_126 {offsets = [9], sizes = [1], strides = [1]} : vector<16xi32> to vector<1xi32>
      %squeeze3A_322 = vector.extract %slice3A_321[0] : i32 from vector<1xi32>
      %shift_right_logical3A_323 = arith.constant 3 : i32
      %shift_right_logical3A_324 = arith.shrui %squeeze3A_322, %shift_right_logical3A_323 : i32
      %and3A_325 = arith.constant 7 : i32
      %and3A_326 = arith.andi %squeeze3A_322, %and3A_325 : i32
      %mul3A_327 = arith.constant 16 : i32
      %mul3A_328 = arith.muli %add3A_121, %mul3A_327 : i32
      %add3A_329 = arith.constant 9 : i32
      %add3A_330 = arith.addi %mul3A_328, %add3A_329 : i32
      %dma_start3A_331 = arith.constant 0 : i32
      %dma_start3A_332 = tpu.memref_slice %arg10[%add3A_330, %dma_start3A_331] : memref<128x64xf32, #tpu.memory_space<vmem>> -> memref<1x64xf32, #tpu.memory_space<vmem>>
      %dma_start3A_333 = tpu.memref_squeeze %dma_start3A_332 : memref<1x64xf32, #tpu.memory_space<vmem>> -> memref<64xf32, #tpu.memory_space<vmem>>
      %dma_start3A_334 = arith.constant 0 : i32
      %dma_start3A_335 = tpu.memref_slice %arg4[%shift_right_logical3A_324, %and3A_326, %dma_start3A_334] : memref<12500x8x64xf32, #tpu.memory_space<hbm>> -> memref<1x1x64xf32, #tpu.memory_space<hbm>>
      %dma_start3A_336 = tpu.memref_squeeze %dma_start3A_335 : memref<1x1x64xf32, #tpu.memory_space<hbm>> -> memref<64xf32, #tpu.memory_space<hbm>>
      %dma_start3A_337 = arith.constant 0 : i32
      %dma_start3A_338 = tpu.memref_slice %arg10[%add3A_330, %dma_start3A_337] : memref<128x64xf32, #tpu.memory_space<vmem>> -> memref<1x64xf32, #tpu.memory_space<vmem>>
      %dma_start3A_339 = tpu.memref_squeeze %dma_start3A_338 : memref<1x64xf32, #tpu.memory_space<vmem>> -> memref<64xf32, #tpu.memory_space<vmem>>
      %dma_start3A_340 = arith.constant 0 : i32
      %dma_start3A_341 = tpu.memref_slice %arg4[%shift_right_logical3A_324, %and3A_326, %dma_start3A_340] : memref<12500x8x64xf32, #tpu.memory_space<hbm>> -> memref<1x1x64xf32, #tpu.memory_space<hbm>>
      %dma_start3A_342 = tpu.memref_squeeze %dma_start3A_341 : memref<1x1x64xf32, #tpu.memory_space<hbm>> -> memref<64xf32, #tpu.memory_space<hbm>>
      tpu.enqueue_dma source(%dma_start3A_342 : memref<64xf32, #tpu.memory_space<hbm>>) target(%dma_start3A_339 : memref<64xf32, #tpu.memory_space<vmem>>) target_semaphore(%arg13 : memref<!tpu.dma_semaphore, #tpu.memory_space<semaphore_mem>>)
      %slice3A_343 = vector.extract_strided_slice %get3A_126 {offsets = [10], sizes = [1], strides = [1]} : vector<16xi32> to vector<1xi32>
      %squeeze3A_344 = vector.extract %slice3A_343[0] : i32 from vector<1xi32>
      %shift_right_logical3A_345 = arith.constant 3 : i32
      %shift_right_logical3A_346 = arith.shrui %squeeze3A_344, %shift_right_logical3A_345 : i32
      %and3A_347 = arith.constant 7 : i32
      %and3A_348 = arith.andi %squeeze3A_344, %and3A_347 : i32
      %mul3A_349 = arith.constant 16 : i32
      %mul3A_350 = arith.muli %add3A_121, %mul3A_349 : i32
      %add3A_351 = arith.constant 10 : i32
      %add3A_352 = arith.addi %mul3A_350, %add3A_351 : i32
      %dma_start3A_353 = arith.constant 0 : i32
      %dma_start3A_354 = tpu.memref_slice %arg10[%add3A_352, %dma_start3A_353] : memref<128x64xf32, #tpu.memory_space<vmem>> -> memref<1x64xf32, #tpu.memory_space<vmem>>
      %dma_start3A_355 = tpu.memref_squeeze %dma_start3A_354 : memref<1x64xf32, #tpu.memory_space<vmem>> -> memref<64xf32, #tpu.memory_space<vmem>>
      %dma_start3A_356 = arith.constant 0 : i32
      %dma_start3A_357 = tpu.memref_slice %arg4[%shift_right_logical3A_346, %and3A_348, %dma_start3A_356] : memref<12500x8x64xf32, #tpu.memory_space<hbm>> -> memref<1x1x64xf32, #tpu.memory_space<hbm>>
      %dma_start3A_358 = tpu.memref_squeeze %dma_start3A_357 : memref<1x1x64xf32, #tpu.memory_space<hbm>> -> memref<64xf32, #tpu.memory_space<hbm>>
      %dma_start3A_359 = arith.constant 0 : i32
      %dma_start3A_360 = tpu.memref_slice %arg10[%add3A_352, %dma_start3A_359] : memref<128x64xf32, #tpu.memory_space<vmem>> -> memref<1x64xf32, #tpu.memory_space<vmem>>
      %dma_start3A_361 = tpu.memref_squeeze %dma_start3A_360 : memref<1x64xf32, #tpu.memory_space<vmem>> -> memref<64xf32, #tpu.memory_space<vmem>>
      %dma_start3A_362 = arith.constant 0 : i32
      %dma_start3A_363 = tpu.memref_slice %arg4[%shift_right_logical3A_346, %and3A_348, %dma_start3A_362] : memref<12500x8x64xf32, #tpu.memory_space<hbm>> -> memref<1x1x64xf32, #tpu.memory_space<hbm>>
      %dma_start3A_364 = tpu.memref_squeeze %dma_start3A_363 : memref<1x1x64xf32, #tpu.memory_space<hbm>> -> memref<64xf32, #tpu.memory_space<hbm>>
      tpu.enqueue_dma source(%dma_start3A_364 : memref<64xf32, #tpu.memory_space<hbm>>) target(%dma_start3A_361 : memref<64xf32, #tpu.memory_space<vmem>>) target_semaphore(%arg13 : memref<!tpu.dma_semaphore, #tpu.memory_space<semaphore_mem>>)
      %slice3A_365 = vector.extract_strided_slice %get3A_126 {offsets = [11], sizes = [1], strides = [1]} : vector<16xi32> to vector<1xi32>
      %squeeze3A_366 = vector.extract %slice3A_365[0] : i32 from vector<1xi32>
      %shift_right_logical3A_367 = arith.constant 3 : i32
      %shift_right_logical3A_368 = arith.shrui %squeeze3A_366, %shift_right_logical3A_367 : i32
      %and3A_369 = arith.constant 7 : i32
      %and3A_370 = arith.andi %squeeze3A_366, %and3A_369 : i32
      %mul3A_371 = arith.constant 16 : i32
      %mul3A_372 = arith.muli %add3A_121, %mul3A_371 : i32
      %add3A_373 = arith.constant 11 : i32
      %add3A_374 = arith.addi %mul3A_372, %add3A_373 : i32
      %dma_start3A_375 = arith.constant 0 : i32
      %dma_start3A_376 = tpu.memref_slice %arg10[%add3A_374, %dma_start3A_375] : memref<128x64xf32, #tpu.memory_space<vmem>> -> memref<1x64xf32, #tpu.memory_space<vmem>>
      %dma_start3A_377 = tpu.memref_squeeze %dma_start3A_376 : memref<1x64xf32, #tpu.memory_space<vmem>> -> memref<64xf32, #tpu.memory_space<vmem>>
      %dma_start3A_378 = arith.constant 0 : i32
      %dma_start3A_379 = tpu.memref_slice %arg4[%shift_right_logical3A_368, %and3A_370, %dma_start3A_378] : memref<12500x8x64xf32, #tpu.memory_space<hbm>> -> memref<1x1x64xf32, #tpu.memory_space<hbm>>
      %dma_start3A_380 = tpu.memref_squeeze %dma_start3A_379 : memref<1x1x64xf32, #tpu.memory_space<hbm>> -> memref<64xf32, #tpu.memory_space<hbm>>
      %dma_start3A_381 = arith.constant 0 : i32
      %dma_start3A_382 = tpu.memref_slice %arg10[%add3A_374, %dma_start3A_381] : memref<128x64xf32, #tpu.memory_space<vmem>> -> memref<1x64xf32, #tpu.memory_space<vmem>>
      %dma_start3A_383 = tpu.memref_squeeze %dma_start3A_382 : memref<1x64xf32, #tpu.memory_space<vmem>> -> memref<64xf32, #tpu.memory_space<vmem>>
      %dma_start3A_384 = arith.constant 0 : i32
      %dma_start3A_385 = tpu.memref_slice %arg4[%shift_right_logical3A_368, %and3A_370, %dma_start3A_384] : memref<12500x8x64xf32, #tpu.memory_space<hbm>> -> memref<1x1x64xf32, #tpu.memory_space<hbm>>
      %dma_start3A_386 = tpu.memref_squeeze %dma_start3A_385 : memref<1x1x64xf32, #tpu.memory_space<hbm>> -> memref<64xf32, #tpu.memory_space<hbm>>
      tpu.enqueue_dma source(%dma_start3A_386 : memref<64xf32, #tpu.memory_space<hbm>>) target(%dma_start3A_383 : memref<64xf32, #tpu.memory_space<vmem>>) target_semaphore(%arg13 : memref<!tpu.dma_semaphore, #tpu.memory_space<semaphore_mem>>)
      %slice3A_387 = vector.extract_strided_slice %get3A_126 {offsets = [12], sizes = [1], strides = [1]} : vector<16xi32> to vector<1xi32>
      %squeeze3A_388 = vector.extract %slice3A_387[0] : i32 from vector<1xi32>
      %shift_right_logical3A_389 = arith.constant 3 : i32
      %shift_right_logical3A_390 = arith.shrui %squeeze3A_388, %shift_right_logical3A_389 : i32
      %and3A_391 = arith.constant 7 : i32
      %and3A_392 = arith.andi %squeeze3A_388, %and3A_391 : i32
      %mul3A_393 = arith.constant 16 : i32
      %mul3A_394 = arith.muli %add3A_121, %mul3A_393 : i32
      %add3A_395 = arith.constant 12 : i32
      %add3A_396 = arith.addi %mul3A_394, %add3A_395 : i32
      %dma_start3A_397 = arith.constant 0 : i32
      %dma_start3A_398 = tpu.memref_slice %arg10[%add3A_396, %dma_start3A_397] : memref<128x64xf32, #tpu.memory_space<vmem>> -> memref<1x64xf32, #tpu.memory_space<vmem>>
      %dma_start3A_399 = tpu.memref_squeeze %dma_start3A_398 : memref<1x64xf32, #tpu.memory_space<vmem>> -> memref<64xf32, #tpu.memory_space<vmem>>
      %dma_start3A_400 = arith.constant 0 : i32
      %dma_start3A_401 = tpu.memref_slice %arg4[%shift_right_logical3A_390, %and3A_392, %dma_start3A_400] : memref<12500x8x64xf32, #tpu.memory_space<hbm>> -> memref<1x1x64xf32, #tpu.memory_space<hbm>>
      %dma_start3A_402 = tpu.memref_squeeze %dma_start3A_401 : memref<1x1x64xf32, #tpu.memory_space<hbm>> -> memref<64xf32, #tpu.memory_space<hbm>>
      %dma_start3A_403 = arith.constant 0 : i32
      %dma_start3A_404 = tpu.memref_slice %arg10[%add3A_396, %dma_start3A_403] : memref<128x64xf32, #tpu.memory_space<vmem>> -> memref<1x64xf32, #tpu.memory_space<vmem>>
      %dma_start3A_405 = tpu.memref_squeeze %dma_start3A_404 : memref<1x64xf32, #tpu.memory_space<vmem>> -> memref<64xf32, #tpu.memory_space<vmem>>
      %dma_start3A_406 = arith.constant 0 : i32
      %dma_start3A_407 = tpu.memref_slice %arg4[%shift_right_logical3A_390, %and3A_392, %dma_start3A_406] : memref<12500x8x64xf32, #tpu.memory_space<hbm>> -> memref<1x1x64xf32, #tpu.memory_space<hbm>>
      %dma_start3A_408 = tpu.memref_squeeze %dma_start3A_407 : memref<1x1x64xf32, #tpu.memory_space<hbm>> -> memref<64xf32, #tpu.memory_space<hbm>>
      tpu.enqueue_dma source(%dma_start3A_408 : memref<64xf32, #tpu.memory_space<hbm>>) target(%dma_start3A_405 : memref<64xf32, #tpu.memory_space<vmem>>) target_semaphore(%arg13 : memref<!tpu.dma_semaphore, #tpu.memory_space<semaphore_mem>>)
      %slice3A_409 = vector.extract_strided_slice %get3A_126 {offsets = [13], sizes = [1], strides = [1]} : vector<16xi32> to vector<1xi32>
      %squeeze3A_410 = vector.extract %slice3A_409[0] : i32 from vector<1xi32>
      %shift_right_logical3A_411 = arith.constant 3 : i32
      %shift_right_logical3A_412 = arith.shrui %squeeze3A_410, %shift_right_logical3A_411 : i32
      %and3A_413 = arith.constant 7 : i32
      %and3A_414 = arith.andi %squeeze3A_410, %and3A_413 : i32
      %mul3A_415 = arith.constant 16 : i32
      %mul3A_416 = arith.muli %add3A_121, %mul3A_415 : i32
      %add3A_417 = arith.constant 13 : i32
      %add3A_418 = arith.addi %mul3A_416, %add3A_417 : i32
      %dma_start3A_419 = arith.constant 0 : i32
      %dma_start3A_420 = tpu.memref_slice %arg10[%add3A_418, %dma_start3A_419] : memref<128x64xf32, #tpu.memory_space<vmem>> -> memref<1x64xf32, #tpu.memory_space<vmem>>
      %dma_start3A_421 = tpu.memref_squeeze %dma_start3A_420 : memref<1x64xf32, #tpu.memory_space<vmem>> -> memref<64xf32, #tpu.memory_space<vmem>>
      %dma_start3A_422 = arith.constant 0 : i32
      %dma_start3A_423 = tpu.memref_slice %arg4[%shift_right_logical3A_412, %and3A_414, %dma_start3A_422] : memref<12500x8x64xf32, #tpu.memory_space<hbm>> -> memref<1x1x64xf32, #tpu.memory_space<hbm>>
      %dma_start3A_424 = tpu.memref_squeeze %dma_start3A_423 : memref<1x1x64xf32, #tpu.memory_space<hbm>> -> memref<64xf32, #tpu.memory_space<hbm>>
      %dma_start3A_425 = arith.constant 0 : i32
      %dma_start3A_426 = tpu.memref_slice %arg10[%add3A_418, %dma_start3A_425] : memref<128x64xf32, #tpu.memory_space<vmem>> -> memref<1x64xf32, #tpu.memory_space<vmem>>
      %dma_start3A_427 = tpu.memref_squeeze %dma_start3A_426 : memref<1x64xf32, #tpu.memory_space<vmem>> -> memref<64xf32, #tpu.memory_space<vmem>>
      %dma_start3A_428 = arith.constant 0 : i32
      %dma_start3A_429 = tpu.memref_slice %arg4[%shift_right_logical3A_412, %and3A_414, %dma_start3A_428] : memref<12500x8x64xf32, #tpu.memory_space<hbm>> -> memref<1x1x64xf32, #tpu.memory_space<hbm>>
      %dma_start3A_430 = tpu.memref_squeeze %dma_start3A_429 : memref<1x1x64xf32, #tpu.memory_space<hbm>> -> memref<64xf32, #tpu.memory_space<hbm>>
      tpu.enqueue_dma source(%dma_start3A_430 : memref<64xf32, #tpu.memory_space<hbm>>) target(%dma_start3A_427 : memref<64xf32, #tpu.memory_space<vmem>>) target_semaphore(%arg13 : memref<!tpu.dma_semaphore, #tpu.memory_space<semaphore_mem>>)
      %slice3A_431 = vector.extract_strided_slice %get3A_126 {offsets = [14], sizes = [1], strides = [1]} : vector<16xi32> to vector<1xi32>
      %squeeze3A_432 = vector.extract %slice3A_431[0] : i32 from vector<1xi32>
      %shift_right_logical3A_433 = arith.constant 3 : i32
      %shift_right_logical3A_434 = arith.shrui %squeeze3A_432, %shift_right_logical3A_433 : i32
      %and3A_435 = arith.constant 7 : i32
      %and3A_436 = arith.andi %squeeze3A_432, %and3A_435 : i32
      %mul3A_437 = arith.constant 16 : i32
      %mul3A_438 = arith.muli %add3A_121, %mul3A_437 : i32
      %add3A_439 = arith.constant 14 : i32
      %add3A_440 = arith.addi %mul3A_438, %add3A_439 : i32
      %dma_start3A_441 = arith.constant 0 : i32
      %dma_start3A_442 = tpu.memref_slice %arg10[%add3A_440, %dma_start3A_441] : memref<128x64xf32, #tpu.memory_space<vmem>> -> memref<1x64xf32, #tpu.memory_space<vmem>>
      %dma_start3A_443 = tpu.memref_squeeze %dma_start3A_442 : memref<1x64xf32, #tpu.memory_space<vmem>> -> memref<64xf32, #tpu.memory_space<vmem>>
      %dma_start3A_444 = arith.constant 0 : i32
      %dma_start3A_445 = tpu.memref_slice %arg4[%shift_right_logical3A_434, %and3A_436, %dma_start3A_444] : memref<12500x8x64xf32, #tpu.memory_space<hbm>> -> memref<1x1x64xf32, #tpu.memory_space<hbm>>
      %dma_start3A_446 = tpu.memref_squeeze %dma_start3A_445 : memref<1x1x64xf32, #tpu.memory_space<hbm>> -> memref<64xf32, #tpu.memory_space<hbm>>
      %dma_start3A_447 = arith.constant 0 : i32
      %dma_start3A_448 = tpu.memref_slice %arg10[%add3A_440, %dma_start3A_447] : memref<128x64xf32, #tpu.memory_space<vmem>> -> memref<1x64xf32, #tpu.memory_space<vmem>>
      %dma_start3A_449 = tpu.memref_squeeze %dma_start3A_448 : memref<1x64xf32, #tpu.memory_space<vmem>> -> memref<64xf32, #tpu.memory_space<vmem>>
      %dma_start3A_450 = arith.constant 0 : i32
      %dma_start3A_451 = tpu.memref_slice %arg4[%shift_right_logical3A_434, %and3A_436, %dma_start3A_450] : memref<12500x8x64xf32, #tpu.memory_space<hbm>> -> memref<1x1x64xf32, #tpu.memory_space<hbm>>
      %dma_start3A_452 = tpu.memref_squeeze %dma_start3A_451 : memref<1x1x64xf32, #tpu.memory_space<hbm>> -> memref<64xf32, #tpu.memory_space<hbm>>
      tpu.enqueue_dma source(%dma_start3A_452 : memref<64xf32, #tpu.memory_space<hbm>>) target(%dma_start3A_449 : memref<64xf32, #tpu.memory_space<vmem>>) target_semaphore(%arg13 : memref<!tpu.dma_semaphore, #tpu.memory_space<semaphore_mem>>)
      %slice3A_453 = vector.extract_strided_slice %get3A_126 {offsets = [15], sizes = [1], strides = [1]} : vector<16xi32> to vector<1xi32>
      %squeeze3A_454 = vector.extract %slice3A_453[0] : i32 from vector<1xi32>
      %shift_right_logical3A_455 = arith.constant 3 : i32
      %shift_right_logical3A_456 = arith.shrui %squeeze3A_454, %shift_right_logical3A_455 : i32
      %and3A_457 = arith.constant 7 : i32
      %and3A_458 = arith.andi %squeeze3A_454, %and3A_457 : i32
      %mul3A_459 = arith.constant 16 : i32
      %mul3A_460 = arith.muli %add3A_121, %mul3A_459 : i32
      %add3A_461 = arith.constant 15 : i32
      %add3A_462 = arith.addi %mul3A_460, %add3A_461 : i32
      %dma_start3A_463 = arith.constant 0 : i32
      %dma_start3A_464 = tpu.memref_slice %arg10[%add3A_462, %dma_start3A_463] : memref<128x64xf32, #tpu.memory_space<vmem>> -> memref<1x64xf32, #tpu.memory_space<vmem>>
      %dma_start3A_465 = tpu.memref_squeeze %dma_start3A_464 : memref<1x64xf32, #tpu.memory_space<vmem>> -> memref<64xf32, #tpu.memory_space<vmem>>
      %dma_start3A_466 = arith.constant 0 : i32
      %dma_start3A_467 = tpu.memref_slice %arg4[%shift_right_logical3A_456, %and3A_458, %dma_start3A_466] : memref<12500x8x64xf32, #tpu.memory_space<hbm>> -> memref<1x1x64xf32, #tpu.memory_space<hbm>>
      %dma_start3A_468 = tpu.memref_squeeze %dma_start3A_467 : memref<1x1x64xf32, #tpu.memory_space<hbm>> -> memref<64xf32, #tpu.memory_space<hbm>>
      %dma_start3A_469 = arith.constant 0 : i32
      %dma_start3A_470 = tpu.memref_slice %arg10[%add3A_462, %dma_start3A_469] : memref<128x64xf32, #tpu.memory_space<vmem>> -> memref<1x64xf32, #tpu.memory_space<vmem>>
      %dma_start3A_471 = tpu.memref_squeeze %dma_start3A_470 : memref<1x64xf32, #tpu.memory_space<vmem>> -> memref<64xf32, #tpu.memory_space<vmem>>
      %dma_start3A_472 = arith.constant 0 : i32
      %dma_start3A_473 = tpu.memref_slice %arg4[%shift_right_logical3A_456, %and3A_458, %dma_start3A_472] : memref<12500x8x64xf32, #tpu.memory_space<hbm>> -> memref<1x1x64xf32, #tpu.memory_space<hbm>>
      %dma_start3A_474 = tpu.memref_squeeze %dma_start3A_473 : memref<1x1x64xf32, #tpu.memory_space<hbm>> -> memref<64xf32, #tpu.memory_space<hbm>>
      tpu.enqueue_dma source(%dma_start3A_474 : memref<64xf32, #tpu.memory_space<hbm>>) target(%dma_start3A_471 : memref<64xf32, #tpu.memory_space<vmem>>) target_semaphore(%arg13 : memref<!tpu.dma_semaphore, #tpu.memory_space<semaphore_mem>>)
    }
    %scan3A_72 = arith.constant 8 : i32
    %add3A_73 = arith.constant 384 : i32
    %add3A_74 = arith.addi %mul3A_2, %add3A_73 : i32
    %dma_start3A_75 = arith.constant 0 : i32
    %dma_start3A_76 = tpu.memref_slice %arg2[%add3A_74, %dma_start3A_75] : memref<16384x64xf32, #tpu.memory_space<hbm>> -> memref<128x64xf32, #tpu.memory_space<hbm>>
    %dma_start3A_77 = arith.constant 0 : i32
    %dma_start3A_78 = tpu.memref_slice %arg2[%add3A_74, %dma_start3A_77] : memref<16384x64xf32, #tpu.memory_space<hbm>> -> memref<128x64xf32, #tpu.memory_space<hbm>>
    tpu.enqueue_dma source(%dma_start3A_78 : memref<128x64xf32, #tpu.memory_space<hbm>>) target(%arg8 : memref<128x64xf32, #tpu.memory_space<vmem>>) target_semaphore(%arg15 : memref<!tpu.dma_semaphore, #tpu.memory_space<semaphore_mem>>)
    %scan3A_79 = arith.constant 0 : i32
    %scan3A_80 = arith.constant 128 : i32
    %scan3A_81 = arith.addi %scan3A_79, %scan3A_80 : i32
    %scan3A_82 = arith.constant 1 : i32
    scf.for %scan3A_117 = %scan3A_79 to %scan3A_81 step %scan3A_82  : i32 {
      %mul3A_118 = arith.constant 1 : i32
      %mul3A_119 = arith.muli %scan3A_117, %mul3A_118 : i32
      %add3A_120 = arith.constant 0 : i32
      %add3A_121 = arith.addi %add3A_120, %mul3A_119 : i32
      %dma_wait3A_122 = arith.constant 0 : i32
      %dma_wait3A_123 = arith.constant 0 : i32
      %dma_wait3A_124 = arith.constant 0 : i32
      %dma_wait3A_125 = arith.constant 0 : i32
      %dma_wait3A_126 = tpu.memref_slice %arg9[%dma_wait3A_124, %dma_wait3A_125] : memref<128x64xf32, #tpu.memory_space<vmem>> -> memref<1x64xf32, #tpu.memory_space<vmem>>
      %dma_wait3A_127 = tpu.memref_squeeze %dma_wait3A_126 : memref<1x64xf32, #tpu.memory_space<vmem>> -> memref<64xf32, #tpu.memory_space<vmem>>
      %dma_wait3A_128 = arith.constant 0 : i32
      %dma_wait3A_129 = tpu.memref_slice %arg4[%dma_wait3A_122, %dma_wait3A_123, %dma_wait3A_128] : memref<12500x8x64xf32, #tpu.memory_space<hbm>> -> memref<1x1x64xf32, #tpu.memory_space<hbm>>
      %dma_wait3A_130 = tpu.memref_squeeze %dma_wait3A_129 : memref<1x1x64xf32, #tpu.memory_space<hbm>> -> memref<64xf32, #tpu.memory_space<hbm>>
      %dma_wait3A_131 = arith.constant 0 : i32
      %dma_wait3A_132 = tpu.memref_slice %arg9[%dma_wait3A_124, %dma_wait3A_131] : memref<128x64xf32, #tpu.memory_space<vmem>> -> memref<1x64xf32, #tpu.memory_space<vmem>>
      %dma_wait3A_133 = tpu.memref_squeeze %dma_wait3A_132 : memref<1x64xf32, #tpu.memory_space<vmem>> -> memref<64xf32, #tpu.memory_space<vmem>>
      %dma_wait3A_134 = arith.constant 0 : i32
      %dma_wait3A_135 = tpu.memref_slice %arg4[%dma_wait3A_122, %dma_wait3A_123, %dma_wait3A_134] : memref<12500x8x64xf32, #tpu.memory_space<hbm>> -> memref<1x1x64xf32, #tpu.memory_space<hbm>>
      %dma_wait3A_136 = tpu.memref_squeeze %dma_wait3A_135 : memref<1x1x64xf32, #tpu.memory_space<hbm>> -> memref<64xf32, #tpu.memory_space<hbm>>
      tpu.wait_dma2 semaphore(%arg12 : memref<!tpu.dma_semaphore, #tpu.memory_space<semaphore_mem>>) src(%dma_wait3A_136 : memref<64xf32, #tpu.memory_space<hbm>>) dst(%dma_wait3A_133 : memref<64xf32, #tpu.memory_space<vmem>>)
    }
    %scan3A_83 = arith.constant 128 : i32
    %add3A_84 = arith.constant 256 : i32
    %add3A_85 = arith.addi %mul3A_2, %add3A_84 : i32
    %dma_wait3A_86 = arith.constant 0 : i32
    %dma_wait3A_87 = tpu.memref_slice %arg2[%add3A_85, %dma_wait3A_86] : memref<16384x64xf32, #tpu.memory_space<hbm>> -> memref<128x64xf32, #tpu.memory_space<hbm>>
    %dma_wait3A_88 = arith.constant 0 : i32
    %dma_wait3A_89 = tpu.memref_slice %arg2[%add3A_85, %dma_wait3A_88] : memref<16384x64xf32, #tpu.memory_space<hbm>> -> memref<128x64xf32, #tpu.memory_space<hbm>>
    tpu.wait_dma2 semaphore(%arg14 : memref<!tpu.dma_semaphore, #tpu.memory_space<semaphore_mem>>) src(%dma_wait3A_89 : memref<128x64xf32, #tpu.memory_space<hbm>>) dst(%arg7 : memref<128x64xf32, #tpu.memory_space<vmem>>)
    %scan3A_90 = arith.constant 0 : i32
    %scan3A_91 = arith.constant 64 : i32
    %scan3A_92 = arith.addi %scan3A_90, %scan3A_91 : i32
    %scan3A_93 = arith.constant 1 : i32
    %scan3A_94 = scf.for %scan3A_117 = %scan3A_90 to %scan3A_92 step %scan3A_93 iter_args(%scan3A_118 = %scan3A_66) -> (vector<16xf32>)  : i32 {
      %mul3A_119 = arith.constant 2 : i32
      %mul3A_120 = arith.muli %scan3A_117, %mul3A_119 : i32
      %add3A_121 = arith.constant 0 : i32
      %add3A_122 = arith.addi %mul3A_120, %add3A_121 : i32
      %get3A = arith.index_cast %add3A_122 : i32 to index
      %get3A_123 = arith.constant 0 : index
      %get3A_124 = tpu.vector_load %arg7[%get3A, %get3A_123] {strides = array<i32>} : memref<128x64xf32, #tpu.memory_space<vmem>>, vector<16xf32>,
      %get3A_125 = arith.index_cast %add3A_122 : i32 to index
      %get3A_126 = arith.constant 0 : index
      %get3A_127 = tpu.vector_load %arg9[%get3A_125, %get3A_126] {strides = array<i32>} : memref<128x64xf32, #tpu.memory_space<vmem>>, vector<16xf32>,
      %sub3A = arith.subf %get3A_124, %get3A_127 : vector<16xf32>
      %mul3A_128 = arith.mulf %sub3A, %sub3A : vector<16xf32>
      %add3A_129 = arith.addf %scan3A_118, %mul3A_128 : vector<16xf32>
      %get3A_130 = arith.index_cast %add3A_122 : i32 to index
      %get3A_131 = arith.constant 16 : index
      %get3A_132 = tpu.vector_load %arg7[%get3A_130, %get3A_131] {strides = array<i32>} : memref<128x64xf32, #tpu.memory_space<vmem>>, vector<16xf32>,
      %get3A_133 = arith.index_cast %add3A_122 : i32 to index
      %get3A_134 = arith.constant 16 : index
      %get3A_135 = tpu.vector_load %arg9[%get3A_133, %get3A_134] {strides = array<i32>} : memref<128x64xf32, #tpu.memory_space<vmem>>, vector<16xf32>,
      %sub3A_136 = arith.subf %get3A_132, %get3A_135 : vector<16xf32>
      %mul3A_137 = arith.mulf %sub3A_136, %sub3A_136 : vector<16xf32>
      %add3A_138 = arith.addf %add3A_129, %mul3A_137 : vector<16xf32>
      %get3A_139 = arith.index_cast %add3A_122 : i32 to index
      %get3A_140 = arith.constant 32 : index
      %get3A_141 = tpu.vector_load %arg7[%get3A_139, %get3A_140] {strides = array<i32>} : memref<128x64xf32, #tpu.memory_space<vmem>>, vector<16xf32>,
      %get3A_142 = arith.index_cast %add3A_122 : i32 to index
      %get3A_143 = arith.constant 32 : index
      %get3A_144 = tpu.vector_load %arg9[%get3A_142, %get3A_143] {strides = array<i32>} : memref<128x64xf32, #tpu.memory_space<vmem>>, vector<16xf32>,
      %sub3A_145 = arith.subf %get3A_141, %get3A_144 : vector<16xf32>
      %mul3A_146 = arith.mulf %sub3A_145, %sub3A_145 : vector<16xf32>
      %add3A_147 = arith.addf %add3A_138, %mul3A_146 : vector<16xf32>
      %get3A_148 = arith.index_cast %add3A_122 : i32 to index
      %get3A_149 = arith.constant 48 : index
      %get3A_150 = tpu.vector_load %arg7[%get3A_148, %get3A_149] {strides = array<i32>} : memref<128x64xf32, #tpu.memory_space<vmem>>, vector<16xf32>,
      %get3A_151 = arith.index_cast %add3A_122 : i32 to index
      %get3A_152 = arith.constant 48 : index
      %get3A_153 = tpu.vector_load %arg9[%get3A_151, %get3A_152] {strides = array<i32>} : memref<128x64xf32, #tpu.memory_space<vmem>>, vector<16xf32>,
      %sub3A_154 = arith.subf %get3A_150, %get3A_153 : vector<16xf32>
      %mul3A_155 = arith.mulf %sub3A_154, %sub3A_154 : vector<16xf32>
      %add3A_156 = arith.addf %add3A_147, %mul3A_155 : vector<16xf32>
      %mul3A_157 = arith.constant 2 : i32
      %mul3A_158 = arith.muli %scan3A_117, %mul3A_157 : i32
      %add3A_159 = arith.constant 1 : i32
      %add3A_160 = arith.addi %mul3A_158, %add3A_159 : i32
      %get3A_161 = arith.index_cast %add3A_160 : i32 to index
      %get3A_162 = arith.constant 0 : index
      %get3A_163 = tpu.vector_load %arg7[%get3A_161, %get3A_162] {strides = array<i32>} : memref<128x64xf32, #tpu.memory_space<vmem>>, vector<16xf32>,
      %get3A_164 = arith.index_cast %add3A_160 : i32 to index
      %get3A_165 = arith.constant 0 : index
      %get3A_166 = tpu.vector_load %arg9[%get3A_164, %get3A_165] {strides = array<i32>} : memref<128x64xf32, #tpu.memory_space<vmem>>, vector<16xf32>,
      %sub3A_167 = arith.subf %get3A_163, %get3A_166 : vector<16xf32>
      %mul3A_168 = arith.mulf %sub3A_167, %sub3A_167 : vector<16xf32>
      %add3A_169 = arith.addf %add3A_156, %mul3A_168 : vector<16xf32>
      %get3A_170 = arith.index_cast %add3A_160 : i32 to index
      %get3A_171 = arith.constant 16 : index
      %get3A_172 = tpu.vector_load %arg7[%get3A_170, %get3A_171] {strides = array<i32>} : memref<128x64xf32, #tpu.memory_space<vmem>>, vector<16xf32>,
      %get3A_173 = arith.index_cast %add3A_160 : i32 to index
      %get3A_174 = arith.constant 16 : index
      %get3A_175 = tpu.vector_load %arg9[%get3A_173, %get3A_174] {strides = array<i32>} : memref<128x64xf32, #tpu.memory_space<vmem>>, vector<16xf32>,
      %sub3A_176 = arith.subf %get3A_172, %get3A_175 : vector<16xf32>
      %mul3A_177 = arith.mulf %sub3A_176, %sub3A_176 : vector<16xf32>
      %add3A_178 = arith.addf %add3A_169, %mul3A_177 : vector<16xf32>
      %get3A_179 = arith.index_cast %add3A_160 : i32 to index
      %get3A_180 = arith.constant 32 : index
      %get3A_181 = tpu.vector_load %arg7[%get3A_179, %get3A_180] {strides = array<i32>} : memref<128x64xf32, #tpu.memory_space<vmem>>, vector<16xf32>,
      %get3A_182 = arith.index_cast %add3A_160 : i32 to index
      %get3A_183 = arith.constant 32 : index
      %get3A_184 = tpu.vector_load %arg9[%get3A_182, %get3A_183] {strides = array<i32>} : memref<128x64xf32, #tpu.memory_space<vmem>>, vector<16xf32>,
      %sub3A_185 = arith.subf %get3A_181, %get3A_184 : vector<16xf32>
      %mul3A_186 = arith.mulf %sub3A_185, %sub3A_185 : vector<16xf32>
      %add3A_187 = arith.addf %add3A_178, %mul3A_186 : vector<16xf32>
      %get3A_188 = arith.index_cast %add3A_160 : i32 to index
      %get3A_189 = arith.constant 48 : index
      %get3A_190 = tpu.vector_load %arg7[%get3A_188, %get3A_189] {strides = array<i32>} : memref<128x64xf32, #tpu.memory_space<vmem>>, vector<16xf32>,
      %get3A_191 = arith.index_cast %add3A_160 : i32 to index
      %get3A_192 = arith.constant 48 : index
      %get3A_193 = tpu.vector_load %arg9[%get3A_191, %get3A_192] {strides = array<i32>} : memref<128x64xf32, #tpu.memory_space<vmem>>, vector<16xf32>,
      %sub3A_194 = arith.subf %get3A_190, %get3A_193 : vector<16xf32>
      %mul3A_195 = arith.mulf %sub3A_194, %sub3A_194 : vector<16xf32>
      %add3A_196 = arith.addf %add3A_187, %mul3A_195 : vector<16xf32>
      scf.yield %add3A_196 : vector<16xf32>
    }
    %scan3A_95 = arith.constant 64 : i32
    %scan3A_96 = arith.constant 0 : i32
    %scan3A_97 = arith.constant 128 : i32
    %scan3A_98 = arith.addi %scan3A_96, %scan3A_97 : i32
    %scan3A_99 = arith.constant 1 : i32
    scf.for %scan3A_117 = %scan3A_96 to %scan3A_98 step %scan3A_99  : i32 {
      %mul3A_118 = arith.constant 1 : i32
      %mul3A_119 = arith.muli %scan3A_117, %mul3A_118 : i32
      %add3A_120 = arith.constant 0 : i32
      %add3A_121 = arith.addi %add3A_120, %mul3A_119 : i32
      %dma_wait3A_122 = arith.constant 0 : i32
      %dma_wait3A_123 = arith.constant 0 : i32
      %dma_wait3A_124 = arith.constant 0 : i32
      %dma_wait3A_125 = arith.constant 0 : i32
      %dma_wait3A_126 = tpu.memref_slice %arg10[%dma_wait3A_124, %dma_wait3A_125] : memref<128x64xf32, #tpu.memory_space<vmem>> -> memref<1x64xf32, #tpu.memory_space<vmem>>
      %dma_wait3A_127 = tpu.memref_squeeze %dma_wait3A_126 : memref<1x64xf32, #tpu.memory_space<vmem>> -> memref<64xf32, #tpu.memory_space<vmem>>
      %dma_wait3A_128 = arith.constant 0 : i32
      %dma_wait3A_129 = tpu.memref_slice %arg4[%dma_wait3A_122, %dma_wait3A_123, %dma_wait3A_128] : memref<12500x8x64xf32, #tpu.memory_space<hbm>> -> memref<1x1x64xf32, #tpu.memory_space<hbm>>
      %dma_wait3A_130 = tpu.memref_squeeze %dma_wait3A_129 : memref<1x1x64xf32, #tpu.memory_space<hbm>> -> memref<64xf32, #tpu.memory_space<hbm>>
      %dma_wait3A_131 = arith.constant 0 : i32
      %dma_wait3A_132 = tpu.memref_slice %arg10[%dma_wait3A_124, %dma_wait3A_131] : memref<128x64xf32, #tpu.memory_space<vmem>> -> memref<1x64xf32, #tpu.memory_space<vmem>>
      %dma_wait3A_133 = tpu.memref_squeeze %dma_wait3A_132 : memref<1x64xf32, #tpu.memory_space<vmem>> -> memref<64xf32, #tpu.memory_space<vmem>>
      %dma_wait3A_134 = arith.constant 0 : i32
      %dma_wait3A_135 = tpu.memref_slice %arg4[%dma_wait3A_122, %dma_wait3A_123, %dma_wait3A_134] : memref<12500x8x64xf32, #tpu.memory_space<hbm>> -> memref<1x1x64xf32, #tpu.memory_space<hbm>>
      %dma_wait3A_136 = tpu.memref_squeeze %dma_wait3A_135 : memref<1x1x64xf32, #tpu.memory_space<hbm>> -> memref<64xf32, #tpu.memory_space<hbm>>
      tpu.wait_dma2 semaphore(%arg13 : memref<!tpu.dma_semaphore, #tpu.memory_space<semaphore_mem>>) src(%dma_wait3A_136 : memref<64xf32, #tpu.memory_space<hbm>>) dst(%dma_wait3A_133 : memref<64xf32, #tpu.memory_space<vmem>>)
    }
    %scan3A_100 = arith.constant 128 : i32
    %add3A_101 = arith.constant 384 : i32
    %add3A_102 = arith.addi %mul3A_2, %add3A_101 : i32
    %dma_wait3A_103 = arith.constant 0 : i32
    %dma_wait3A_104 = tpu.memref_slice %arg2[%add3A_102, %dma_wait3A_103] : memref<16384x64xf32, #tpu.memory_space<hbm>> -> memref<128x64xf32, #tpu.memory_space<hbm>>
    %dma_wait3A_105 = arith.constant 0 : i32
    %dma_wait3A_106 = tpu.memref_slice %arg2[%add3A_102, %dma_wait3A_105] : memref<16384x64xf32, #tpu.memory_space<hbm>> -> memref<128x64xf32, #tpu.memory_space<hbm>>
    tpu.wait_dma2 semaphore(%arg15 : memref<!tpu.dma_semaphore, #tpu.memory_space<semaphore_mem>>) src(%dma_wait3A_106 : memref<128x64xf32, #tpu.memory_space<hbm>>) dst(%arg8 : memref<128x64xf32, #tpu.memory_space<vmem>>)
    %scan3A_107 = arith.constant 0 : i32
    %scan3A_108 = arith.constant 64 : i32
    %scan3A_109 = arith.addi %scan3A_107, %scan3A_108 : i32
    %scan3A_110 = arith.constant 1 : i32
    %scan3A_111 = scf.for %scan3A_117 = %scan3A_107 to %scan3A_109 step %scan3A_110 iter_args(%scan3A_118 = %scan3A_94) -> (vector<16xf32>)  : i32 {
      %mul3A_119 = arith.constant 2 : i32
      %mul3A_120 = arith.muli %scan3A_117, %mul3A_119 : i32
      %add3A_121 = arith.constant 0 : i32
      %add3A_122 = arith.addi %mul3A_120, %add3A_121 : i32
      %get3A = arith.index_cast %add3A_122 : i32 to index
      %get3A_123 = arith.constant 0 : index
      %get3A_124 = tpu.vector_load %arg8[%get3A, %get3A_123] {strides = array<i32>} : memref<128x64xf32, #tpu.memory_space<vmem>>, vector<16xf32>,
      %get3A_125 = arith.index_cast %add3A_122 : i32 to index
      %get3A_126 = arith.constant 0 : index
      %get3A_127 = tpu.vector_load %arg10[%get3A_125, %get3A_126] {strides = array<i32>} : memref<128x64xf32, #tpu.memory_space<vmem>>, vector<16xf32>,
      %sub3A = arith.subf %get3A_124, %get3A_127 : vector<16xf32>
      %mul3A_128 = arith.mulf %sub3A, %sub3A : vector<16xf32>
      %add3A_129 = arith.addf %scan3A_118, %mul3A_128 : vector<16xf32>
      %get3A_130 = arith.index_cast %add3A_122 : i32 to index
      %get3A_131 = arith.constant 16 : index
      %get3A_132 = tpu.vector_load %arg8[%get3A_130, %get3A_131] {strides = array<i32>} : memref<128x64xf32, #tpu.memory_space<vmem>>, vector<16xf32>,
      %get3A_133 = arith.index_cast %add3A_122 : i32 to index
      %get3A_134 = arith.constant 16 : index
      %get3A_135 = tpu.vector_load %arg10[%get3A_133, %get3A_134] {strides = array<i32>} : memref<128x64xf32, #tpu.memory_space<vmem>>, vector<16xf32>,
      %sub3A_136 = arith.subf %get3A_132, %get3A_135 : vector<16xf32>
      %mul3A_137 = arith.mulf %sub3A_136, %sub3A_136 : vector<16xf32>
      %add3A_138 = arith.addf %add3A_129, %mul3A_137 : vector<16xf32>
      %get3A_139 = arith.index_cast %add3A_122 : i32 to index
      %get3A_140 = arith.constant 32 : index
      %get3A_141 = tpu.vector_load %arg8[%get3A_139, %get3A_140] {strides = array<i32>} : memref<128x64xf32, #tpu.memory_space<vmem>>, vector<16xf32>,
      %get3A_142 = arith.index_cast %add3A_122 : i32 to index
      %get3A_143 = arith.constant 32 : index
      %get3A_144 = tpu.vector_load %arg10[%get3A_142, %get3A_143] {strides = array<i32>} : memref<128x64xf32, #tpu.memory_space<vmem>>, vector<16xf32>,
      %sub3A_145 = arith.subf %get3A_141, %get3A_144 : vector<16xf32>
      %mul3A_146 = arith.mulf %sub3A_145, %sub3A_145 : vector<16xf32>
      %add3A_147 = arith.addf %add3A_138, %mul3A_146 : vector<16xf32>
      %get3A_148 = arith.index_cast %add3A_122 : i32 to index
      %get3A_149 = arith.constant 48 : index
      %get3A_150 = tpu.vector_load %arg8[%get3A_148, %get3A_149] {strides = array<i32>} : memref<128x64xf32, #tpu.memory_space<vmem>>, vector<16xf32>,
      %get3A_151 = arith.index_cast %add3A_122 : i32 to index
      %get3A_152 = arith.constant 48 : index
      %get3A_153 = tpu.vector_load %arg10[%get3A_151, %get3A_152] {strides = array<i32>} : memref<128x64xf32, #tpu.memory_space<vmem>>, vector<16xf32>,
      %sub3A_154 = arith.subf %get3A_150, %get3A_153 : vector<16xf32>
      %mul3A_155 = arith.mulf %sub3A_154, %sub3A_154 : vector<16xf32>
      %add3A_156 = arith.addf %add3A_147, %mul3A_155 : vector<16xf32>
      %mul3A_157 = arith.constant 2 : i32
      %mul3A_158 = arith.muli %scan3A_117, %mul3A_157 : i32
      %add3A_159 = arith.constant 1 : i32
      %add3A_160 = arith.addi %mul3A_158, %add3A_159 : i32
      %get3A_161 = arith.index_cast %add3A_160 : i32 to index
      %get3A_162 = arith.constant 0 : index
      %get3A_163 = tpu.vector_load %arg8[%get3A_161, %get3A_162] {strides = array<i32>} : memref<128x64xf32, #tpu.memory_space<vmem>>, vector<16xf32>,
      %get3A_164 = arith.index_cast %add3A_160 : i32 to index
      %get3A_165 = arith.constant 0 : index
      %get3A_166 = tpu.vector_load %arg10[%get3A_164, %get3A_165] {strides = array<i32>} : memref<128x64xf32, #tpu.memory_space<vmem>>, vector<16xf32>,
      %sub3A_167 = arith.subf %get3A_163, %get3A_166 : vector<16xf32>
      %mul3A_168 = arith.mulf %sub3A_167, %sub3A_167 : vector<16xf32>
      %add3A_169 = arith.addf %add3A_156, %mul3A_168 : vector<16xf32>
      %get3A_170 = arith.index_cast %add3A_160 : i32 to index
      %get3A_171 = arith.constant 16 : index
      %get3A_172 = tpu.vector_load %arg8[%get3A_170, %get3A_171] {strides = array<i32>} : memref<128x64xf32, #tpu.memory_space<vmem>>, vector<16xf32>,
      %get3A_173 = arith.index_cast %add3A_160 : i32 to index
      %get3A_174 = arith.constant 16 : index
      %get3A_175 = tpu.vector_load %arg10[%get3A_173, %get3A_174] {strides = array<i32>} : memref<128x64xf32, #tpu.memory_space<vmem>>, vector<16xf32>,
      %sub3A_176 = arith.subf %get3A_172, %get3A_175 : vector<16xf32>
      %mul3A_177 = arith.mulf %sub3A_176, %sub3A_176 : vector<16xf32>
      %add3A_178 = arith.addf %add3A_169, %mul3A_177 : vector<16xf32>
      %get3A_179 = arith.index_cast %add3A_160 : i32 to index
      %get3A_180 = arith.constant 32 : index
      %get3A_181 = tpu.vector_load %arg8[%get3A_179, %get3A_180] {strides = array<i32>} : memref<128x64xf32, #tpu.memory_space<vmem>>, vector<16xf32>,
      %get3A_182 = arith.index_cast %add3A_160 : i32 to index
      %get3A_183 = arith.constant 32 : index
      %get3A_184 = tpu.vector_load %arg10[%get3A_182, %get3A_183] {strides = array<i32>} : memref<128x64xf32, #tpu.memory_space<vmem>>, vector<16xf32>,
      %sub3A_185 = arith.subf %get3A_181, %get3A_184 : vector<16xf32>
      %mul3A_186 = arith.mulf %sub3A_185, %sub3A_185 : vector<16xf32>
      %add3A_187 = arith.addf %add3A_178, %mul3A_186 : vector<16xf32>
      %get3A_188 = arith.index_cast %add3A_160 : i32 to index
      %get3A_189 = arith.constant 48 : index
      %get3A_190 = tpu.vector_load %arg8[%get3A_188, %get3A_189] {strides = array<i32>} : memref<128x64xf32, #tpu.memory_space<vmem>>, vector<16xf32>,
      %get3A_191 = arith.index_cast %add3A_160 : i32 to index
      %get3A_192 = arith.constant 48 : index
      %get3A_193 = tpu.vector_load %arg10[%get3A_191, %get3A_192] {strides = array<i32>} : memref<128x64xf32, #tpu.memory_space<vmem>>, vector<16xf32>,
      %sub3A_194 = arith.subf %get3A_190, %get3A_193 : vector<16xf32>
      %mul3A_195 = arith.mulf %sub3A_194, %sub3A_194 : vector<16xf32>
      %add3A_196 = arith.addf %add3A_187, %mul3A_195 : vector<16xf32>
      scf.yield %add3A_196 : vector<16xf32>
    }
    %scan3A_112 = arith.constant 64 : i32
    %mul3A_113 = arith.constant 3.05175781E-5 : f32
    %mul3A_114 = vector.broadcast %mul3A_113 : f32 to vector<16xf32>
    %mul3A_115 = arith.mulf %scan3A_111, %mul3A_114 : vector<16xf32>
    %swap3A = arith.constant 0 : index
    %swap3A_116 = tpu.vector_load %arg11[%swap3A] {strides = array<i32>} : memref<16xf32, #tpu.memory_space<vmem>>, vector<16xf32>,
    tpu.vector_store %arg11[%swap3A], %mul3A_115 {strides = array<i32>} : memref<16xf32, #tpu.memory_space<vmem>>, vector<16xf32>,
    "tpu.region"() ({
      %run_scoped3A = tpu.sem_alloc : memref<!tpu.dma_semaphore, #tpu.memory_space<semaphore_mem>>
      %dma_start3A_117 = arith.constant 0 : i32
      %dma_start3A_118 = tpu.memref_slice %arg5[%add3A, %dma_start3A_117] : memref<32x16xf32, #tpu.memory_space<hbm>> -> memref<1x16xf32, #tpu.memory_space<hbm>>
      %dma_start3A_119 = tpu.memref_squeeze %dma_start3A_118 : memref<1x16xf32, #tpu.memory_space<hbm>> -> memref<16xf32, #tpu.memory_space<hbm>>
      %dma_start3A_120 = arith.constant 0 : i32
      %dma_start3A_121 = tpu.memref_slice %arg5[%add3A, %dma_start3A_120] : memref<32x16xf32, #tpu.memory_space<hbm>> -> memref<1x16xf32, #tpu.memory_space<hbm>>
      %dma_start3A_122 = tpu.memref_squeeze %dma_start3A_121 : memref<1x16xf32, #tpu.memory_space<hbm>> -> memref<16xf32, #tpu.memory_space<hbm>>
      tpu.enqueue_dma source(%arg11 : memref<16xf32, #tpu.memory_space<vmem>>) target(%dma_start3A_122 : memref<16xf32, #tpu.memory_space<hbm>>) target_semaphore(%run_scoped3A : memref<!tpu.dma_semaphore, #tpu.memory_space<semaphore_mem>>)
      %dma_wait3A_123 = arith.constant 0 : i32
      %dma_wait3A_124 = tpu.memref_slice %arg5[%add3A, %dma_wait3A_123] : memref<32x16xf32, #tpu.memory_space<hbm>> -> memref<1x16xf32, #tpu.memory_space<hbm>>
      %dma_wait3A_125 = tpu.memref_squeeze %dma_wait3A_124 : memref<1x16xf32, #tpu.memory_space<hbm>> -> memref<16xf32, #tpu.memory_space<hbm>>
      %dma_wait3A_126 = arith.constant 0 : i32
      %dma_wait3A_127 = tpu.memref_slice %arg5[%add3A, %dma_wait3A_126] : memref<32x16xf32, #tpu.memory_space<hbm>> -> memref<1x16xf32, #tpu.memory_space<hbm>>
      %dma_wait3A_128 = tpu.memref_squeeze %dma_wait3A_127 : memref<1x16xf32, #tpu.memory_space<hbm>> -> memref<16xf32, #tpu.memory_space<hbm>>
      tpu.wait_dma2 semaphore(%run_scoped3A : memref<!tpu.dma_semaphore, #tpu.memory_space<semaphore_mem>>) src(%arg11 : memref<16xf32, #tpu.memory_space<vmem>>) dst(%dma_wait3A_128 : memref<16xf32, #tpu.memory_space<hbm>>)
      tpu.yield
    }) : () -> ()
    return
  }
}

</mosaic_0001>

<sc_bundles>
// kernel: kernel.3.cloned.1.call-start
scs
__scs_entry_jumppad:
0x0: {  	(pc) =	sbr.rel $0x88, $3  }
0x1: {  	(tag) =	ssettag $0x0;
	lr =	simm.s32 $0x1  }
0x2: {  	[smem:$0x3F9E] =	sst lr;
	_ =	strace $0xD0000000  }
0x3: {  	_ = 	snop  }
0x4: {  	_ = 	snop  }
0x5: {  	_ = 	snop  }
0x6: {  	_ = 	snop  }
0x7: {  	_ = 	snop  }
__scs_overlays_trampoline_lowered:
0x8: {  	[smem:$0x3FAD] =	sst s0  }
0x9: {  	[smem:$0x3FAE] =	sst s1  }
0xa: {  	[smem:$0x3FAF] =	sst s2  }
0xb: {  	[smem:$0x3FB0] =	sst s3  }
0xc: {  	[smem:$0x3FB1] =	sst s4  }
0xd: {  	[smem:$0x3FB2] =	sst s5  }
0xe: {  	[smem:$0x3FB3] =	sst s6  }
0xf: {  	[smem:$0x3FB4] =	sst s7  }
0x10: {  	[smem:$0x3FB5] =	sst s8  }
0x11: {  	[smem:$0x3FB6] =	sst s9;
	s0 =	simm.s32 @!p0 $0x0  }
0x12: {  	s1 =	sld [smem:$0x3F9C];
	s0 =	simm.s32 @p0 $0x1  }
0x13: {  	[smem:$0x3FB7] =	sst s0;
	s0 =	simm.s32 @!p1 $0x0  }
0x14: {  	s2 =	sld [smem:$0x3F9B];
	s0 =	simm.s32 @p1 $0x1  }
0x15: {  	[smem:$0x3FB8] =	sst s0;
	s0 =	simm.s32 @!p2 $0x0  }
0x16: {  	s3 =	sld [smem:$0x3FDB];
	s0 =	simm.s32 @p2 $0x1  }
0x17: {  	s4 =	simm.s32 $0x1BF5;
	[smem:$0x3FBA] =	sst s0  }
0x18: {  	s0 =	sld [smem:$0x3F9D];
	_ =	swait.ge [sflag:s4], $0x0  }
0x19: {  	s7 =	sld [smem:$0x3F9E]  }
0x1a: {  	s8 =	sadd.s32 $0xFFFFE003, lr  }
0x1b: {  	s9 =	sadd.s32 $0xFFFFFEF7, lr;
	s5 =	simm.s32 $0xFFFFFFFF;
	p2 =	slt.u32 s8, $0xFFFFF086  }
0x1c: {  	p1 =	slt.u32 s9, $0xF7A;
	s5 =	simm.s32 @!p2 $0x0  }
0x1d: {  	s5 =	simm.s32 @p1 $0x1;
	p0 =	seq.s32 s7, s2  }
0x1e: {  	s7 =	smul.u32 @!p0 $0xF7A, s2;
	p2 =	seq.s32 @!p0 s5, $0x0  }
0x1f: {  	s9 =	smul.u32 $0xF7A, s1;
	s8 =	simm.s32 @!p0 $0x1BF5;
	p2 =	por !p2, p0  }
0x20: {  	[sflag:s8] =	ssyncset.s32 @!p0 $0xFFFFF086;
	s6 =	sadd.s32 @!p0 s3, s7;
	s7 =	simm.s32 @!p0 $0x108  }
0x21: {  	s3 =	sadd.s32 s3, s9;
	s6 =	sadd.s32 @!p0 $0x88, s6;
	s7 =	simm.s32 @p2 $0x1082  }
0x22: {  	[simem:s7], [sflag:s8] =	dma.local @!p0 [hbm:s6], $0xF7A  }
0x23: {  	s9 =	sor.u32 $0xD0000000, s2;
	s6 =	simm.s32 $0x108;
	_ =	swait.ge @!p0 [sflag:s8], $0x0  }
0x24: {  	s3 =	sadd.s32 $0x88, s3;
	s6 =	simm.s32 @!p1 $0x1082;
	[sflag:s4] =	ssyncset.s32 $0xFFFFF086  }
0x25: {  	[simem:s6], [sflag:s4] =	dma.local [hbm:s3], $0xF7A  }
0x26: {  	[smem:$0x3F9E] =	sst s1;
	(tag) =	ssettag s2;
	_ =	strace s9  }
0x27: {  	s1 =	sld [smem:$0x3FAE]  }
0x28: {  	s2 =	sld [smem:$0x3FAF]  }
0x29: {  	s4 =	sld [smem:$0x3FB1]  }
0x2a: {  	p0 =	seq.s32 s5, $0x0;
	s5 =	sld [smem:$0x3FB2]  }
0x2b: {  	s6 =	sld [smem:$0x3FB3]  }
0x2c: {  	s7 =	sld [smem:$0x3FB4]  }
0x2d: {  	s3 =	simm.s32 $0x108;
	s8 =	sld [smem:$0x3FB5]  }
0x2e: {  	s3 =	simm.s32 @!p0 $0x1082;
	s9 =	sld [smem:$0x3FB6]  }
0x2f: {  	lr =	sadd.s32 s0, s3;
	s0 =	sld [smem:$0x3FAD]  }
0x30: {  	s3 =	sld [smem:$0x3FB0]  }
0x31: {  	[smem:$0x3FB9] =	sst s10  }
0x32: {  	s10 =	sld [smem:$0x3FB7];
	_ =	sdelay $0x3  }
0x33: {  	p0 =	seq.s32 s10, $0x1;
	s10 =	sld [smem:$0x3FB9];
	_ =	sdelay $0x3  }
0x34: {  	[smem:$0x3FB9] =	sst s10  }
0x35: {  	s10 =	sld [smem:$0x3FB8];
	_ =	sdelay $0x3  }
0x36: {  	p1 =	seq.s32 s10, $0x1;
	s10 =	sld [smem:$0x3FB9];
	_ =	sdelay $0x3  }
0x37: {  	[smem:$0x3FB9] =	sst s10  }
0x38: {  	s10 =	sld [smem:$0x3FBA]  }
0x39: {  	_ = 	snop;
	(pc) =	sbr.ind lr, $3  }
0x3a: {  	_ = 	snop  }
0x3b: {  	_ = 	snop  }
0x3c: {  	p2 =	seq.s32 s10, $0x1;
	s10 =	sld [smem:$0x3FB9]  }
0x3d: {  	_ =	shalt  }
0x3e: {  	_ =	shalt  }
0x3f: {  	_ =	shalt  }
0x40: {  	_ =	shalt  }
0x41: {  	_ =	shalt  }
0x42: {  	_ =	shalt  }
0x43: {  	_ =	shalt  }
0x44: {  	_ =	shalt  }
0x45: {  	_ =	shalt  }
0x46: {  	_ =	shalt  }
0x47: {  	_ =	shalt  }
0x48: {  	_ =	shalt  }
0x49: {  	_ =	shalt  }
0x4a: {  	_ =	shalt  }
0x4b: {  	_ =	shalt  }
0x4c: {  	_ =	shalt  }
0x4d: {  	_ =	shalt  }
0x4e: {  	_ =	shalt  }
0x4f: {  	_ =	shalt  }
0x50: {  	_ =	shalt  }
0x51: {  	_ =	shalt  }
0x52: {  	_ =	shalt  }
0x53: {  	_ =	shalt  }
0x54: {  	_ =	shalt  }
0x55: {  	_ =	shalt  }
0x56: {  	_ =	shalt  }
0x57: {  	_ =	shalt  }
0x58: {  	_ =	shalt  }
0x59: {  	_ =	shalt  }
0x5a: {  	_ =	shalt  }
0x5b: {  	_ =	shalt  }
0x5c: {  	_ =	shalt  }
0x5d: {  	_ =	shalt  }
0x5e: {  	_ =	shalt  }
0x5f: {  	_ =	shalt  }
0x60: {  	_ =	shalt  }
0x61: {  	_ =	shalt  }
0x62: {  	_ =	shalt  }
0x63: {  	_ =	shalt  }
0x64: {  	_ =	shalt  }
0x65: {  	_ =	shalt  }
0x66: {  	_ =	shalt  }
0x67: {  	_ =	shalt  }
0x68: {  	_ =	shalt  }
0x69: {  	_ =	shalt  }
0x6a: {  	_ =	shalt  }
0x6b: {  	_ =	shalt  }
0x6c: {  	_ =	shalt  }
0x6d: {  	_ =	shalt  }
0x6e: {  	_ =	shalt  }
0x6f: {  	_ =	shalt  }
0x70: {  	_ =	shalt  }
0x71: {  	_ =	shalt  }
0x72: {  	_ =	shalt  }
0x73: {  	_ =	shalt  }
0x74: {  	_ =	shalt  }
0x75: {  	_ =	shalt  }
0x76: {  	_ =	shalt  }
0x77: {  	_ =	shalt  }
0x78: {  	_ =	shalt  }
0x79: {  	_ =	shalt  }
0x7a: {  	_ =	shalt  }
0x7b: {  	_ =	shalt  }
0x7c: {  	_ =	shalt  }
0x7d: {  	_ =	shalt  }
0x7e: {  	_ =	shalt  }
0x7f: {  	_ =	shalt  }
0x80: {  	_ =	shalt  }
0x81: {  	_ =	shalt  }
0x82: {  	_ =	shalt  }
0x83: {  	_ =	shalt  }
0x84: {  	_ =	shalt  }
0x85: {  	_ =	shalt  }
0x86: {  	_ =	shalt  }
0x87: {  	_ =	shalt  }
.Lfunc_end0:
.L_simem_size_0:
called_computation_lowered:
.L_overlay_start_0:
0x88: {  	s2 =	sld [smem:$0x3FD9]  }
0x89: {  	s3 =	sld [smem:$0x3FFE];
	_ =	sdelay $0x1  }
0x8a: {  	s1 =	srdreg.scid  }
0x8b: {  	s0 =	sand.u32 $0x1, s1  }
0x8c: {  	s17 =	sshll.u32 s0, $0xA;
	s2 =	sadd.s32 s3, s2  }
0x8d: {  	s2 =	sadd.s32 s2, s17  }
0x8e: {  	[smem:$0x3FC5] =	sst s2  }
0x8f: {  	_ = 	snop  }
0x90: {  	s2 =	sld [smem:$0x3FC8];
	(tm) =	ssettm $0x1  }
0x91: {  	s18 =	sld [smem:$0x3FFB];
	_ =	sdelay $0x3  }
0x92: {  	_ =	strace s18  }
0x93: {  	s3 =	sld [smem:$0x3FFC];
	_ =	sdelay $0x3  }
0x94: {  	_ =	strace s3  }
0x95: {  	s3 =	sld [smem:$0x3FFD];
	_ =	sdelay $0x3  }
0x96: {  	_ =	strace s3  }
0x97: {  	_ =	strace $0x8FFFFFFF  }
0x98: {  	s19 =	sld [smem:$0x3FDB];
	_ =	sdelay $0x1  }
0x99: {  	s4 =	simm.s32 $_scs_section_size  }
0x9a: {  	s5 =	simm.s32 $_size__tile_overlayer_lowered;
	s6 =	simm.s32 $_tile_overlayer_lowered  }
0x9b: {  	s22 =	simm.s32 $0x1BFF;
	s21 =	sshll.u32 s6, $0x1;
	s3 =	sadd.s32 s4, s19  }
0x9c: {  	s7 =	simm.s32 $0x0;
	s20 =	sshll.u32 s5, $0x1;
	s5 =	sadd.s32 s21, s3  }
0x9d: {  	[timem:s7], [sflag:s22] =	dma.local [hbm:s5], s20  }
0x9e: {  	_ =	swait.ge [sflag:s22], s20  }
0x9f: {  	s4 =	ssub.s32 $0x0, s20;
	[sflag:s22] =	ssyncset.done $0x0  }
0xa0: {  	[sflag:s22] =	ssyncadd.s32 s4;
	_ =	sdelay $0x1  }
0xa1: {  	s23 =	simm.s32 $0x1B8B  }
0xa2: {  	_ =	swait.ge [sflag:s23], $0x1  }
0xa3: {  	[sflag:s23] =	ssyncset.done $0x0  }
0xa4: {  	s25 =	simm.s32 $0x1B8E;
	s24 =	sld [smem:$0x3FFE];
	[sflag:s23] =	ssyncadd.s32 $0xFFFFFFFF  }
0xa5: {  	s26 =	simm.s32 $execute0_lowered;
	[smem:$0x3FD2] =	sst s25  }
0xa6: {  	s5 =	sshll.u32 s26, $0x1;
	_ =	strace $0x80000046;
	[dreg:$0x1] =	wrdreg $0xFFFFFFFF  }
0xa7: {  	s28 =	simm.s32 $_size_execute0_lowered;
	s3 =	sadd.s32 s3, s5;
	[dreg:$0x0] =	wrdreg $0x0  }
0xa8: {  	s5 =	sshll.u32 s28, $0x1;
	[dreg:$0x2] =	wrdreg s3  }
0xa9: {  	[dreg:$0x3] =	wrdreg s5  }
0xaa: {  	[dreg:$0x4] =	wrdreg $0xC0  }
0xab: {  	_ =	task [dreg:s7], $0x5FFFF  }
0xac: {  	[dreg:$0x1] =	wrdreg $0xFFFFFFFF  }
0xad: {  	[dreg:$0x0] =	wrdreg $0x60  }
0xae: {  	[dreg:$0x2] =	wrdreg s24  }
0xaf: {  	[dreg:$0x3] =	wrdreg s2  }
0xb0: {  	[dreg:$0x4] =	wrdreg $0x9  }
0xb1: {  	_ =	task.clear_ibuf [dreg:s7], $0x5FFFF;
	_ =	strace $0x90000046  }
0xb2: {  	s29 =	simm.s32 $0x9;
	_ =	strace $0x80000048  }
0xb3: {  	_ =	swait.ge [sflag:s29], $0x1  }
0xb4: {  	[sflag:s29] =	ssyncadd.s32 $0xFFFFFFFF  }
0xb5: {  	_ =	strace $0x90000048  }
0xb6: {  	_ =	sfence  }
0xb7: {  	s30 =	sld [smem:$0x0];
	_ =	sdelay $0x2  }
0xb8: {  	s31 =	sshll.u32 s1, $0xD;
	s1 =	sshrl.u32 s1, $0x2  }
0xb9: {  	s3 =	sand.u32 $0x4000, s31;
	s1 =	sadd.s32 s1, s30  }
0xba: {  	s0 =	sor.u32 s3, s0;
	s1 =	sshll.u32 s1, $0x11  }
0xbb: {  	s0 =	sor.u32 s1, s0  }
0xbc: {  	s0 =	sadd.s32 $0x8F2B, s0  }
0xbd: {  	[sflag:s0] =	ssyncadd.remote.s32 $0x1  }
0xbe: {  	_ =	sfence.sel $0xFFFF  }
0xbf: {  	[dreg:$0x0] =	wrdreg $0xFFFFFFFF;
	(pc) =	sbr.abs _section_cstart, $3  }
0xc0: {  	[dreg:$0x1] =	wrdreg $0xFFFFFFFF  }
0xc1: {  	_ =	task.clear_ibuf [dreg:s7], $0x2FFFF;
	_ =	strace $0x9FFFFFFF  }
0xc2: {  	(tm) =	ssettm $0x7FFFFFFF  }
0xc3: {  	_ =	shalt  }
tec
execute0_lowered:
.L_overlay_start_1:
0x0: {  	(tag) =	ssettag $0x1  }
0x1: {  	s0 =	rddreg [dreg:$0x0]  }
0x2: {  	s5 =	rddreg [dreg:$0x1]  }
0x3: {  	s2 =	simm.s32 $0x0;
	s3 =	srdreg.scid;
	s1 =	stileid.u32  }
0x4: {  	s11 =	simm.s32 $0x5;
	s14 =	simm.s32 $0x1;
	s15 =	simm.s32 $0x3  }
0x5: {  	s16 =	simm.s32 $0x2;
	s4 =	sand.u32 $0x1, s3;
	s25 =	sshll.u32 s1, $0x1  }
0x6: {  	s17 =	simm.s32 $0x4;
	s19 =	simm.s32 $0x0;
	s6 =	sor.u32 s4, s25  }
0x7: {  	[smem:$0x7FF] =	sst s2;
	s4 =	ssub.s32 $0x2, s4;
	s7 =	sshll.u32 s6, $0x4  }
0x8: {  	s26 =	sshrl.u32 s4, $0x1;
	s8 =	sshll.u32 s6, $0xD;
	s6 =	sshll.u32 s6, $0x6  }
0x9: {  	s10 =	ssub.s32 s4, s26;
	s4 =	sadd.s32 s0, s8;
	s28 =	sadd.s32 s5, s6  }
0xa: {  	_ =	strace $0x80000047;
	[dreg:$0x3] =	wrdreg s28;
	s29 =	sadd.s32 $0x800, s4  }
0xb: {  	s3 =	sadd.s32 $0x40000, s0;
	s30 =	sadd.s32 $0x1000, s4;
	[dreg:$0x4] =	wrdreg s29  }
0xc: {  	s9 =	sadd.s32 s7, s0;
	s31 =	sadd.s32 $0x1800, s4;
	[dreg:$0x5] =	wrdreg s30  }
0xd: {  	s9 =	sadd.s32 $0x1C6A00, s9;
	s10 =	smax.u32 s10, $0x1;
	[dreg:$0x6] =	wrdreg s31  }
.LBB2_1:
0xe: {  	s0 =	rddreg [dreg:$0x3]  }
0xf: {  	[tilespmem:s2], [sflag:$0x5] =	stream.linear.gather [hbm4b:s0+s2], $0x200, $0x38;
	[tilespmem:$0x10280] =	vst v63  }
0x10: {  	_ =	swait.ge [sflag:s11], $0x200  }
0x11: {  	[sflag:s11] =	ssyncset.done $0x0  }
0x12: {  	[sflag:s11] =	ssyncadd.s32 $0xFFFFFE00  }
0x13: {  	v0 =	vld [tilespmem:s2+$0x0];
	_ =	sdelay $0x4  }
0x14: {  	v0 =	vshll.u32 v0, $0x4  }
0x15: {  	(v2sf) =	vpush v0, $0x0  }
0x16: {  	(v2sf) =	vpush v0, $0x1  }
0x17: {  	(v2sf) =	vpush v0, $0x2;
	_ =	sdelay $0x1  }
0x18: {  	(v2sf) =	vpush v0, $0x4;
	_ =	sdelay $0x1  }
0x19: {  	(v2sf) =	vpush v0, $0x3  }
0x1a: {  	(v2sf) =	vpush v0, $0x5  }
0x1b: {  	s21 =	simm.s32 $0x2000;
	s20 =	simm.s32 $0x0;
	s22 =	simm.s32 $0x0;
	(v2sf) =	vpush v0, $0x6  }
.LBB2_2:
0x1c: {  	p0 =	sne.s32 s21, $0xE000  }
0x1d: {  	s1 =	sadd.s32 $0x8280, s20;
	s26 =	sadd.s32 $0x8780, s20;
	s23 =	smov.u32 s21  }
0x1e: {  	s21 =	sadd.s32 $0x2000, s21;
	s30 =	sadd.s32 $0x8580, s20;
	s24 =	sadd.s32 $0x8800, s20;
	(v2sf) =	vpush v0, $0x7  }
0x1f: {  	s0 =	sadd.s32 $0x8480, s20;
	s29 =	sadd.s32 $0x8600, s20;
	s25 =	sadd.s32 $0x8880, s20  }
0x20: {  	s18 =	sadd.s32 $0x8200, s20;
	s12 =	sadd.s32 $0x8400, s20;
	(v2sf) =	vpush v0, $0x8  }
0x21: {  	s13 =	sadd.s32 $0x8500, s20;
	s22 =	sadd.s32 $0x10, s22  }
0x22: {  	s5 =	sadd.s32 $0x8300, s20;
	s28 =	sadd.s32 $0x8700, s20;
	s31 =	spop (v2sf);
	(v2sf) =	vpush v0, $0x9  }
0x23: {  	s6 =	sand.u32 $0x1FFFFFF0, s31;
	s31 =	sadd.s32 $0x8680, s20;
	s7 =	spop (v2sf)  }
0x24: {  	s6 =	sadd.s32 s3, s6;
	s7 =	sand.u32 $0x1FFFFFF0, s7;
	s8 =	spop (v2sf);
	(v2sf) =	vpush v0, $0xA  }
0x25: {  	[tilespmem:s18], [sflag:$0x1] =	stream.linear.gather [hbm4b:s6+s2], $0x80, $0x38;
	[tilespmem:$0x10280] =	vst v63  }
0x26: {  	s6 =	sadd.s32 s3, s7;
	s7 =	sadd.s32 $0x8380, s20;
	s18 =	spop (v2sf);
	(v2sf) =	vpush v0, $0xB  }
0x27: {  	[tilespmem:s1], [sflag:$0x1] =	stream.linear.gather [hbm4b:s6+s2], $0x80, $0x38;
	[tilespmem:$0x10280] =	vst v63  }
0x28: {  	s1 =	sand.u32 $0x1FFFFFF0, s8;
	s6 =	sand.u32 $0x1FFFFFF0, s18;
	s8 =	spop (v2sf);
	(v2sf) =	vpush v0, $0xC  }
0x29: {  	s1 =	sadd.s32 s3, s1;
	s8 =	sand.u32 $0x1FFFFFF0, s8;
	s18 =	spop (v2sf)  }
0x2a: {  	[tilespmem:s5], [sflag:$0x1] =	stream.linear.gather [hbm4b:s1+s2], $0x80, $0x38;
	(v2sf) =	vpush v0, $0xD;
	[tilespmem:$0x10280] =	vst v63  }
0x2b: {  	s1 =	sadd.s32 s3, s8;
	s5 =	sand.u32 $0x1FFFFFF0, s18;
	s8 =	spop (v2sf)  }
0x2c: {  	[tilespmem:s7], [sflag:$0x1] =	stream.linear.gather [hbm4b:s1+s2], $0x80, $0x38;
	(v2sf) =	vpush v0, $0xE;
	[tilespmem:$0x10280] =	vst v63  }
0x2d: {  	s1 =	sadd.s32 s3, s6;
	s6 =	sand.u32 $0x1FFFFFF0, s8;
	s7 =	spop (v2sf)  }
0x2e: {  	[tilespmem:s12], [sflag:$0x1] =	stream.linear.gather [hbm4b:s1+s2], $0x80, $0x38;
	(v2sf) =	vpush v0, $0xF;
	[tilespmem:$0x10280] =	vst v63  }
0x2f: {  	s1 =	sadd.s32 s3, s5;
	s5 =	sand.u32 $0x1FFFFFF0, s7;
	s7 =	spop (v2sf)  }
0x30: {  	[tilespmem:s0], [sflag:$0x1] =	stream.linear.gather [hbm4b:s1+s2], $0x80, $0x38;
	[tilespmem:$0x10280] =	vst v63  }
0x31: {  	s0 =	sadd.s32 s3, s6;
	s1 =	sand.u32 $0x1FFFFFF0, s7;
	s6 =	spop (v2sf)  }
0x32: {  	[tilespmem:s13], [sflag:$0x1] =	stream.linear.gather [hbm4b:s0+s2], $0x80, $0x38;
	[tilespmem:$0x10280] =	vst v63  }
0x33: {  	s0 =	sadd.s32 s3, s5;
	s5 =	sand.u32 $0x1FFFFFF0, s6;
	s6 =	spop (v2sf)  }
0x34: {  	[tilespmem:s30], [sflag:$0x1] =	stream.linear.gather [hbm4b:s0+s2], $0x80, $0x38;
	[tilespmem:$0x10280] =	vst v63  }
0x35: {  	s0 =	sadd.s32 s3, s1;
	s1 =	sand.u32 $0x1FFFFFF0, s6;
	s6 =	spop (v2sf)  }
0x36: {  	[tilespmem:s29], [sflag:$0x1] =	stream.linear.gather [hbm4b:s0+s2], $0x80, $0x38;
	[tilespmem:$0x10280] =	vst v63  }
0x37: {  	s0 =	sadd.s32 s3, s5;
	s5 =	sand.u32 $0x1FFFFFF0, s6;
	s6 =	spop (v2sf)  }
0x38: {  	[tilespmem:s31], [sflag:$0x1] =	stream.linear.gather [hbm4b:s0+s2], $0x80, $0x38;
	[tilespmem:$0x10280] =	vst v63  }
0x39: {  	s0 =	sadd.s32 s3, s1;
	s1 =	sand.u32 $0x1FFFFFF0, s6;
	s6 =	spop (v2sf)  }
0x3a: {  	[tilespmem:s28], [sflag:$0x1] =	stream.linear.gather [hbm4b:s0+s2], $0x80, $0x38;
	[tilespmem:$0x10280] =	vst v63  }
0x3b: {  	s0 =	sadd.s32 s3, s5;
	s5 =	sand.u32 $0x1FFFFFF0, s6;
	s6 =	spop (v2sf)  }
0x3c: {  	[tilespmem:s26], [sflag:$0x1] =	stream.linear.gather [hbm4b:s0+s2], $0x80, $0x38;
	[tilespmem:$0x10280] =	vst v63  }
0x3d: {  	s0 =	sadd.s32 s3, s1;
	s1 =	sand.u32 $0x1FFFFFF0, s6;
	s6 =	spop (v2sf)  }
0x3e: {  	[tilespmem:s24], [sflag:$0x1] =	stream.linear.gather [hbm4b:s0+s2], $0x80, $0x38;
	[tilespmem:$0x10280] =	vst v63  }
0x3f: {  	s0 =	sadd.s32 s3, s5;
	s5 =	sand.u32 $0x1FFFFFF0, s6  }
0x40: {  	[tilespmem:s25], [sflag:$0x1] =	stream.linear.gather [hbm4b:s0+s2], $0x80, $0x38;
	[tilespmem:$0x10280] =	vst v63  }
0x41: {  	s1 =	sadd.s32 s3, s1;
	s0 =	sadd.s32 $0x8900, s20  }
0x42: {  	[tilespmem:s0], [sflag:$0x1] =	stream.linear.gather [hbm4b:s1+s2], $0x80, $0x38;
	[tilespmem:$0x10280] =	vst v63  }
0x43: {  	s0 =	sadd.s32 $0x8980, s20;
	s1 =	sadd.s32 s3, s5  }
0x44: {  	[tilespmem:s0], [sflag:$0x1] =	stream.linear.gather [hbm4b:s1+s2], $0x80, $0x38;
	[tilespmem:$0x10280] =	vst v63  }
0x45: {  	v0 =	vld [tilespmem:s22+$0x0];
	_ =	sdelay $0x4  }
0x46: {  	v0 =	vshll.u32 v0, $0x4  }
0x47: {  	(v2sf) =	vpush v0, $0x0  }
0x48: {  	(v2sf) =	vpush v0, $0x1  }
0x49: {  	(v2sf) =	vpush v0, $0x2;
	_ =	sdelay $0x1  }
0x4a: {  	(v2sf) =	vpush v0, $0x4  }
.Ltmp0:
0x4b: {  	(pc) =	sbr.rel @p0 .LBB2_2-.Ltmp0, $3  }
0x4c: {  	(v2sf) =	vpush v0, $0x3  }
0x4d: {  	(v2sf) =	vpush v0, $0x5;
	_ =	sdelay $0x1  }
0x4e: {  	s20 =	sshra.s32 s23, $0x2;
	(v2sf) =	vpush v0, $0x6  }
0x4f: {  	_ =	sdelay $0x1  }
0x50: {  	s0 =	sadd.s32 $0x8280, s20;
	s23 =	sadd.s32 $0x8780, s20  }
0x51: {  	s1 =	sadd.s32 $0x8580, s20;
	s21 =	sadd.s32 $0x8800, s20;
	(v2sf) =	vpush v0, $0x7;
	s5 =	sadd.s32 $0x8480, s20  }
0x52: {  	s6 =	sadd.s32 $0x8600, s20;
	s22 =	sadd.s32 $0x8880, s20;
	s7 =	sadd.s32 $0x8200, s20  }
0x53: {  	s8 =	sadd.s32 $0x8400, s20;
	s12 =	sadd.s32 $0x8500, s20;
	(v2sf) =	vpush v0, $0x8;
	s13 =	spop (v2sf)  }
0x54: {  	s18 =	sadd.s32 $0x8300, s20;
	s13 =	sand.u32 $0x1FFFFFF0, s13;
	s24 =	spop (v2sf)  }
0x55: {  	(v2sf) =	vpush v0, $0x9;
	s13 =	sadd.s32 s3, s13;
	s24 =	sand.u32 $0x1FFFFFF0, s24;
	s25 =	spop (v2sf)  }
0x56: {  	[tilespmem:s7], [sflag:$0x1] =	stream.linear.gather [hbm4b:s13+s2], $0x80, $0x38;
	[tilespmem:$0x10280] =	vst v63  }
0x57: {  	s26 =	sadd.s32 $0x8380, s20;
	(v2sf) =	vpush v0, $0xA;
	s30 =	sadd.s32 s3, s24;
	s31 =	spop (v2sf)  }
0x58: {  	[tilespmem:s0], [sflag:$0x1] =	stream.linear.gather [hbm4b:s30+s2], $0x80, $0x38;
	[tilespmem:$0x10280] =	vst v63  }
0x59: {  	s7 =	sadd.s32 $0x8700, s20;
	s28 =	sand.u32 $0x1FFFFFF0, s25;
	(v2sf) =	vpush v0, $0xB;
	s29 =	spop (v2sf)  }
0x5a: {  	s13 =	sadd.s32 s3, s28;
	s0 =	sadd.s32 $0x8680, s20;
	s25 =	sand.u32 $0x1FFFFFF0, s29  }
0x5b: {  	(v2sf) =	vpush v0, $0xC;
	[tilespmem:s18], [sflag:$0x1] =	stream.linear.gather [hbm4b:s13+s2], $0x80, $0x38;
	[tilespmem:$0x10280] =	vst v63  }
0x5c: {  	s30 =	sand.u32 $0x1FFFFFF0, s31;
	s31 =	spop (v2sf);
	s28 =	sadd.s32 s3, s25  }
0x5d: {  	(v2sf) =	vpush v0, $0xD;
	[tilespmem:s26], [sflag:$0x1] =	stream.linear.gather [hbm4b:s28+s2], $0x80, $0x38;
	[tilespmem:$0x10280] =	vst v63  }
0x5e: {  	s13 =	sadd.s32 s3, s30;
	s18 =	sand.u32 $0x1FFFFFF0, s31;
	s29 =	spop (v2sf)  }
0x5f: {  	(v2sf) =	vpush v0, $0xE;
	[tilespmem:s8], [sflag:$0x1] =	stream.linear.gather [hbm4b:s13+s2], $0x80, $0x38;
	[tilespmem:$0x10280] =	vst v63  }
0x60: {  	s18 =	sadd.s32 s3, s18;
	s30 =	sand.u32 $0x1FFFFFF0, s29;
	s31 =	spop (v2sf)  }
0x61: {  	(v2sf) =	vpush v0, $0xF;
	[tilespmem:s5], [sflag:$0x1] =	stream.linear.gather [hbm4b:s18+s2], $0x80, $0x38;
	[tilespmem:$0x10280] =	vst v63  }
0x62: {  	s24 =	sand.u32 $0x1FFFFFF0, s31;
	s25 =	spop (v2sf);
	s8 =	sadd.s32 s3, s30  }
0x63: {  	[tilespmem:s12], [sflag:$0x1] =	stream.linear.gather [hbm4b:s8+s2], $0x80, $0x38;
	[tilespmem:$0x10280] =	vst v63  }
0x64: {  	s26 =	sand.u32 $0x1FFFFFF0, s25;
	s5 =	sadd.s32 s3, s24;
	s28 =	spop (v2sf)  }
0x65: {  	[tilespmem:s1], [sflag:$0x1] =	stream.linear.gather [hbm4b:s5+s2], $0x80, $0x38;
	[tilespmem:$0x10280] =	vst v63  }
0x66: {  	s8 =	sadd.s32 s3, s26;
	s29 =	sand.u32 $0x1FFFFFF0, s28;
	s30 =	spop (v2sf)  }
0x67: {  	[tilespmem:s6], [sflag:$0x1] =	stream.linear.gather [hbm4b:s8+s2], $0x80, $0x38;
	[tilespmem:$0x10280] =	vst v63  }
0x68: {  	s5 =	sand.u32 $0x1FFFFFF0, s30;
	s1 =	sadd.s32 s3, s29;
	s31 =	spop (v2sf)  }
0x69: {  	[tilespmem:s0], [sflag:$0x1] =	stream.linear.gather [hbm4b:s1+s2], $0x80, $0x38;
	[tilespmem:$0x10280] =	vst v63  }
0x6a: {  	s5 =	sadd.s32 s3, s5;
	s8 =	sand.u32 $0x1FFFFFF0, s31;
	s12 =	spop (v2sf)  }
0x6b: {  	[tilespmem:s7], [sflag:$0x1] =	stream.linear.gather [hbm4b:s5+s2], $0x80, $0x38;
	[tilespmem:$0x10280] =	vst v63  }
0x6c: {  	s0 =	sadd.s32 s3, s8;
	s1 =	sand.u32 $0x1FFFFFF0, s12;
	s13 =	spop (v2sf)  }
0x6d: {  	[tilespmem:s23], [sflag:$0x1] =	stream.linear.gather [hbm4b:s0+s2], $0x80, $0x38;
	[tilespmem:$0x10280] =	vst v63  }
0x6e: {  	s18 =	sand.u32 $0x1FFFFFF0, s13;
	s1 =	sadd.s32 s3, s1;
	s23 =	spop (v2sf)  }
0x6f: {  	[tilespmem:s21], [sflag:$0x1] =	stream.linear.gather [hbm4b:s1+s2], $0x80, $0x38;
	[tilespmem:$0x10280] =	vst v63  }
0x70: {  	s0 =	sadd.s32 s3, s18;
	s24 =	sand.u32 $0x1FFFFFF0, s23;
	s25 =	spop (v2sf)  }
0x71: {  	[tilespmem:s22], [sflag:$0x1] =	stream.linear.gather [hbm4b:s0+s2], $0x80, $0x38;
	[tilespmem:$0x10280] =	vst v63  }
0x72: {  	s28 =	sadd.s32 $0x8900, s20;
	s26 =	sand.u32 $0x1FFFFFF0, s25;
	s1 =	sadd.s32 s3, s24  }
0x73: {  	[tilespmem:s28], [sflag:$0x1] =	stream.linear.gather [hbm4b:s1+s2], $0x80, $0x38;
	[tilespmem:$0x10280] =	vst v63  }
0x74: {  	s29 =	sadd.s32 $0x8980, s20;
	s0 =	sadd.s32 s3, s26  }
0x75: {  	[tilespmem:s29], [sflag:$0x1] =	stream.linear.gather [hbm4b:s0+s2], $0x80, $0x38;
	[tilespmem:$0x10280] =	vst v63  }
0x76: {  	s30 =	simm.s32 $0x0;
	s31 =	simm.s32 $0x200;
	s21 =	simm.s32 $0x80  }
0x77: {  	[tilespmem:s31], [sflag:$0x3] =	stream.linear.gather [hbm4b:s4+s30], $0x4000, $0x38;
	[tilespmem:$0x10280] =	vst v63  }
0x78: {  	v0 =	vld [tilespmem:s21+$0x0];
	_ =	sdelay $0x4  }
0x79: {  	v0 =	vshll.u32 v0, $0x4  }
0x7a: {  	(v2sf) =	vpush v0, $0x0  }
0x7b: {  	(v2sf) =	vpush v0, $0x1  }
0x7c: {  	(v2sf) =	vpush v0, $0x2;
	_ =	sdelay $0x1  }
0x7d: {  	(v2sf) =	vpush v0, $0x4;
	_ =	sdelay $0x1  }
0x7e: {  	(v2sf) =	vpush v0, $0x3  }
0x7f: {  	(v2sf) =	vpush v0, $0x5  }
0x80: {  	s20 =	simm.s32 $0x0;
	s22 =	simm.s32 $0x2000;
	(v2sf) =	vpush v0, $0x6  }
.LBB2_4:
0x81: {  	p0 =	sne.s32 s22, $0xE000  }
0x82: {  	s1 =	sadd.s32 $0xC280, s20;
	s26 =	sadd.s32 $0xC780, s20;
	s23 =	smov.u32 s22  }
0x83: {  	s22 =	sadd.s32 $0x2000, s22;
	s30 =	sadd.s32 $0xC580, s20;
	s24 =	sadd.s32 $0xC800, s20;
	(v2sf) =	vpush v0, $0x7  }
0x84: {  	s0 =	sadd.s32 $0xC480, s20;
	s29 =	sadd.s32 $0xC600, s20;
	s25 =	sadd.s32 $0xC880, s20  }
0x85: {  	s5 =	sadd.s32 $0xC200, s20;
	s6 =	sadd.s32 $0xC400, s20;
	(v2sf) =	vpush v0, $0x8  }
0x86: {  	s7 =	sadd.s32 $0xC500, s20;
	s21 =	sadd.s32 $0x10, s21  }
0x87: {  	s8 =	sadd.s32 $0xC300, s20;
	s28 =	sadd.s32 $0xC700, s20;
	s12 =	spop (v2sf);
	(v2sf) =	vpush v0, $0x9  }
0x88: {  	s31 =	sadd.s32 $0xC680, s20;
	s12 =	sand.u32 $0x1FFFFFF0, s12;
	s13 =	spop (v2sf)  }
0x89: {  	s12 =	sadd.s32 s3, s12;
	s13 =	sand.u32 $0x1FFFFFF0, s13;
	s18 =	spop (v2sf);
	(v2sf) =	vpush v0, $0xA  }
0x8a: {  	[tilespmem:s5], [sflag:$0x2] =	stream.linear.gather [hbm4b:s12+s2], $0x80, $0x38;
	[tilespmem:$0x10280] =	vst v63  }
0x8b: {  	s5 =	sadd.s32 s3, s13;
	s12 =	sadd.s32 $0xC380, s20;
	s13 =	spop (v2sf);
	(v2sf) =	vpush v0, $0xB  }
0x8c: {  	[tilespmem:s1], [sflag:$0x2] =	stream.linear.gather [hbm4b:s5+s2], $0x80, $0x38;
	[tilespmem:$0x10280] =	vst v63  }
0x8d: {  	s1 =	sand.u32 $0x1FFFFFF0, s18;
	s5 =	sand.u32 $0x1FFFFFF0, s13;
	s13 =	spop (v2sf);
	(v2sf) =	vpush v0, $0xC  }
0x8e: {  	s1 =	sadd.s32 s3, s1;
	s13 =	sand.u32 $0x1FFFFFF0, s13;
	s18 =	spop (v2sf)  }
0x8f: {  	[tilespmem:s8], [sflag:$0x2] =	stream.linear.gather [hbm4b:s1+s2], $0x80, $0x38;
	(v2sf) =	vpush v0, $0xD;
	[tilespmem:$0x10280] =	vst v63  }
0x90: {  	s1 =	sadd.s32 s3, s13;
	s8 =	sand.u32 $0x1FFFFFF0, s18;
	s13 =	spop (v2sf)  }
0x91: {  	[tilespmem:s12], [sflag:$0x2] =	stream.linear.gather [hbm4b:s1+s2], $0x80, $0x38;
	(v2sf) =	vpush v0, $0xE;
	[tilespmem:$0x10280] =	vst v63  }
0x92: {  	s1 =	sadd.s32 s3, s5;
	s5 =	sand.u32 $0x1FFFFFF0, s13;
	s12 =	spop (v2sf)  }
0x93: {  	[tilespmem:s6], [sflag:$0x2] =	stream.linear.gather [hbm4b:s1+s2], $0x80, $0x38;
	(v2sf) =	vpush v0, $0xF;
	[tilespmem:$0x10280] =	vst v63  }
0x94: {  	s1 =	sadd.s32 s3, s8;
	s6 =	sand.u32 $0x1FFFFFF0, s12;
	s8 =	spop (v2sf)  }
0x95: {  	[tilespmem:s0], [sflag:$0x2] =	stream.linear.gather [hbm4b:s1+s2], $0x80, $0x38;
	[tilespmem:$0x10280] =	vst v63  }
0x96: {  	s0 =	sadd.s32 s3, s5;
	s1 =	sand.u32 $0x1FFFFFF0, s8;
	s5 =	spop (v2sf)  }
0x97: {  	[tilespmem:s7], [sflag:$0x2] =	stream.linear.gather [hbm4b:s0+s2], $0x80, $0x38;
	[tilespmem:$0x10280] =	vst v63  }
0x98: {  	s0 =	sadd.s32 s3, s6;
	s5 =	sand.u32 $0x1FFFFFF0, s5;
	s6 =	spop (v2sf)  }
0x99: {  	[tilespmem:s30], [sflag:$0x2] =	stream.linear.gather [hbm4b:s0+s2], $0x80, $0x38;
	[tilespmem:$0x10280] =	vst v63  }
0x9a: {  	s0 =	sadd.s32 s3, s1;
	s1 =	sand.u32 $0x1FFFFFF0, s6;
	s6 =	spop (v2sf)  }
0x9b: {  	[tilespmem:s29], [sflag:$0x2] =	stream.linear.gather [hbm4b:s0+s2], $0x80, $0x38;
	[tilespmem:$0x10280] =	vst v63  }
0x9c: {  	s0 =	sadd.s32 s3, s5;
	s5 =	sand.u32 $0x1FFFFFF0, s6;
	s6 =	spop (v2sf)  }
0x9d: {  	[tilespmem:s31], [sflag:$0x2] =	stream.linear.gather [hbm4b:s0+s2], $0x80, $0x38;
	[tilespmem:$0x10280] =	vst v63  }
0x9e: {  	s0 =	sadd.s32 s3, s1;
	s1 =	sand.u32 $0x1FFFFFF0, s6;
	s6 =	spop (v2sf)  }
0x9f: {  	[tilespmem:s28], [sflag:$0x2] =	stream.linear.gather [hbm4b:s0+s2], $0x80, $0x38;
	[tilespmem:$0x10280] =	vst v63  }
0xa0: {  	s0 =	sadd.s32 s3, s5;
	s5 =	sand.u32 $0x1FFFFFF0, s6;
	s6 =	spop (v2sf)  }
0xa1: {  	[tilespmem:s26], [sflag:$0x2] =	stream.linear.gather [hbm4b:s0+s2], $0x80, $0x38;
	[tilespmem:$0x10280] =	vst v63  }
0xa2: {  	s0 =	sadd.s32 s3, s1;
	s1 =	sand.u32 $0x1FFFFFF0, s6;
	s6 =	spop (v2sf)  }
0xa3: {  	[tilespmem:s24], [sflag:$0x2] =	stream.linear.gather [hbm4b:s0+s2], $0x80, $0x38;
	[tilespmem:$0x10280] =	vst v63  }
0xa4: {  	s0 =	sadd.s32 s3, s5;
	s5 =	sand.u32 $0x1FFFFFF0, s6  }
0xa5: {  	[tilespmem:s25], [sflag:$0x2] =	stream.linear.gather [hbm4b:s0+s2], $0x80, $0x38;
	[tilespmem:$0x10280] =	vst v63  }
0xa6: {  	s1 =	sadd.s32 s3, s1;
	s0 =	sadd.s32 $0xC900, s20  }
0xa7: {  	[tilespmem:s0], [sflag:$0x2] =	stream.linear.gather [hbm4b:s1+s2], $0x80, $0x38;
	[tilespmem:$0x10280] =	vst v63  }
0xa8: {  	s0 =	sadd.s32 $0xC980, s20;
	s1 =	sadd.s32 s3, s5  }
0xa9: {  	[tilespmem:s0], [sflag:$0x2] =	stream.linear.gather [hbm4b:s1+s2], $0x80, $0x38;
	[tilespmem:$0x10280] =	vst v63  }
0xaa: {  	v0 =	vld [tilespmem:s21+$0x0];
	_ =	sdelay $0x4  }
0xab: {  	v0 =	vshll.u32 v0, $0x4  }
0xac: {  	(v2sf) =	vpush v0, $0x0  }
0xad: {  	(v2sf) =	vpush v0, $0x1  }
0xae: {  	(v2sf) =	vpush v0, $0x2;
	_ =	sdelay $0x1  }
0xaf: {  	(v2sf) =	vpush v0, $0x4  }
.Ltmp1:
0xb0: {  	(pc) =	sbr.rel @p0 .LBB2_4-.Ltmp1, $3  }
0xb1: {  	(v2sf) =	vpush v0, $0x3  }
0xb2: {  	(v2sf) =	vpush v0, $0x5;
	_ =	sdelay $0x1  }
0xb3: {  	s20 =	sshra.s32 s23, $0x2;
	(v2sf) =	vpush v0, $0x6  }
0xb4: {  	_ =	sdelay $0x1  }
0xb5: {  	s0 =	sadd.s32 $0xC280, s20;
	s23 =	sadd.s32 $0xC780, s20  }
0xb6: {  	s1 =	sadd.s32 $0xC580, s20;
	s21 =	sadd.s32 $0xC800, s20;
	(v2sf) =	vpush v0, $0x7;
	s5 =	sadd.s32 $0xC480, s20  }
0xb7: {  	s6 =	sadd.s32 $0xC600, s20;
	s22 =	sadd.s32 $0xC880, s20;
	s7 =	sadd.s32 $0xC200, s20  }
0xb8: {  	s8 =	sadd.s32 $0xC400, s20;
	s12 =	sadd.s32 $0xC500, s20;
	(v2sf) =	vpush v0, $0x8;
	s13 =	spop (v2sf)  }
0xb9: {  	s18 =	sadd.s32 $0xC300, s20;
	s13 =	sand.u32 $0x1FFFFFF0, s13;
	s24 =	spop (v2sf)  }
0xba: {  	(v2sf) =	vpush v0, $0x9;
	s13 =	sadd.s32 s3, s13;
	s24 =	sand.u32 $0x1FFFFFF0, s24;
	s25 =	spop (v2sf)  }
0xbb: {  	[tilespmem:s7], [sflag:$0x2] =	stream.linear.gather [hbm4b:s13+s2], $0x80, $0x38;
	[tilespmem:$0x10280] =	vst v63  }
0xbc: {  	s26 =	sadd.s32 $0xC380, s20;
	(v2sf) =	vpush v0, $0xA;
	s30 =	sadd.s32 s3, s24;
	s31 =	spop (v2sf)  }
0xbd: {  	[tilespmem:s0], [sflag:$0x2] =	stream.linear.gather [hbm4b:s30+s2], $0x80, $0x38;
	[tilespmem:$0x10280] =	vst v63  }
0xbe: {  	s7 =	sadd.s32 $0xC700, s20;
	s28 =	sand.u32 $0x1FFFFFF0, s25;
	(v2sf) =	vpush v0, $0xB;
	s29 =	spop (v2sf)  }
0xbf: {  	s13 =	sadd.s32 s3, s28;
	s0 =	sadd.s32 $0xC680, s20;
	s25 =	sand.u32 $0x1FFFFFF0, s29  }
0xc0: {  	(v2sf) =	vpush v0, $0xC;
	[tilespmem:s18], [sflag:$0x2] =	stream.linear.gather [hbm4b:s13+s2], $0x80, $0x38;
	[tilespmem:$0x10280] =	vst v63  }
0xc1: {  	s30 =	sand.u32 $0x1FFFFFF0, s31;
	s31 =	spop (v2sf);
	s28 =	sadd.s32 s3, s25  }
0xc2: {  	(v2sf) =	vpush v0, $0xD;
	[tilespmem:s26], [sflag:$0x2] =	stream.linear.gather [hbm4b:s28+s2], $0x80, $0x38;
	[tilespmem:$0x10280] =	vst v63  }
0xc3: {  	s13 =	sadd.s32 s3, s30;
	s18 =	sand.u32 $0x1FFFFFF0, s31;
	s29 =	spop (v2sf)  }
0xc4: {  	(v2sf) =	vpush v0, $0xE;
	[tilespmem:s8], [sflag:$0x2] =	stream.linear.gather [hbm4b:s13+s2], $0x80, $0x38;
	[tilespmem:$0x10280] =	vst v63  }
0xc5: {  	s18 =	sadd.s32 s3, s18;
	s30 =	sand.u32 $0x1FFFFFF0, s29;
	s31 =	spop (v2sf)  }
0xc6: {  	(v2sf) =	vpush v0, $0xF;
	[tilespmem:s5], [sflag:$0x2] =	stream.linear.gather [hbm4b:s18+s2], $0x80, $0x38;
	[tilespmem:$0x10280] =	vst v63  }
0xc7: {  	s24 =	sand.u32 $0x1FFFFFF0, s31;
	s25 =	spop (v2sf);
	s8 =	sadd.s32 s3, s30  }
0xc8: {  	[tilespmem:s12], [sflag:$0x2] =	stream.linear.gather [hbm4b:s8+s2], $0x80, $0x38;
	[tilespmem:$0x10280] =	vst v63  }
0xc9: {  	s26 =	sand.u32 $0x1FFFFFF0, s25;
	s5 =	sadd.s32 s3, s24;
	s28 =	spop (v2sf)  }
0xca: {  	[tilespmem:s1], [sflag:$0x2] =	stream.linear.gather [hbm4b:s5+s2], $0x80, $0x38;
	[tilespmem:$0x10280] =	vst v63  }
0xcb: {  	s8 =	sadd.s32 s3, s26;
	s29 =	sand.u32 $0x1FFFFFF0, s28;
	s30 =	spop (v2sf)  }
0xcc: {  	[tilespmem:s6], [sflag:$0x2] =	stream.linear.gather [hbm4b:s8+s2], $0x80, $0x38;
	[tilespmem:$0x10280] =	vst v63  }
0xcd: {  	s5 =	sand.u32 $0x1FFFFFF0, s30;
	s1 =	sadd.s32 s3, s29;
	s31 =	spop (v2sf)  }
0xce: {  	[tilespmem:s0], [sflag:$0x2] =	stream.linear.gather [hbm4b:s1+s2], $0x80, $0x38;
	[tilespmem:$0x10280] =	vst v63  }
0xcf: {  	s5 =	sadd.s32 s3, s5;
	s8 =	sand.u32 $0x1FFFFFF0, s31;
	s12 =	spop (v2sf)  }
0xd0: {  	[tilespmem:s7], [sflag:$0x2] =	stream.linear.gather [hbm4b:s5+s2], $0x80, $0x38;
	[tilespmem:$0x10280] =	vst v63  }
0xd1: {  	s0 =	sadd.s32 s3, s8;
	s1 =	sand.u32 $0x1FFFFFF0, s12;
	s13 =	spop (v2sf)  }
0xd2: {  	[tilespmem:s23], [sflag:$0x2] =	stream.linear.gather [hbm4b:s0+s2], $0x80, $0x38;
	[tilespmem:$0x10280] =	vst v63  }
0xd3: {  	s18 =	sand.u32 $0x1FFFFFF0, s13;
	s1 =	sadd.s32 s3, s1;
	s23 =	spop (v2sf)  }
0xd4: {  	[tilespmem:s21], [sflag:$0x2] =	stream.linear.gather [hbm4b:s1+s2], $0x80, $0x38;
	[tilespmem:$0x10280] =	vst v63  }
0xd5: {  	s0 =	sadd.s32 s3, s18;
	s24 =	sand.u32 $0x1FFFFFF0, s23;
	s25 =	spop (v2sf)  }
0xd6: {  	[tilespmem:s22], [sflag:$0x2] =	stream.linear.gather [hbm4b:s0+s2], $0x80, $0x38;
	[tilespmem:$0x10280] =	vst v63  }
0xd7: {  	s28 =	sadd.s32 $0xC900, s20;
	s26 =	sand.u32 $0x1FFFFFF0, s25;
	s1 =	sadd.s32 s3, s24  }
0xd8: {  	[tilespmem:s28], [sflag:$0x2] =	stream.linear.gather [hbm4b:s1+s2], $0x80, $0x38;
	[tilespmem:$0x10280] =	vst v63  }
0xd9: {  	s29 =	sadd.s32 $0xC980, s20;
	s0 =	sadd.s32 s3, s26  }
0xda: {  	[tilespmem:s29], [sflag:$0x2] =	stream.linear.gather [hbm4b:s0+s2], $0x80, $0x38;
	[tilespmem:$0x10280] =	vst v63  }
0xdb: {  	s30 =	rddreg [dreg:$0x4];
	s31 =	simm.s32 $0x4200  }
0xdc: {  	[tilespmem:s31], [sflag:$0x4] =	stream.linear.gather [hbm4b:s30+s2], $0x4000, $0x38;
	[tilespmem:$0x10280] =	vst v63  }
0xdd: {  	_ =	swait.ge [sflag:s14], $0x80  }
0xde: {  	s0 =	simm.s32 $0x7F;
	[sflag:s14] =	ssyncset.done $0x0  }
.LBB2_6:
0xdf: {  	p0 =	sne.s32 s0, $0x1;
	s0 =	sadd.s32 $0xFFFFFFFF, s0;
	[sflag:s14] =	ssyncadd.s32 $0xFFFFFF80  }
.Ltmp2:
0xe0: {  	(pc) =	sbr.rel @p0 .LBB2_6-.Ltmp2, $3  }
0xe1: {  	_ =	sdelay $0x1  }
0xe2: {  	_ =	swait.ge [sflag:s14], $0x80  }
0xe3: {  	[sflag:s14] =	ssyncset.done $0x0  }
0xe4: {  	[sflag:s14] =	ssyncadd.s32 $0xFFFFFF80  }
0xe5: {  	_ =	swait.ge [sflag:s15], $0x4000  }
0xe6: {  	[sflag:s15] =	ssyncset.done $0x0  }
0xe7: {  	s0 =	simm.s32 $0x0;
	[sflag:s15] =	ssyncadd.s32 $0xFFFFC000  }
0xe8: {  	v0 =	vld [tilespmem:s0+$0x200]  }
0xe9: {  	v1 =	vld [tilespmem:s0+$0x8200]  }
0xea: {  	v2 =	vld [tilespmem:s0+$0x210]  }
0xeb: {  	v3 =	vld [tilespmem:s0+$0x8210]  }
0xec: {  	v4 =	vld [tilespmem:s0+$0x220]  }
0xed: {  	v5 =	vld [tilespmem:s0+$0x8220]  }
0xee: {  	v6 =	vld [tilespmem:s0+$0x8230];
	v0 =	vsub.f32 v0, v1  }
0xef: {  	v1 =	vld [tilespmem:s0+$0x230]  }
0xf0: {  	v7 =	vld [tilespmem:s0+$0x280];
	v2 =	vsub.f32 v2, v3;
	v0 =	vmul.f32 v0, v0  }
0xf1: {  	v8 =	vld [tilespmem:s0+$0x8280];
	v3 =	vimm.f32 $0.0e+00  }
0xf2: {  	v9 =	vld [tilespmem:s0+$0x290];
	v2 =	vmul.f32 v2, v2;
	v0 =	vadd.f32 v0, v3;
	v3 =	vsub.f32 v4, v5  }
0xf3: {  	v10 =	vld [tilespmem:s0+$0x8290]  }
0xf4: {  	v1 =	vsub.f32 v1, v6;
	v2 =	vadd.f32 v2, v0;
	v4 =	vmul.f32 v3, v3;
	v0 =	vld [tilespmem:s0+$0x2A0]  }
0xf5: {  	v3 =	vld [tilespmem:s0+$0x82A0]  }
0xf6: {  	v7 =	vsub.f32 v7, v8;
	v6 =	vmul.f32 v1, v1;
	v1 =	vld [tilespmem:s0+$0x2B0];
	v5 =	vadd.f32 v4, v2  }
0xf7: {  	s20 =	simm.s32 $0x100;
	v4 =	vld [tilespmem:s0+$0x82B0]  }
0xf8: {  	s21 =	simm.s32 $0x800;
	v2 =	vld [tilespmem:s20+$0x200];
	v5 =	vadd.f32 v6, v5;
	v6 =	vmul.f32 v7, v7;
	v7 =	vsub.f32 v9, v10  }
.LBB2_8:
0xf9: {  	p0 =	sne.s32 s21, $0xFC00;
	v8 =	vld [tilespmem:s20+$0x8200]  }
0xfa: {  	v9 =	vld [tilespmem:s20+$0x210];
	v5 =	vadd.f32 v6, v5;
	v6 =	vmul.f32 v7, v7;
	v0 =	vsub.f32 v0, v3  }
0xfb: {  	v3 =	vld [tilespmem:s20+$0x8210]  }
0xfc: {  	v7 =	vld [tilespmem:s20+$0x220];
	v5 =	vadd.f32 v6, v5;
	v0 =	vmul.f32 v0, v0;
	v1 =	vsub.f32 v1, v4  }
0xfd: {  	v4 =	vld [tilespmem:s20+$0x8220]  }
0xfe: {  	v2 =	vsub.f32 v2, v8;
	v6 =	vld [tilespmem:s20+$0x230];
	v0 =	vadd.f32 v0, v5;
	v1 =	vmul.f32 v1, v1  }
0xff: {  	v5 =	vld [tilespmem:s20+$0x8230]  }
0x100: {  	v2 =	vmul.f32 v2, v2;
	v3 =	vsub.f32 v9, v3;
	v8 =	vld [tilespmem:s20+$0x280];
	v0 =	vadd.f32 v1, v0  }
0x101: {  	v1 =	vld [tilespmem:s20+$0x8280]  }
0x102: {  	v0 =	vadd.f32 v2, v0;
	v2 =	vmul.f32 v3, v3;
	v3 =	vsub.f32 v7, v4;
	v7 =	vld [tilespmem:s20+$0x290]  }
0x103: {  	v9 =	vld [tilespmem:s20+$0x8290]  }
.Ltmp3:
0x104: {  	v2 =	vadd.f32 v2, v0;
	v4 =	vmul.f32 v3, v3;
	v5 =	vsub.f32 v6, v5;
	v0 =	vld [tilespmem:s20+$0x2A0];
	(pc) =	sbr.rel @p0 .LBB2_8-.Ltmp3, $4  }
0x105: {  	v3 =	vld [tilespmem:s20+$0x82A0]  }
0x106: {  	v6 =	vadd.f32 v4, v2;
	v5 =	vmul.f32 v5, v5;
	v8 =	vsub.f32 v8, v1;
	v1 =	vld [tilespmem:s20+$0x2B0]  }
0x107: {  	v4 =	vld [tilespmem:s20+$0x82B0];
	s20 =	sshra.s32 s21, $0x2  }
0x108: {  	s21 =	sadd.s32 $0x400, s21;
	v2 =	vld [tilespmem:s20+$0x200];
	v5 =	vadd.f32 v5, v6;
	v6 =	vmul.f32 v8, v8;
	v7 =	vsub.f32 v7, v9  }
0x109: {  	v8 =	vld [tilespmem:s20+$0x8200]  }
0x10a: {  	v9 =	vld [tilespmem:s20+$0x210];
	v5 =	vadd.f32 v6, v5;
	v51 =	vmul.f32 v7, v7;
	v0 =	vsub.f32 v0, v3  }
0x10b: {  	v3 =	vld [tilespmem:s20+$0x8210]  }
0x10c: {  	v52 =	vld [tilespmem:s20+$0x220];
	v5 =	vadd.f32 v51, v5;
	v0 =	vmul.f32 v0, v0;
	v1 =	vsub.f32 v1, v4  }
0x10d: {  	v53 =	vld [tilespmem:s20+$0x8220]  }
0x10e: {  	v54 =	vld [tilespmem:s20+$0x230];
	v2 =	vsub.f32 v2, v8;
	v0 =	vadd.f32 v0, v5;
	v1 =	vmul.f32 v1, v1  }
0x10f: {  	v55 =	vld [tilespmem:s20+$0x8230]  }
0x110: {  	v56 =	vld [tilespmem:s20+$0x280];
	v3 =	vsub.f32 v9, v3;
	v2 =	vmul.f32 v2, v2;
	v0 =	vadd.f32 v1, v0  }
0x111: {  	v1 =	vld [tilespmem:s20+$0x8280]  }
0x112: {  	v0 =	vadd.f32 v2, v0;
	v2 =	vmul.f32 v3, v3;
	v3 =	vsub.f32 v52, v53  }
0x113: {  	v57 =	vld [tilespmem:s20+$0x290]  }
0x114: {  	v58 =	vld [tilespmem:s20+$0x8290];
	s21 =	simm.s32 $0x100;
	v0 =	vadd.f32 v2, v0;
	v2 =	vmul.f32 v3, v3;
	v3 =	vsub.f32 v54, v55  }
0x115: {  	v60 =	vld [tilespmem:s21+$0x0]  }
0x116: {  	v59 =	vld [tilespmem:s20+$0x2A0];
	v1 =	vsub.f32 v56, v1;
	v0 =	vadd.f32 v2, v0;
	v2 =	vmul.f32 v3, v3  }
0x117: {  	v61 =	vld [tilespmem:s20+$0x82A0]  }
0x118: {  	v62 =	vld [tilespmem:s20+$0x82B0];
	v1 =	vmul.f32 v1, v1;
	v0 =	vadd.f32 v2, v0  }
0x119: {  	v3 =	vld [tilespmem:s20+$0x2B0]  }
0x11a: {  	v0 =	vadd.f32 v1, v0;
	v1 =	vshll.u32 v60, $0x4  }
0x11b: {  	v2 =	vsub.f32 v57, v58;
	(v2sf) =	vpush v1, $0x0  }
0x11c: {  	(v2sf) =	vpush v1, $0x1  }
0x11d: {  	v63 =	vsub.f32 v59, v61;
	v2 =	vmul.f32 v2, v2;
	(v2sf) =	vpush v1, $0x2  }
0x11e: {  	v3 =	vsub.f32 v3, v62  }
0x11f: {  	v0 =	vadd.f32 v2, v0;
	v2 =	vmul.f32 v63, v63;
	(v2sf) =	vpush v1, $0x4;
	_ =	sdelay $0x1  }
0x120: {  	v0 =	vadd.f32 v2, v0;
	v2 =	vmul.f32 v3, v3;
	(v2sf) =	vpush v1, $0x3  }
0x121: {  	(v2sf) =	vpush v1, $0x5  }
0x122: {  	s22 =	simm.s32 $0x2000;
	s20 =	simm.s32 $0x0;
	v0 =	vadd.f32 v2, v0;
	(v2sf) =	vpush v1, $0x6  }
.LBB2_10:
0x123: {  	p0 =	sne.s32 s22, $0xE000  }
0x124: {  	s1 =	sadd.s32 $0x8280, s20;
	s26 =	sadd.s32 $0x8780, s20;
	s23 =	smov.u32 s22  }
0x125: {  	s22 =	sadd.s32 $0x2000, s22;
	s30 =	sadd.s32 $0x8580, s20;
	s24 =	sadd.s32 $0x8800, s20;
	(v2sf) =	vpush v1, $0x7  }
0x126: {  	s0 =	sadd.s32 $0x8480, s20;
	s29 =	sadd.s32 $0x8600, s20;
	s25 =	sadd.s32 $0x8880, s20  }
0x127: {  	s5 =	sadd.s32 $0x8200, s20;
	s6 =	sadd.s32 $0x8400, s20;
	(v2sf) =	vpush v1, $0x8  }
0x128: {  	s7 =	sadd.s32 $0x8500, s20;
	s21 =	sadd.s32 $0x10, s21  }
0x129: {  	s8 =	sadd.s32 $0x8300, s20;
	s28 =	sadd.s32 $0x8700, s20;
	s12 =	spop (v2sf);
	(v2sf) =	vpush v1, $0x9  }
0x12a: {  	s31 =	sadd.s32 $0x8680, s20;
	s12 =	sand.u32 $0x1FFFFFF0, s12;
	s13 =	spop (v2sf)  }
0x12b: {  	s12 =	sadd.s32 s3, s12;
	s13 =	sand.u32 $0x1FFFFFF0, s13;
	s18 =	spop (v2sf);
	(v2sf) =	vpush v1, $0xA  }
0x12c: {  	[tilespmem:s5], [sflag:$0x1] =	stream.linear.gather [hbm4b:s12+s2], $0x80, $0x38;
	[tilespmem:$0x10280] =	vst v63  }
0x12d: {  	s5 =	sadd.s32 s3, s13;
	s12 =	sadd.s32 $0x8380, s20;
	s13 =	spop (v2sf);
	(v2sf) =	vpush v1, $0xB  }
0x12e: {  	[tilespmem:s1], [sflag:$0x1] =	stream.linear.gather [hbm4b:s5+s2], $0x80, $0x38;
	[tilespmem:$0x10280] =	vst v63  }
0x12f: {  	s1 =	sand.u32 $0x1FFFFFF0, s18;
	s5 =	sand.u32 $0x1FFFFFF0, s13;
	s13 =	spop (v2sf);
	(v2sf) =	vpush v1, $0xC  }
0x130: {  	s1 =	sadd.s32 s3, s1;
	s13 =	sand.u32 $0x1FFFFFF0, s13;
	s18 =	spop (v2sf)  }
0x131: {  	[tilespmem:s8], [sflag:$0x1] =	stream.linear.gather [hbm4b:s1+s2], $0x80, $0x38;
	(v2sf) =	vpush v1, $0xD;
	[tilespmem:$0x10280] =	vst v63  }
0x132: {  	s1 =	sadd.s32 s3, s13;
	s8 =	sand.u32 $0x1FFFFFF0, s18;
	s13 =	spop (v2sf)  }
0x133: {  	[tilespmem:s12], [sflag:$0x1] =	stream.linear.gather [hbm4b:s1+s2], $0x80, $0x38;
	(v2sf) =	vpush v1, $0xE;
	[tilespmem:$0x10280] =	vst v63  }
0x134: {  	s1 =	sadd.s32 s3, s5;
	s5 =	sand.u32 $0x1FFFFFF0, s13;
	s12 =	spop (v2sf)  }
0x135: {  	[tilespmem:s6], [sflag:$0x1] =	stream.linear.gather [hbm4b:s1+s2], $0x80, $0x38;
	(v2sf) =	vpush v1, $0xF;
	[tilespmem:$0x10280] =	vst v63  }
0x136: {  	s1 =	sadd.s32 s3, s8;
	s6 =	sand.u32 $0x1FFFFFF0, s12;
	s8 =	spop (v2sf)  }
0x137: {  	[tilespmem:s0], [sflag:$0x1] =	stream.linear.gather [hbm4b:s1+s2], $0x80, $0x38;
	[tilespmem:$0x10280] =	vst v63  }
0x138: {  	s0 =	sadd.s32 s3, s5;
	s1 =	sand.u32 $0x1FFFFFF0, s8;
	s5 =	spop (v2sf)  }
0x139: {  	[tilespmem:s7], [sflag:$0x1] =	stream.linear.gather [hbm4b:s0+s2], $0x80, $0x38;
	[tilespmem:$0x10280] =	vst v63  }
0x13a: {  	s0 =	sadd.s32 s3, s6;
	s5 =	sand.u32 $0x1FFFFFF0, s5;
	s6 =	spop (v2sf)  }
0x13b: {  	[tilespmem:s30], [sflag:$0x1] =	stream.linear.gather [hbm4b:s0+s2], $0x80, $0x38;
	[tilespmem:$0x10280] =	vst v63  }
0x13c: {  	s0 =	sadd.s32 s3, s1;
	s1 =	sand.u32 $0x1FFFFFF0, s6;
	s6 =	spop (v2sf)  }
0x13d: {  	[tilespmem:s29], [sflag:$0x1] =	stream.linear.gather [hbm4b:s0+s2], $0x80, $0x38;
	[tilespmem:$0x10280] =	vst v63  }
0x13e: {  	s0 =	sadd.s32 s3, s5;
	s5 =	sand.u32 $0x1FFFFFF0, s6;
	s6 =	spop (v2sf)  }
0x13f: {  	[tilespmem:s31], [sflag:$0x1] =	stream.linear.gather [hbm4b:s0+s2], $0x80, $0x38;
	[tilespmem:$0x10280] =	vst v63  }
0x140: {  	s0 =	sadd.s32 s3, s1;
	s1 =	sand.u32 $0x1FFFFFF0, s6;
	s6 =	spop (v2sf)  }
0x141: {  	[tilespmem:s28], [sflag:$0x1] =	stream.linear.gather [hbm4b:s0+s2], $0x80, $0x38;
	[tilespmem:$0x10280] =	vst v63  }
0x142: {  	s0 =	sadd.s32 s3, s5;
	s5 =	sand.u32 $0x1FFFFFF0, s6;
	s6 =	spop (v2sf)  }
0x143: {  	[tilespmem:s26], [sflag:$0x1] =	stream.linear.gather [hbm4b:s0+s2], $0x80, $0x38;
	[tilespmem:$0x10280] =	vst v63  }
0x144: {  	s0 =	sadd.s32 s3, s1;
	s1 =	sand.u32 $0x1FFFFFF0, s6;
	s6 =	spop (v2sf)  }
0x145: {  	[tilespmem:s24], [sflag:$0x1] =	stream.linear.gather [hbm4b:s0+s2], $0x80, $0x38;
	[tilespmem:$0x10280] =	vst v63  }
0x146: {  	s0 =	sadd.s32 s3, s5;
	s5 =	sand.u32 $0x1FFFFFF0, s6  }
0x147: {  	[tilespmem:s25], [sflag:$0x1] =	stream.linear.gather [hbm4b:s0+s2], $0x80, $0x38;
	[tilespmem:$0x10280] =	vst v63  }
0x148: {  	s1 =	sadd.s32 s3, s1;
	s0 =	sadd.s32 $0x8900, s20  }
0x149: {  	[tilespmem:s0], [sflag:$0x1] =	stream.linear.gather [hbm4b:s1+s2], $0x80, $0x38;
	[tilespmem:$0x10280] =	vst v63  }
0x14a: {  	s0 =	sadd.s32 $0x8980, s20;
	s1 =	sadd.s32 s3, s5  }
0x14b: {  	[tilespmem:s0], [sflag:$0x1] =	stream.linear.gather [hbm4b:s1+s2], $0x80, $0x38;
	[tilespmem:$0x10280] =	vst v63  }
0x14c: {  	v1 =	vld [tilespmem:s21+$0x0];
	_ =	sdelay $0x4  }
0x14d: {  	v1 =	vshll.u32 v1, $0x4  }
0x14e: {  	(v2sf) =	vpush v1, $0x0  }
0x14f: {  	(v2sf) =	vpush v1, $0x1  }
0x150: {  	(v2sf) =	vpush v1, $0x2;
	_ =	sdelay $0x1  }
0x151: {  	(v2sf) =	vpush v1, $0x4  }
.Ltmp4:
0x152: {  	(pc) =	sbr.rel @p0 .LBB2_10-.Ltmp4, $3  }
0x153: {  	(v2sf) =	vpush v1, $0x3  }
0x154: {  	(v2sf) =	vpush v1, $0x5;
	_ =	sdelay $0x1  }
0x155: {  	s20 =	sshra.s32 s23, $0x2;
	(v2sf) =	vpush v1, $0x6  }
0x156: {  	_ =	sdelay $0x1  }
0x157: {  	s0 =	sadd.s32 $0x8280, s20;
	s23 =	sadd.s32 $0x8780, s20  }
0x158: {  	s1 =	sadd.s32 $0x8580, s20;
	s21 =	sadd.s32 $0x8800, s20;
	(v2sf) =	vpush v1, $0x7;
	s5 =	sadd.s32 $0x8480, s20  }
0x159: {  	s6 =	sadd.s32 $0x8600, s20;
	s22 =	sadd.s32 $0x8880, s20;
	s7 =	sadd.s32 $0x8200, s20  }
0x15a: {  	s8 =	sadd.s32 $0x8400, s20;
	s12 =	sadd.s32 $0x8500, s20;
	(v2sf) =	vpush v1, $0x8;
	s13 =	spop (v2sf)  }
0x15b: {  	s18 =	sadd.s32 $0x8300, s20;
	s13 =	sand.u32 $0x1FFFFFF0, s13;
	s24 =	spop (v2sf)  }
0x15c: {  	(v2sf) =	vpush v1, $0x9;
	s13 =	sadd.s32 s3, s13;
	s24 =	sand.u32 $0x1FFFFFF0, s24;
	s25 =	spop (v2sf)  }
0x15d: {  	[tilespmem:s7], [sflag:$0x1] =	stream.linear.gather [hbm4b:s13+s2], $0x80, $0x38;
	[tilespmem:$0x10280] =	vst v63  }
0x15e: {  	s26 =	sadd.s32 $0x8380, s20;
	(v2sf) =	vpush v1, $0xA;
	s30 =	sadd.s32 s3, s24;
	s31 =	spop (v2sf)  }
0x15f: {  	[tilespmem:s0], [sflag:$0x1] =	stream.linear.gather [hbm4b:s30+s2], $0x80, $0x38;
	[tilespmem:$0x10280] =	vst v63  }
0x160: {  	s7 =	sadd.s32 $0x8700, s20;
	s28 =	sand.u32 $0x1FFFFFF0, s25;
	(v2sf) =	vpush v1, $0xB;
	s29 =	spop (v2sf)  }
0x161: {  	s13 =	sadd.s32 s3, s28;
	s0 =	sadd.s32 $0x8680, s20;
	s25 =	sand.u32 $0x1FFFFFF0, s29  }
0x162: {  	(v2sf) =	vpush v1, $0xC;
	[tilespmem:s18], [sflag:$0x1] =	stream.linear.gather [hbm4b:s13+s2], $0x80, $0x38;
	[tilespmem:$0x10280] =	vst v63  }
0x163: {  	s30 =	sand.u32 $0x1FFFFFF0, s31;
	s31 =	spop (v2sf);
	s28 =	sadd.s32 s3, s25  }
0x164: {  	(v2sf) =	vpush v1, $0xD;
	[tilespmem:s26], [sflag:$0x1] =	stream.linear.gather [hbm4b:s28+s2], $0x80, $0x38;
	[tilespmem:$0x10280] =	vst v63  }
0x165: {  	s13 =	sadd.s32 s3, s30;
	s18 =	sand.u32 $0x1FFFFFF0, s31;
	s29 =	spop (v2sf)  }
0x166: {  	(v2sf) =	vpush v1, $0xE;
	[tilespmem:s8], [sflag:$0x1] =	stream.linear.gather [hbm4b:s13+s2], $0x80, $0x38;
	[tilespmem:$0x10280] =	vst v63  }
0x167: {  	s18 =	sadd.s32 s3, s18;
	s30 =	sand.u32 $0x1FFFFFF0, s29;
	s31 =	spop (v2sf)  }
0x168: {  	(v2sf) =	vpush v1, $0xF;
	[tilespmem:s5], [sflag:$0x1] =	stream.linear.gather [hbm4b:s18+s2], $0x80, $0x38;
	[tilespmem:$0x10280] =	vst v63  }
0x169: {  	s24 =	sand.u32 $0x1FFFFFF0, s31;
	s25 =	spop (v2sf);
	s8 =	sadd.s32 s3, s30  }
0x16a: {  	[tilespmem:s12], [sflag:$0x1] =	stream.linear.gather [hbm4b:s8+s2], $0x80, $0x38;
	[tilespmem:$0x10280] =	vst v63  }
0x16b: {  	s26 =	sand.u32 $0x1FFFFFF0, s25;
	s5 =	sadd.s32 s3, s24;
	s28 =	spop (v2sf)  }
0x16c: {  	[tilespmem:s1], [sflag:$0x1] =	stream.linear.gather [hbm4b:s5+s2], $0x80, $0x38;
	[tilespmem:$0x10280] =	vst v63  }
0x16d: {  	s8 =	sadd.s32 s3, s26;
	s29 =	sand.u32 $0x1FFFFFF0, s28;
	s30 =	spop (v2sf)  }
0x16e: {  	[tilespmem:s6], [sflag:$0x1] =	stream.linear.gather [hbm4b:s8+s2], $0x80, $0x38;
	[tilespmem:$0x10280] =	vst v63  }
0x16f: {  	s5 =	sand.u32 $0x1FFFFFF0, s30;
	s1 =	sadd.s32 s3, s29;
	s31 =	spop (v2sf)  }
0x170: {  	[tilespmem:s0], [sflag:$0x1] =	stream.linear.gather [hbm4b:s1+s2], $0x80, $0x38;
	[tilespmem:$0x10280] =	vst v63  }
0x171: {  	s5 =	sadd.s32 s3, s5;
	s8 =	sand.u32 $0x1FFFFFF0, s31;
	s12 =	spop (v2sf)  }
0x172: {  	[tilespmem:s7], [sflag:$0x1] =	stream.linear.gather [hbm4b:s5+s2], $0x80, $0x38;
	[tilespmem:$0x10280] =	vst v63  }
0x173: {  	s0 =	sadd.s32 s3, s8;
	s1 =	sand.u32 $0x1FFFFFF0, s12;
	s13 =	spop (v2sf)  }
0x174: {  	[tilespmem:s23], [sflag:$0x1] =	stream.linear.gather [hbm4b:s0+s2], $0x80, $0x38;
	[tilespmem:$0x10280] =	vst v63  }
0x175: {  	s18 =	sand.u32 $0x1FFFFFF0, s13;
	s1 =	sadd.s32 s3, s1;
	s23 =	spop (v2sf)  }
0x176: {  	[tilespmem:s21], [sflag:$0x1] =	stream.linear.gather [hbm4b:s1+s2], $0x80, $0x38;
	[tilespmem:$0x10280] =	vst v63  }
0x177: {  	s0 =	sadd.s32 s3, s18;
	s24 =	sand.u32 $0x1FFFFFF0, s23;
	s25 =	spop (v2sf)  }
0x178: {  	[tilespmem:s22], [sflag:$0x1] =	stream.linear.gather [hbm4b:s0+s2], $0x80, $0x38;
	[tilespmem:$0x10280] =	vst v63  }
0x179: {  	s28 =	sadd.s32 $0x8900, s20;
	s26 =	sand.u32 $0x1FFFFFF0, s25;
	s1 =	sadd.s32 s3, s24  }
0x17a: {  	[tilespmem:s28], [sflag:$0x1] =	stream.linear.gather [hbm4b:s1+s2], $0x80, $0x38;
	[tilespmem:$0x10280] =	vst v63  }
0x17b: {  	s29 =	sadd.s32 $0x8980, s20;
	s0 =	sadd.s32 s3, s26  }
0x17c: {  	[tilespmem:s29], [sflag:$0x1] =	stream.linear.gather [hbm4b:s0+s2], $0x80, $0x38;
	[tilespmem:$0x10280] =	vst v63  }
0x17d: {  	s30 =	rddreg [dreg:$0x5];
	s31 =	simm.s32 $0x200  }
0x17e: {  	[tilespmem:s31], [sflag:$0x3] =	stream.linear.gather [hbm4b:s30+s2], $0x4000, $0x38;
	[tilespmem:$0x10280] =	vst v63  }
0x17f: {  	_ =	swait.ge [sflag:s16], $0x80  }
0x180: {  	s0 =	simm.s32 $0x7F;
	[sflag:s16] =	ssyncset.done $0x0  }
.LBB2_12:
0x181: {  	p0 =	sne.s32 s0, $0x1;
	s0 =	sadd.s32 $0xFFFFFFFF, s0;
	[sflag:s16] =	ssyncadd.s32 $0xFFFFFF80  }
.Ltmp5:
0x182: {  	(pc) =	sbr.rel @p0 .LBB2_12-.Ltmp5, $3  }
0x183: {  	_ =	sdelay $0x1  }
0x184: {  	_ =	swait.ge [sflag:s16], $0x80  }
0x185: {  	[sflag:s16] =	ssyncset.done $0x0  }
0x186: {  	[sflag:s16] =	ssyncadd.s32 $0xFFFFFF80  }
0x187: {  	_ =	swait.ge [sflag:s17], $0x4000  }
0x188: {  	[sflag:s17] =	ssyncset.done $0x0  }
0x189: {  	s0 =	simm.s32 $0x0;
	[sflag:s17] =	ssyncadd.s32 $0xFFFFC000  }
0x18a: {  	v1 =	vld [tilespmem:s0+$0x4200]  }
0x18b: {  	v2 =	vld [tilespmem:s0+$0xC200]  }
0x18c: {  	v3 =	vld [tilespmem:s0+$0x4210]  }
0x18d: {  	v4 =	vld [tilespmem:s0+$0xC210]  }
0x18e: {  	v5 =	vld [tilespmem:s0+$0x4220]  }
0x18f: {  	v6 =	vld [tilespmem:s0+$0xC220]  }
0x190: {  	v7 =	vld [tilespmem:s0+$0xC230];
	v1 =	vsub.f32 v1, v2  }
0x191: {  	v2 =	vld [tilespmem:s0+$0x4230]  }
0x192: {  	v8 =	vld [tilespmem:s0+$0xC280];
	v3 =	vsub.f32 v3, v4;
	v1 =	vmul.f32 v1, v1  }
0x193: {  	v4 =	vld [tilespmem:s0+$0x4280]  }
0x194: {  	v9 =	vld [tilespmem:s0+$0x4290];
	v0 =	vadd.f32 v1, v0;
	v1 =	vmul.f32 v3, v3;
	v3 =	vsub.f32 v5, v6  }
0x195: {  	v10 =	vld [tilespmem:s0+$0xC290]  }
0x196: {  	v2 =	vsub.f32 v2, v7;
	v1 =	vadd.f32 v1, v0;
	v5 =	vmul.f32 v3, v3;
	v0 =	vld [tilespmem:s0+$0x42A0]  }
0x197: {  	v3 =	vld [tilespmem:s0+$0xC2A0]  }
0x198: {  	v7 =	vsub.f32 v4, v8;
	v4 =	vld [tilespmem:s0+$0xC2B0];
	v6 =	vmul.f32 v2, v2;
	v5 =	vadd.f32 v5, v1  }
0x199: {  	s20 =	simm.s32 $0x100;
	v1 =	vld [tilespmem:s0+$0x42B0]  }
0x19a: {  	s21 =	simm.s32 $0x800;
	v2 =	vld [tilespmem:s20+$0x4200];
	v5 =	vadd.f32 v6, v5;
	v6 =	vmul.f32 v7, v7;
	v7 =	vsub.f32 v9, v10  }
.LBB2_14:
0x19b: {  	p0 =	sne.s32 s21, $0xFC00;
	v8 =	vld [tilespmem:s20+$0xC200]  }
0x19c: {  	v9 =	vld [tilespmem:s20+$0x4210];
	v5 =	vadd.f32 v6, v5;
	v6 =	vmul.f32 v7, v7;
	v0 =	vsub.f32 v0, v3  }
0x19d: {  	v3 =	vld [tilespmem:s20+$0xC210]  }
0x19e: {  	v7 =	vld [tilespmem:s20+$0x4220];
	v5 =	vadd.f32 v6, v5;
	v0 =	vmul.f32 v0, v0;
	v1 =	vsub.f32 v1, v4  }
0x19f: {  	v4 =	vld [tilespmem:s20+$0xC220]  }
0x1a0: {  	v2 =	vsub.f32 v2, v8;
	v6 =	vld [tilespmem:s20+$0x4230];
	v0 =	vadd.f32 v0, v5;
	v1 =	vmul.f32 v1, v1  }
0x1a1: {  	v5 =	vld [tilespmem:s20+$0xC230]  }
0x1a2: {  	v2 =	vmul.f32 v2, v2;
	v3 =	vsub.f32 v9, v3;
	v8 =	vld [tilespmem:s20+$0x4280];
	v0 =	vadd.f32 v1, v0  }
0x1a3: {  	v1 =	vld [tilespmem:s20+$0xC280]  }
0x1a4: {  	v0 =	vadd.f32 v2, v0;
	v2 =	vmul.f32 v3, v3;
	v3 =	vsub.f32 v7, v4;
	v7 =	vld [tilespmem:s20+$0x4290]  }
0x1a5: {  	v9 =	vld [tilespmem:s20+$0xC290]  }
.Ltmp6:
0x1a6: {  	v2 =	vadd.f32 v2, v0;
	v4 =	vmul.f32 v3, v3;
	v5 =	vsub.f32 v6, v5;
	v0 =	vld [tilespmem:s20+$0x42A0];
	(pc) =	sbr.rel @p0 .LBB2_14-.Ltmp6, $4  }
0x1a7: {  	v3 =	vld [tilespmem:s20+$0xC2A0]  }
0x1a8: {  	v6 =	vadd.f32 v4, v2;
	v5 =	vmul.f32 v5, v5;
	v8 =	vsub.f32 v8, v1;
	v1 =	vld [tilespmem:s20+$0x42B0]  }
0x1a9: {  	v4 =	vld [tilespmem:s20+$0xC2B0];
	s20 =	sshra.s32 s21, $0x2  }
0x1aa: {  	s21 =	sadd.s32 $0x400, s21;
	v2 =	vld [tilespmem:s20+$0x4200];
	v5 =	vadd.f32 v5, v6;
	v6 =	vmul.f32 v8, v8;
	v7 =	vsub.f32 v7, v9  }
0x1ab: {  	v8 =	vld [tilespmem:s20+$0xC200]  }
0x1ac: {  	v9 =	vld [tilespmem:s20+$0x4210];
	v5 =	vadd.f32 v6, v5;
	v51 =	vmul.f32 v7, v7;
	v0 =	vsub.f32 v0, v3  }
0x1ad: {  	v3 =	vld [tilespmem:s20+$0xC210]  }
0x1ae: {  	v52 =	vld [tilespmem:s20+$0x4220];
	v5 =	vadd.f32 v51, v5;
	v0 =	vmul.f32 v0, v0;
	v1 =	vsub.f32 v1, v4  }
0x1af: {  	v53 =	vld [tilespmem:s20+$0xC220]  }
0x1b0: {  	v54 =	vld [tilespmem:s20+$0x4230];
	v2 =	vsub.f32 v2, v8;
	v0 =	vadd.f32 v0, v5;
	v1 =	vmul.f32 v1, v1  }
0x1b1: {  	v55 =	vld [tilespmem:s20+$0xC230]  }
0x1b2: {  	v56 =	vld [tilespmem:s20+$0x4280];
	v3 =	vsub.f32 v9, v3;
	v2 =	vmul.f32 v2, v2;
	v0 =	vadd.f32 v1, v0  }
0x1b3: {  	v1 =	vld [tilespmem:s20+$0xC280]  }
0x1b4: {  	v0 =	vadd.f32 v2, v0;
	v2 =	vmul.f32 v3, v3;
	v3 =	vsub.f32 v52, v53  }
0x1b5: {  	v57 =	vld [tilespmem:s20+$0x4290]  }
0x1b6: {  	v58 =	vld [tilespmem:s20+$0xC290];
	s21 =	simm.s32 $0x180;
	v0 =	vadd.f32 v2, v0;
	v2 =	vmul.f32 v3, v3;
	v3 =	vsub.f32 v54, v55  }
0x1b7: {  	v60 =	vld [tilespmem:s21+$0x0]  }
0x1b8: {  	v59 =	vld [tilespmem:s20+$0x42A0];
	v1 =	vsub.f32 v56, v1;
	v0 =	vadd.f32 v2, v0;
	v2 =	vmul.f32 v3, v3  }
0x1b9: {  	v61 =	vld [tilespmem:s20+$0xC2A0]  }
0x1ba: {  	v62 =	vld [tilespmem:s20+$0xC2B0];
	v1 =	vmul.f32 v1, v1;
	v0 =	vadd.f32 v2, v0  }
0x1bb: {  	v3 =	vld [tilespmem:s20+$0x42B0]  }
0x1bc: {  	v0 =	vadd.f32 v1, v0;
	v1 =	vshll.u32 v60, $0x4  }
0x1bd: {  	v2 =	vsub.f32 v57, v58;
	(v2sf) =	vpush v1, $0x0  }
0x1be: {  	(v2sf) =	vpush v1, $0x1  }
0x1bf: {  	v63 =	vsub.f32 v59, v61;
	v2 =	vmul.f32 v2, v2;
	(v2sf) =	vpush v1, $0x2  }
0x1c0: {  	v3 =	vsub.f32 v3, v62  }
0x1c1: {  	v0 =	vadd.f32 v2, v0;
	v2 =	vmul.f32 v63, v63;
	(v2sf) =	vpush v1, $0x4;
	_ =	sdelay $0x1  }
0x1c2: {  	v0 =	vadd.f32 v2, v0;
	v2 =	vmul.f32 v3, v3;
	(v2sf) =	vpush v1, $0x3  }
0x1c3: {  	(v2sf) =	vpush v1, $0x5  }
0x1c4: {  	s22 =	simm.s32 $0x2000;
	s20 =	simm.s32 $0x0;
	v0 =	vadd.f32 v2, v0;
	(v2sf) =	vpush v1, $0x6  }
.LBB2_16:
0x1c5: {  	p0 =	sne.s32 s22, $0xE000  }
0x1c6: {  	s1 =	sadd.s32 $0xC280, s20;
	s26 =	sadd.s32 $0xC780, s20;
	s23 =	smov.u32 s22  }
0x1c7: {  	s22 =	sadd.s32 $0x2000, s22;
	s30 =	sadd.s32 $0xC580, s20;
	s24 =	sadd.s32 $0xC800, s20;
	(v2sf) =	vpush v1, $0x7  }
0x1c8: {  	s0 =	sadd.s32 $0xC480, s20;
	s29 =	sadd.s32 $0xC600, s20;
	s25 =	sadd.s32 $0xC880, s20  }
0x1c9: {  	s5 =	sadd.s32 $0xC200, s20;
	s6 =	sadd.s32 $0xC400, s20;
	(v2sf) =	vpush v1, $0x8  }
0x1ca: {  	s7 =	sadd.s32 $0xC500, s20;
	s21 =	sadd.s32 $0x10, s21  }
0x1cb: {  	s8 =	sadd.s32 $0xC300, s20;
	s28 =	sadd.s32 $0xC700, s20;
	s12 =	spop (v2sf);
	(v2sf) =	vpush v1, $0x9  }
0x1cc: {  	s31 =	sadd.s32 $0xC680, s20;
	s12 =	sand.u32 $0x1FFFFFF0, s12;
	s13 =	spop (v2sf)  }
0x1cd: {  	s12 =	sadd.s32 s3, s12;
	s13 =	sand.u32 $0x1FFFFFF0, s13;
	s18 =	spop (v2sf);
	(v2sf) =	vpush v1, $0xA  }
0x1ce: {  	[tilespmem:s5], [sflag:$0x2] =	stream.linear.gather [hbm4b:s12+s2], $0x80, $0x38;
	[tilespmem:$0x10280] =	vst v63  }
0x1cf: {  	s5 =	sadd.s32 s3, s13;
	s12 =	sadd.s32 $0xC380, s20;
	s13 =	spop (v2sf);
	(v2sf) =	vpush v1, $0xB  }
0x1d0: {  	[tilespmem:s1], [sflag:$0x2] =	stream.linear.gather [hbm4b:s5+s2], $0x80, $0x38;
	[tilespmem:$0x10280] =	vst v63  }
0x1d1: {  	s1 =	sand.u32 $0x1FFFFFF0, s18;
	s5 =	sand.u32 $0x1FFFFFF0, s13;
	s13 =	spop (v2sf);
	(v2sf) =	vpush v1, $0xC  }
0x1d2: {  	s1 =	sadd.s32 s3, s1;
	s13 =	sand.u32 $0x1FFFFFF0, s13;
	s18 =	spop (v2sf)  }
0x1d3: {  	[tilespmem:s8], [sflag:$0x2] =	stream.linear.gather [hbm4b:s1+s2], $0x80, $0x38;
	(v2sf) =	vpush v1, $0xD;
	[tilespmem:$0x10280] =	vst v63  }
0x1d4: {  	s1 =	sadd.s32 s3, s13;
	s8 =	sand.u32 $0x1FFFFFF0, s18;
	s13 =	spop (v2sf)  }
0x1d5: {  	[tilespmem:s12], [sflag:$0x2] =	stream.linear.gather [hbm4b:s1+s2], $0x80, $0x38;
	(v2sf) =	vpush v1, $0xE;
	[tilespmem:$0x10280] =	vst v63  }
0x1d6: {  	s1 =	sadd.s32 s3, s5;
	s5 =	sand.u32 $0x1FFFFFF0, s13;
	s12 =	spop (v2sf)  }
0x1d7: {  	[tilespmem:s6], [sflag:$0x2] =	stream.linear.gather [hbm4b:s1+s2], $0x80, $0x38;
	(v2sf) =	vpush v1, $0xF;
	[tilespmem:$0x10280] =	vst v63  }
0x1d8: {  	s1 =	sadd.s32 s3, s8;
	s6 =	sand.u32 $0x1FFFFFF0, s12;
	s8 =	spop (v2sf)  }
0x1d9: {  	[tilespmem:s0], [sflag:$0x2] =	stream.linear.gather [hbm4b:s1+s2], $0x80, $0x38;
	[tilespmem:$0x10280] =	vst v63  }
0x1da: {  	s0 =	sadd.s32 s3, s5;
	s1 =	sand.u32 $0x1FFFFFF0, s8;
	s5 =	spop (v2sf)  }
0x1db: {  	[tilespmem:s7], [sflag:$0x2] =	stream.linear.gather [hbm4b:s0+s2], $0x80, $0x38;
	[tilespmem:$0x10280] =	vst v63  }
0x1dc: {  	s0 =	sadd.s32 s3, s6;
	s5 =	sand.u32 $0x1FFFFFF0, s5;
	s6 =	spop (v2sf)  }
0x1dd: {  	[tilespmem:s30], [sflag:$0x2] =	stream.linear.gather [hbm4b:s0+s2], $0x80, $0x38;
	[tilespmem:$0x10280] =	vst v63  }
0x1de: {  	s0 =	sadd.s32 s3, s1;
	s1 =	sand.u32 $0x1FFFFFF0, s6;
	s6 =	spop (v2sf)  }
0x1df: {  	[tilespmem:s29], [sflag:$0x2] =	stream.linear.gather [hbm4b:s0+s2], $0x80, $0x38;
	[tilespmem:$0x10280] =	vst v63  }
0x1e0: {  	s0 =	sadd.s32 s3, s5;
	s5 =	sand.u32 $0x1FFFFFF0, s6;
	s6 =	spop (v2sf)  }
0x1e1: {  	[tilespmem:s31], [sflag:$0x2] =	stream.linear.gather [hbm4b:s0+s2], $0x80, $0x38;
	[tilespmem:$0x10280] =	vst v63  }
0x1e2: {  	s0 =	sadd.s32 s3, s1;
	s1 =	sand.u32 $0x1FFFFFF0, s6;
	s6 =	spop (v2sf)  }
0x1e3: {  	[tilespmem:s28], [sflag:$0x2] =	stream.linear.gather [hbm4b:s0+s2], $0x80, $0x38;
	[tilespmem:$0x10280] =	vst v63  }
0x1e4: {  	s0 =	sadd.s32 s3, s5;
	s5 =	sand.u32 $0x1FFFFFF0, s6;
	s6 =	spop (v2sf)  }
0x1e5: {  	[tilespmem:s26], [sflag:$0x2] =	stream.linear.gather [hbm4b:s0+s2], $0x80, $0x38;
	[tilespmem:$0x10280] =	vst v63  }
0x1e6: {  	s0 =	sadd.s32 s3, s1;
	s1 =	sand.u32 $0x1FFFFFF0, s6;
	s6 =	spop (v2sf)  }
0x1e7: {  	[tilespmem:s24], [sflag:$0x2] =	stream.linear.gather [hbm4b:s0+s2], $0x80, $0x38;
	[tilespmem:$0x10280] =	vst v63  }
0x1e8: {  	s0 =	sadd.s32 s3, s5;
	s5 =	sand.u32 $0x1FFFFFF0, s6  }
0x1e9: {  	[tilespmem:s25], [sflag:$0x2] =	stream.linear.gather [hbm4b:s0+s2], $0x80, $0x38;
	[tilespmem:$0x10280] =	vst v63  }
0x1ea: {  	s1 =	sadd.s32 s3, s1;
	s0 =	sadd.s32 $0xC900, s20  }
0x1eb: {  	[tilespmem:s0], [sflag:$0x2] =	stream.linear.gather [hbm4b:s1+s2], $0x80, $0x38;
	[tilespmem:$0x10280] =	vst v63  }
0x1ec: {  	s0 =	sadd.s32 $0xC980, s20;
	s1 =	sadd.s32 s3, s5  }
0x1ed: {  	[tilespmem:s0], [sflag:$0x2] =	stream.linear.gather [hbm4b:s1+s2], $0x80, $0x38;
	[tilespmem:$0x10280] =	vst v63  }
0x1ee: {  	v1 =	vld [tilespmem:s21+$0x0];
	_ =	sdelay $0x4  }
0x1ef: {  	v1 =	vshll.u32 v1, $0x4  }
0x1f0: {  	(v2sf) =	vpush v1, $0x0  }
0x1f1: {  	(v2sf) =	vpush v1, $0x1  }
0x1f2: {  	(v2sf) =	vpush v1, $0x2;
	_ =	sdelay $0x1  }
0x1f3: {  	(v2sf) =	vpush v1, $0x4  }
.Ltmp7:
0x1f4: {  	(pc) =	sbr.rel @p0 .LBB2_16-.Ltmp7, $3  }
0x1f5: {  	(v2sf) =	vpush v1, $0x3  }
0x1f6: {  	(v2sf) =	vpush v1, $0x5;
	_ =	sdelay $0x1  }
0x1f7: {  	s20 =	sshra.s32 s23, $0x2;
	(v2sf) =	vpush v1, $0x6  }
0x1f8: {  	_ =	sdelay $0x1  }
0x1f9: {  	s0 =	sadd.s32 $0xC280, s20;
	s23 =	sadd.s32 $0xC780, s20  }
0x1fa: {  	s1 =	sadd.s32 $0xC580, s20;
	s21 =	sadd.s32 $0xC800, s20;
	(v2sf) =	vpush v1, $0x7;
	s5 =	sadd.s32 $0xC480, s20  }
0x1fb: {  	s6 =	sadd.s32 $0xC600, s20;
	s22 =	sadd.s32 $0xC880, s20;
	s7 =	sadd.s32 $0xC200, s20  }
0x1fc: {  	s8 =	sadd.s32 $0xC400, s20;
	s12 =	sadd.s32 $0xC500, s20;
	(v2sf) =	vpush v1, $0x8;
	s13 =	spop (v2sf)  }
0x1fd: {  	s18 =	sadd.s32 $0xC300, s20;
	s13 =	sand.u32 $0x1FFFFFF0, s13;
	s24 =	spop (v2sf)  }
0x1fe: {  	(v2sf) =	vpush v1, $0x9;
	s13 =	sadd.s32 s3, s13;
	s24 =	sand.u32 $0x1FFFFFF0, s24;
	s25 =	spop (v2sf)  }
0x1ff: {  	[tilespmem:s7], [sflag:$0x2] =	stream.linear.gather [hbm4b:s13+s2], $0x80, $0x38;
	[tilespmem:$0x10280] =	vst v63  }
0x200: {  	s26 =	sadd.s32 $0xC380, s20;
	(v2sf) =	vpush v1, $0xA;
	s30 =	sadd.s32 s3, s24;
	s31 =	spop (v2sf)  }
0x201: {  	[tilespmem:s0], [sflag:$0x2] =	stream.linear.gather [hbm4b:s30+s2], $0x80, $0x38;
	[tilespmem:$0x10280] =	vst v63  }
0x202: {  	s7 =	sadd.s32 $0xC700, s20;
	s28 =	sand.u32 $0x1FFFFFF0, s25;
	(v2sf) =	vpush v1, $0xB;
	s29 =	spop (v2sf)  }
0x203: {  	s13 =	sadd.s32 s3, s28;
	s0 =	sadd.s32 $0xC680, s20;
	s25 =	sand.u32 $0x1FFFFFF0, s29  }
0x204: {  	(v2sf) =	vpush v1, $0xC;
	[tilespmem:s18], [sflag:$0x2] =	stream.linear.gather [hbm4b:s13+s2], $0x80, $0x38;
	[tilespmem:$0x10280] =	vst v63  }
0x205: {  	s30 =	sand.u32 $0x1FFFFFF0, s31;
	s31 =	spop (v2sf);
	s28 =	sadd.s32 s3, s25  }
0x206: {  	(v2sf) =	vpush v1, $0xD;
	[tilespmem:s26], [sflag:$0x2] =	stream.linear.gather [hbm4b:s28+s2], $0x80, $0x38;
	[tilespmem:$0x10280] =	vst v63  }
0x207: {  	s13 =	sadd.s32 s3, s30;
	s18 =	sand.u32 $0x1FFFFFF0, s31;
	s29 =	spop (v2sf)  }
0x208: {  	(v2sf) =	vpush v1, $0xE;
	[tilespmem:s8], [sflag:$0x2] =	stream.linear.gather [hbm4b:s13+s2], $0x80, $0x38;
	[tilespmem:$0x10280] =	vst v63  }
0x209: {  	s18 =	sadd.s32 s3, s18;
	s30 =	sand.u32 $0x1FFFFFF0, s29;
	s31 =	spop (v2sf)  }
0x20a: {  	(v2sf) =	vpush v1, $0xF;
	[tilespmem:s5], [sflag:$0x2] =	stream.linear.gather [hbm4b:s18+s2], $0x80, $0x38;
	[tilespmem:$0x10280] =	vst v63  }
0x20b: {  	s24 =	sand.u32 $0x1FFFFFF0, s31;
	s25 =	spop (v2sf);
	s8 =	sadd.s32 s3, s30  }
0x20c: {  	[tilespmem:s12], [sflag:$0x2] =	stream.linear.gather [hbm4b:s8+s2], $0x80, $0x38;
	[tilespmem:$0x10280] =	vst v63  }
0x20d: {  	s26 =	sand.u32 $0x1FFFFFF0, s25;
	s5 =	sadd.s32 s3, s24;
	s28 =	spop (v2sf)  }
0x20e: {  	[tilespmem:s1], [sflag:$0x2] =	stream.linear.gather [hbm4b:s5+s2], $0x80, $0x38;
	[tilespmem:$0x10280] =	vst v63  }
0x20f: {  	s8 =	sadd.s32 s3, s26;
	s29 =	sand.u32 $0x1FFFFFF0, s28;
	s30 =	spop (v2sf)  }
0x210: {  	[tilespmem:s6], [sflag:$0x2] =	stream.linear.gather [hbm4b:s8+s2], $0x80, $0x38;
	[tilespmem:$0x10280] =	vst v63  }
0x211: {  	s5 =	sand.u32 $0x1FFFFFF0, s30;
	s1 =	sadd.s32 s3, s29;
	s31 =	spop (v2sf)  }
0x212: {  	[tilespmem:s0], [sflag:$0x2] =	stream.linear.gather [hbm4b:s1+s2], $0x80, $0x38;
	[tilespmem:$0x10280] =	vst v63  }
0x213: {  	s5 =	sadd.s32 s3, s5;
	s8 =	sand.u32 $0x1FFFFFF0, s31;
	s12 =	spop (v2sf)  }
0x214: {  	[tilespmem:s7], [sflag:$0x2] =	stream.linear.gather [hbm4b:s5+s2], $0x80, $0x38;
	[tilespmem:$0x10280] =	vst v63  }
0x215: {  	s0 =	sadd.s32 s3, s8;
	s1 =	sand.u32 $0x1FFFFFF0, s12;
	s13 =	spop (v2sf)  }
0x216: {  	[tilespmem:s23], [sflag:$0x2] =	stream.linear.gather [hbm4b:s0+s2], $0x80, $0x38;
	[tilespmem:$0x10280] =	vst v63  }
0x217: {  	s18 =	sand.u32 $0x1FFFFFF0, s13;
	s1 =	sadd.s32 s3, s1;
	s23 =	spop (v2sf)  }
0x218: {  	[tilespmem:s21], [sflag:$0x2] =	stream.linear.gather [hbm4b:s1+s2], $0x80, $0x38;
	[tilespmem:$0x10280] =	vst v63  }
0x219: {  	s0 =	sadd.s32 s3, s18;
	s24 =	sand.u32 $0x1FFFFFF0, s23;
	s25 =	spop (v2sf)  }
0x21a: {  	[tilespmem:s22], [sflag:$0x2] =	stream.linear.gather [hbm4b:s0+s2], $0x80, $0x38;
	[tilespmem:$0x10280] =	vst v63  }
0x21b: {  	s28 =	sadd.s32 $0xC900, s20;
	s26 =	sand.u32 $0x1FFFFFF0, s25;
	s1 =	sadd.s32 s3, s24  }
0x21c: {  	[tilespmem:s28], [sflag:$0x2] =	stream.linear.gather [hbm4b:s1+s2], $0x80, $0x38;
	[tilespmem:$0x10280] =	vst v63  }
0x21d: {  	s29 =	sadd.s32 $0xC980, s20;
	s0 =	sadd.s32 s3, s26  }
0x21e: {  	[tilespmem:s29], [sflag:$0x2] =	stream.linear.gather [hbm4b:s0+s2], $0x80, $0x38;
	[tilespmem:$0x10280] =	vst v63  }
0x21f: {  	s30 =	rddreg [dreg:$0x6];
	s31 =	simm.s32 $0x4200  }
0x220: {  	[tilespmem:s31], [sflag:$0x4] =	stream.linear.gather [hbm4b:s30+s2], $0x4000, $0x38;
	[tilespmem:$0x10280] =	vst v63  }
0x221: {  	_ =	swait.ge [sflag:s14], $0x80  }
0x222: {  	s0 =	simm.s32 $0x7F;
	[sflag:s14] =	ssyncset.done $0x0  }
.LBB2_18:
0x223: {  	p0 =	sne.s32 s0, $0x1;
	s0 =	sadd.s32 $0xFFFFFFFF, s0;
	[sflag:s14] =	ssyncadd.s32 $0xFFFFFF80  }
.Ltmp8:
0x224: {  	(pc) =	sbr.rel @p0 .LBB2_18-.Ltmp8, $3  }
0x225: {  	_ =	sdelay $0x1  }
0x226: {  	_ =	swait.ge [sflag:s14], $0x80  }
0x227: {  	[sflag:s14] =	ssyncset.done $0x0  }
0x228: {  	[sflag:s14] =	ssyncadd.s32 $0xFFFFFF80  }
0x229: {  	_ =	swait.ge [sflag:s15], $0x4000  }
0x22a: {  	[sflag:s15] =	ssyncset.done $0x0  }
0x22b: {  	s0 =	simm.s32 $0x0;
	[sflag:s15] =	ssyncadd.s32 $0xFFFFC000  }
0x22c: {  	v1 =	vld [tilespmem:s0+$0x200]  }
0x22d: {  	v2 =	vld [tilespmem:s0+$0x8200]  }
0x22e: {  	v3 =	vld [tilespmem:s0+$0x210]  }
0x22f: {  	v4 =	vld [tilespmem:s0+$0x8210]  }
0x230: {  	v5 =	vld [tilespmem:s0+$0x220]  }
0x231: {  	v6 =	vld [tilespmem:s0+$0x8220]  }
0x232: {  	v7 =	vld [tilespmem:s0+$0x8230];
	v1 =	vsub.f32 v1, v2  }
0x233: {  	v2 =	vld [tilespmem:s0+$0x230]  }
0x234: {  	v8 =	vld [tilespmem:s0+$0x8280];
	v3 =	vsub.f32 v3, v4;
	v1 =	vmul.f32 v1, v1  }
0x235: {  	v4 =	vld [tilespmem:s0+$0x280]  }
0x236: {  	v9 =	vld [tilespmem:s0+$0x290];
	v0 =	vadd.f32 v1, v0;
	v1 =	vmul.f32 v3, v3;
	v3 =	vsub.f32 v5, v6  }
0x237: {  	v10 =	vld [tilespmem:s0+$0x8290]  }
0x238: {  	v2 =	vsub.f32 v2, v7;
	v1 =	vadd.f32 v1, v0;
	v5 =	vmul.f32 v3, v3;
	v0 =	vld [tilespmem:s0+$0x2A0]  }
0x239: {  	v3 =	vld [tilespmem:s0+$0x82A0]  }
0x23a: {  	v7 =	vsub.f32 v4, v8;
	v4 =	vld [tilespmem:s0+$0x82B0];
	v6 =	vmul.f32 v2, v2;
	v5 =	vadd.f32 v5, v1  }
0x23b: {  	s20 =	simm.s32 $0x100;
	v1 =	vld [tilespmem:s0+$0x2B0]  }
0x23c: {  	s21 =	simm.s32 $0x800;
	v2 =	vld [tilespmem:s20+$0x200];
	v5 =	vadd.f32 v6, v5;
	v6 =	vmul.f32 v7, v7;
	v7 =	vsub.f32 v9, v10  }
.LBB2_20:
0x23d: {  	p0 =	sne.s32 s21, $0xFC00;
	v8 =	vld [tilespmem:s20+$0x8200]  }
0x23e: {  	v9 =	vld [tilespmem:s20+$0x210];
	v5 =	vadd.f32 v6, v5;
	v6 =	vmul.f32 v7, v7;
	v0 =	vsub.f32 v0, v3  }
0x23f: {  	v3 =	vld [tilespmem:s20+$0x8210]  }
0x240: {  	v7 =	vld [tilespmem:s20+$0x220];
	v5 =	vadd.f32 v6, v5;
	v0 =	vmul.f32 v0, v0;
	v1 =	vsub.f32 v1, v4  }
0x241: {  	v4 =	vld [tilespmem:s20+$0x8220]  }
0x242: {  	v2 =	vsub.f32 v2, v8;
	v6 =	vld [tilespmem:s20+$0x230];
	v0 =	vadd.f32 v0, v5;
	v1 =	vmul.f32 v1, v1  }
0x243: {  	v5 =	vld [tilespmem:s20+$0x8230]  }
0x244: {  	v2 =	vmul.f32 v2, v2;
	v3 =	vsub.f32 v9, v3;
	v8 =	vld [tilespmem:s20+$0x280];
	v0 =	vadd.f32 v1, v0  }
0x245: {  	v1 =	vld [tilespmem:s20+$0x8280]  }
0x246: {  	v0 =	vadd.f32 v2, v0;
	v2 =	vmul.f32 v3, v3;
	v3 =	vsub.f32 v7, v4;
	v7 =	vld [tilespmem:s20+$0x290]  }
0x247: {  	v9 =	vld [tilespmem:s20+$0x8290]  }
.Ltmp9:
0x248: {  	v2 =	vadd.f32 v2, v0;
	v4 =	vmul.f32 v3, v3;
	v5 =	vsub.f32 v6, v5;
	v0 =	vld [tilespmem:s20+$0x2A0];
	(pc) =	sbr.rel @p0 .LBB2_20-.Ltmp9, $4  }
0x249: {  	v3 =	vld [tilespmem:s20+$0x82A0]  }
0x24a: {  	v6 =	vadd.f32 v4, v2;
	v5 =	vmul.f32 v5, v5;
	v8 =	vsub.f32 v8, v1;
	v1 =	vld [tilespmem:s20+$0x2B0]  }
0x24b: {  	v4 =	vld [tilespmem:s20+$0x82B0];
	s20 =	sshra.s32 s21, $0x2  }
0x24c: {  	s21 =	sadd.s32 $0x400, s21;
	v2 =	vld [tilespmem:s20+$0x200];
	v5 =	vadd.f32 v5, v6;
	v6 =	vmul.f32 v8, v8;
	v7 =	vsub.f32 v7, v9  }
0x24d: {  	v8 =	vld [tilespmem:s20+$0x8200]  }
0x24e: {  	v9 =	vld [tilespmem:s20+$0x210];
	v5 =	vadd.f32 v6, v5;
	v53 =	vmul.f32 v7, v7;
	v0 =	vsub.f32 v0, v3  }
0x24f: {  	v3 =	vld [tilespmem:s20+$0x8210]  }
0x250: {  	v54 =	vld [tilespmem:s20+$0x220];
	v5 =	vadd.f32 v53, v5;
	v0 =	vmul.f32 v0, v0;
	v1 =	vsub.f32 v1, v4  }
0x251: {  	v55 =	vld [tilespmem:s20+$0x8220]  }
0x252: {  	v56 =	vld [tilespmem:s20+$0x230];
	v2 =	vsub.f32 v2, v8;
	v0 =	vadd.f32 v0, v5;
	v1 =	vmul.f32 v1, v1  }
0x253: {  	v57 =	vld [tilespmem:s20+$0x8230]  }
0x254: {  	v58 =	vld [tilespmem:s20+$0x280];
	v3 =	vsub.f32 v9, v3;
	v2 =	vmul.f32 v2, v2;
	v0 =	vadd.f32 v1, v0  }
0x255: {  	v1 =	vld [tilespmem:s20+$0x8280]  }
0x256: {  	v59 =	vld [tilespmem:s20+$0x290];
	v0 =	vadd.f32 v2, v0;
	v2 =	vmul.f32 v3, v3;
	v3 =	vsub.f32 v54, v55  }
0x257: {  	v60 =	vld [tilespmem:s20+$0x8290]  }
0x258: {  	v61 =	vld [tilespmem:s20+$0x2A0];
	v0 =	vadd.f32 v2, v0;
	v2 =	vmul.f32 v3, v3;
	v3 =	vsub.f32 v56, v57  }
0x259: {  	v62 =	vld [tilespmem:s20+$0x82A0]  }
0x25a: {  	v63 =	vld [tilespmem:s20+$0x82B0];
	v1 =	vsub.f32 v58, v1;
	v0 =	vadd.f32 v2, v0;
	v2 =	vmul.f32 v3, v3  }
0x25b: {  	v3 =	vld [tilespmem:s20+$0x2B0]  }
0x25c: {  	v1 =	vmul.f32 v1, v1;
	v0 =	vadd.f32 v2, v0;
	v2 =	vsub.f32 v59, v60;
	_ =	sdelay $0x1  }
0x25d: {  	v0 =	vadd.f32 v1, v0;
	v1 =	vmul.f32 v2, v2;
	v2 =	vsub.f32 v61, v62;
	_ =	sdelay $0x1  }
0x25e: {  	v0 =	vadd.f32 v1, v0;
	v1 =	vmul.f32 v2, v2;
	v2 =	vsub.f32 v3, v63;
	_ =	sdelay $0x1  }
0x25f: {  	v0 =	vadd.f32 v1, v0;
	v1 =	vmul.f32 v2, v2  }
0x260: {  	_ =	swait.ge [sflag:s16], $0x80  }
0x261: {  	s0 =	simm.s32 $0x7F;
	[sflag:s16] =	ssyncset.done $0x0;
	v0 =	vadd.f32 v1, v0  }
.LBB2_22:
0x262: {  	p0 =	sne.s32 s0, $0x1;
	s0 =	sadd.s32 $0xFFFFFFFF, s0;
	[sflag:s16] =	ssyncadd.s32 $0xFFFFFF80  }
.Ltmp10:
0x263: {  	(pc) =	sbr.rel @p0 .LBB2_22-.Ltmp10, $3  }
0x264: {  	_ =	sdelay $0x1  }
0x265: {  	_ =	swait.ge [sflag:s16], $0x80  }
0x266: {  	[sflag:s16] =	ssyncset.done $0x0  }
0x267: {  	[sflag:s16] =	ssyncadd.s32 $0xFFFFFF80  }
0x268: {  	_ =	swait.ge [sflag:s17], $0x4000  }
0x269: {  	[sflag:s17] =	ssyncset.done $0x0  }
0x26a: {  	s0 =	simm.s32 $0x0;
	[sflag:s17] =	ssyncadd.s32 $0xFFFFC000  }
0x26b: {  	v1 =	vld [tilespmem:s0+$0x4200]  }
0x26c: {  	v2 =	vld [tilespmem:s0+$0xC200]  }
0x26d: {  	v3 =	vld [tilespmem:s0+$0x4210]  }
0x26e: {  	v4 =	vld [tilespmem:s0+$0xC210]  }
0x26f: {  	v5 =	vld [tilespmem:s0+$0x4220]  }
0x270: {  	v6 =	vld [tilespmem:s0+$0xC220]  }
0x271: {  	v7 =	vld [tilespmem:s0+$0xC230];
	v1 =	vsub.f32 v1, v2  }
0x272: {  	v2 =	vld [tilespmem:s0+$0x4230]  }
0x273: {  	v8 =	vld [tilespmem:s0+$0xC280];
	v3 =	vsub.f32 v3, v4;
	v1 =	vmul.f32 v1, v1  }
0x274: {  	v4 =	vld [tilespmem:s0+$0x4280]  }
0x275: {  	v9 =	vld [tilespmem:s0+$0x4290];
	v0 =	vadd.f32 v1, v0;
	v1 =	vmul.f32 v3, v3;
	v3 =	vsub.f32 v5, v6  }
0x276: {  	v10 =	vld [tilespmem:s0+$0xC290]  }
0x277: {  	v2 =	vsub.f32 v2, v7;
	v1 =	vadd.f32 v1, v0;
	v5 =	vmul.f32 v3, v3;
	v0 =	vld [tilespmem:s0+$0x42A0]  }
0x278: {  	v3 =	vld [tilespmem:s0+$0xC2A0]  }
0x279: {  	v7 =	vsub.f32 v4, v8;
	v4 =	vld [tilespmem:s0+$0xC2B0];
	v6 =	vmul.f32 v2, v2;
	v5 =	vadd.f32 v5, v1  }
0x27a: {  	s20 =	simm.s32 $0x100;
	v1 =	vld [tilespmem:s0+$0x42B0]  }
0x27b: {  	s21 =	simm.s32 $0x800;
	v2 =	vld [tilespmem:s20+$0x4200];
	v5 =	vadd.f32 v6, v5;
	v6 =	vmul.f32 v7, v7;
	v7 =	vsub.f32 v9, v10  }
.LBB2_24:
0x27c: {  	p0 =	sne.s32 s21, $0xFC00;
	v8 =	vld [tilespmem:s20+$0xC200]  }
0x27d: {  	v9 =	vld [tilespmem:s20+$0x4210];
	v5 =	vadd.f32 v6, v5;
	v6 =	vmul.f32 v7, v7;
	v0 =	vsub.f32 v0, v3  }
0x27e: {  	v3 =	vld [tilespmem:s20+$0xC210]  }
0x27f: {  	v7 =	vld [tilespmem:s20+$0x4220];
	v5 =	vadd.f32 v6, v5;
	v0 =	vmul.f32 v0, v0;
	v1 =	vsub.f32 v1, v4  }
0x280: {  	v4 =	vld [tilespmem:s20+$0xC220]  }
0x281: {  	v2 =	vsub.f32 v2, v8;
	v6 =	vld [tilespmem:s20+$0x4230];
	v0 =	vadd.f32 v0, v5;
	v1 =	vmul.f32 v1, v1  }
0x282: {  	v5 =	vld [tilespmem:s20+$0xC230]  }
0x283: {  	v2 =	vmul.f32 v2, v2;
	v3 =	vsub.f32 v9, v3;
	v8 =	vld [tilespmem:s20+$0x4280];
	v0 =	vadd.f32 v1, v0  }
0x284: {  	v1 =	vld [tilespmem:s20+$0xC280]  }
0x285: {  	v0 =	vadd.f32 v2, v0;
	v2 =	vmul.f32 v3, v3;
	v3 =	vsub.f32 v7, v4;
	v7 =	vld [tilespmem:s20+$0x4290]  }
0x286: {  	v9 =	vld [tilespmem:s20+$0xC290]  }
.Ltmp11:
0x287: {  	v2 =	vadd.f32 v2, v0;
	v4 =	vmul.f32 v3, v3;
	v5 =	vsub.f32 v6, v5;
	v0 =	vld [tilespmem:s20+$0x42A0];
	(pc) =	sbr.rel @p0 .LBB2_24-.Ltmp11, $4  }
0x288: {  	v3 =	vld [tilespmem:s20+$0xC2A0]  }
0x289: {  	v6 =	vadd.f32 v4, v2;
	v5 =	vmul.f32 v5, v5;
	v8 =	vsub.f32 v8, v1;
	v1 =	vld [tilespmem:s20+$0x42B0]  }
0x28a: {  	v4 =	vld [tilespmem:s20+$0xC2B0];
	s20 =	sshra.s32 s21, $0x2  }
0x28b: {  	s21 =	sadd.s32 $0x400, s21;
	v2 =	vld [tilespmem:s20+$0x4200];
	v5 =	vadd.f32 v5, v6;
	v6 =	vmul.f32 v8, v8;
	v7 =	vsub.f32 v7, v9  }
0x28c: {  	v8 =	vld [tilespmem:s20+$0xC200]  }
0x28d: {  	v9 =	vld [tilespmem:s20+$0x4210];
	v5 =	vadd.f32 v6, v5;
	v39 =	vmul.f32 v7, v7;
	v0 =	vsub.f32 v0, v3  }
0x28e: {  	v40 =	vld [tilespmem:s20+$0xC210]  }
0x28f: {  	v41 =	vld [tilespmem:s20+$0x4220];
	v5 =	vadd.f32 v39, v5;
	v0 =	vmul.f32 v0, v0;
	v1 =	vsub.f32 v1, v4  }
0x290: {  	v42 =	vld [tilespmem:s20+$0xC220]  }
0x291: {  	v43 =	vld [tilespmem:s20+$0x4230];
	v2 =	vsub.f32 v2, v8;
	v0 =	vadd.f32 v0, v5;
	v1 =	vmul.f32 v1, v1  }
0x292: {  	v44 =	vld [tilespmem:s20+$0xC230]  }
0x293: {  	v45 =	vld [tilespmem:s20+$0x4280];
	v3 =	vsub.f32 v9, v40;
	v2 =	vmul.f32 v2, v2;
	v0 =	vadd.f32 v1, v0  }
0x294: {  	v46 =	vld [tilespmem:s20+$0xC280]  }
0x295: {  	v49 =	vld [tilespmem:s20+$0x4290];
	v48 =	vsub.f32 v41, v42;
	v47 =	vmul.f32 v3, v3;
	v0 =	vadd.f32 v2, v0  }
0x296: {  	v50 =	vld [tilespmem:s20+$0xC290]  }
0x297: {  	v53 =	vld [tilespmem:s20+$0x42A0];
	v52 =	vsub.f32 v43, v44;
	v51 =	vmul.f32 v48, v48;
	v0 =	vadd.f32 v47, v0  }
0x298: {  	v54 =	vld [tilespmem:s20+$0xC2A0]  }
0x299: {  	v56 =	vld [tilespmem:s20+$0x42B0];
	v55 =	vmul.f32 v52, v52;
	v1 =	vsub.f32 v45, v46;
	v0 =	vadd.f32 v51, v0  }
0x29a: {  	v57 =	vld [tilespmem:s20+$0xC2B0]  }
0x29b: {  	v58 =	vsub.f32 v49, v50;
	v1 =	vmul.f32 v1, v1;
	v0 =	vadd.f32 v55, v0;
	_ =	sdelay $0x1  }
0x29c: {  	v60 =	vsub.f32 v53, v54;
	v59 =	vmul.f32 v58, v58;
	v0 =	vadd.f32 v1, v0;
	_ =	sdelay $0x1  }
0x29d: {  	v62 =	vsub.f32 v56, v57;
	v61 =	vmul.f32 v60, v60;
	v0 =	vadd.f32 v59, v0;
	_ =	sdelay $0x1  }
0x29e: {  	v63 =	vmul.f32 v62, v62;
	v0 =	vadd.f32 v61, v0;
	_ =	sdelay $0x1  }
0x29f: {  	v0 =	vadd.f32 v63, v0;
	_ =	sdelay $0x1  }
0x2a0: {  	s19 =	sadd.s32 $0x1, s19;
	v0 =	vmul.f32 $3.051757810e-05, v0  }
0x2a1: {  	p0 =	sne.s32 s19, s10  }
.Ltmp12:
0x2a2: {  	s0 =	simm.s32 $0x10200;
	[tilespmem:$0x10200] =	vst v0;
	(pc) =	sbr.rel @p0 .LBB2_1-.Ltmp12, $4  }
0x2a3: {  	[hbm4b:s9+s2] =	stream.linear.scatter [tilespmem:s0], [sflag:$0x5], $0x80, $0x38;
	[tilespmem:$0x10280] =	vst v63  }
0x2a4: {  	_ =	swait.ge [sflag:s11], $0x80  }
0x2a5: {  	[sflag:s11] =	ssyncset.done $0x0  }
0x2a6: {  	[sflag:s11] =	ssyncadd.s32 $0xFFFFFF80  }
0x2a7: {  	_ =	sfence.sel $0x180000  }
0x2a8: {  	[bflag:$0x0] =	sbarrier.arrive $0xFFFF  }
0x2a9: {  	_ =	strace $0x90000047  }
0x2aa: {  	s0 =	stileid.u32;
	[bflag:$0x2] =	sbarrier.arrive $0xFFFF  }
0x2ab: {  	p0 =	sne.s32 s0, $0x0;
	s0 =	rddreg [dreg:$0x2]  }
0x2ac: {  	s0 =	sadd.s32 @!p0 $0x100000, s0  }
0x2ad: {  	[sflag:s0] =	ssyncadd.tile.s32 @!p0 $0x1;
	_ =	shalt  }
.Lfunc_end2:
_tile_overlayer_lowered:
.L_overlay_start_2:
0x2ae: {  	(tag) =	ssettag $0x2  }
0x2af: {  	s0 =	rddreg [dreg:$0x0];
	s2 =	stileid.u32  }
0x2b0: {  	s1 =	rddreg [dreg:$0x1];
	p0 =	sne.s32 s2, $0x0  }
0x2b1: {  	s3 =	rddreg [dreg:$0x2];
	[bflag:$0x3] =	sbarrier.arrive $0xFFFF;
	s2 =	simm.s32 @!p0 $0x1C05  }
0x2b2: {  	[timem:s3], [sflag:s2] =	dma.local @!p0 [hbm:s0], s1  }
0x2b3: {  	s0 =	simm.s32 @!p0 $0x5  }
0x2b4: {  	_ =	swait.ge @!p0 [sflag:s0], s1  }
0x2b5: {  	s1 =	ssub.s32 @!p0 $0x0, s1;
	[sflag:s0] =	ssyncset.done @!p0 $0x0  }
0x2b6: {  	[sflag:s0] =	ssyncadd.s32 @!p0 s1  }
0x2b7: {  	[bflag:$0x3] =	sbarrier.arrive $0xFFFF  }
0x2b8: {  	_ =	shalt  }

</sc_bundles>
